<compile_context>
chip_gen: v7x
topology: tpu7x:2x2x1
jax: 0.10.2.dev20260603
libtpu: 0.0.44.dev20260713+nightly
codegen_flags: <defaults>
</compile_context>

<pallas_src>
import functools

import jax
import jax.numpy as jnp
from jax import lax
from jax.experimental import pallas as pl
from jax.experimental.pallas import tpu as pltpu
from jax.experimental.pallas import tpu_sc as plsc

_DIM = 2048
_E = 16
_K = 2
_NTOK = 16384
_NFLAT = _NTOK * _K

_BM = 1024
_NSUB = 16
_TOK_PER_TILE = _NTOK // _NSUB
_ROWS = 16


def _gate_body(x_ref, w_ref, b_ref, s1_ref, s2_ref, e1_ref, e2_ref, h_ref):
    x = x_ref[...]
    w = w_ref[...]
    b = b_ref[...]
    z = jnp.dot(x, w, preferred_element_type=jnp.float32) + b
    zt = z.T
    rows = lax.broadcasted_iota(jnp.int32, zt.shape, 0)
    m1 = jnp.max(zt, axis=0)
    a1 = jnp.min(jnp.where(zt == m1[None, :], rows, _E), axis=0).astype(jnp.int32)
    z2 = jnp.where(rows == a1[None, :], -jnp.inf, zt)
    m2 = jnp.max(z2, axis=0)
    a2 = jnp.min(jnp.where(z2 == m2[None, :], rows, _E), axis=0).astype(jnp.int32)
    t = jnp.exp(m2 - m1)
    s1 = 1.0 / (1.0 + t)
    s1_ref[...] = s1
    s2_ref[...] = t * s1
    e1_ref[...] = a1
    e2_ref[...] = a2
    onehot = (rows == a1[None, :]).astype(jnp.int32) + (
        rows == a2[None, :]
    ).astype(jnp.int32)
    h1 = jnp.sum(onehot[:, : _BM // 2], axis=1)
    h2 = jnp.sum(onehot[:, _BM // 2 :], axis=1)
    h_ref[...] = jnp.stack([h1, h2])[None]


def _gate(x, W, b2d):
    grid = (_NTOK // _BM,)
    return pl.pallas_call(
        _gate_body,
        grid=grid,
        in_specs=[
            pl.BlockSpec((_BM, _DIM), lambda i: (i, 0)),
            pl.BlockSpec((_DIM, _E), lambda i: (0, 0)),
            pl.BlockSpec((1, _E), lambda i: (0, 0)),
        ],
        out_specs=[
            pl.BlockSpec((_BM,), lambda i: (i,)),
            pl.BlockSpec((_BM,), lambda i: (i,)),
            pl.BlockSpec((_BM,), lambda i: (i,)),
            pl.BlockSpec((_BM,), lambda i: (i,)),
            pl.BlockSpec((1, 2, _E), lambda i: (i, 0, 0)),
        ],
        out_shape=[
            jax.ShapeDtypeStruct((_NTOK,), jnp.float32),
            jax.ShapeDtypeStruct((_NTOK,), jnp.float32),
            jax.ShapeDtypeStruct((_NTOK,), jnp.int32),
            jax.ShapeDtypeStruct((_NTOK,), jnp.int32),
            jax.ShapeDtypeStruct((_NTOK // _BM, 2, _E), jnp.int32),
        ],
    )(x, W, b2d)


def _route_body(
    e1_hbm, e2_hbm, s1_hbm, s2_hbm, h_hbm,
    oscore_hbm, otok_hbm, ocnt_hbm,
    e1_v, e2_v, s1_v, s2_v,
    ptra_v, ptrb_v, cnt_v, histmat_v,
    pos_v, val_v, tok_v,
    sc_sh, tk_sh, drain_f, drain_i, sem,
):
    wid = lax.axis_index("s")
    tbase = wid * _TOK_PER_TILE
    in_copies = [
        pltpu.async_copy(e1_hbm.at[pl.ds(tbase, _TOK_PER_TILE)], e1_v, sem),
        pltpu.async_copy(e2_hbm.at[pl.ds(tbase, _TOK_PER_TILE)], e2_v, sem),
        pltpu.async_copy(s1_hbm.at[pl.ds(tbase, _TOK_PER_TILE)], s1_v, sem),
        pltpu.async_copy(s2_hbm.at[pl.ds(tbase, _TOK_PER_TILE)], s2_v, sem),
        pltpu.async_copy(h_hbm, histmat_v, sem),
    ]
    for c in in_copies:
        c.wait()

    total = jnp.zeros((_E,), jnp.int32)
    prefix = jnp.zeros((_E,), jnp.int32)
    hfirst = jnp.zeros((_E,), jnp.int32)
    for w in range(_NSUB):
        ha = histmat_v[w, 0]
        hb = histmat_v[w, 1]
        h = ha + hb
        total = total + h
        prefix = prefix + h * (jnp.int32(w) < wid).astype(jnp.int32)
        hfirst = hfirst + ha * (jnp.int32(w) == wid).astype(jnp.int32)
    incl = plsc.cumsum(total)
    start = (incl - total) + prefix
    ptra_v[...] = start
    ptrb_v[...] = start + hfirst

    @pl.when(wid == 0)
    def _():
        cnt_v[...] = total
        pltpu.sync_copy(cnt_v, ocnt_hbm)

    iota = lax.iota(jnp.int32, 16)
    half = iota >> 1
    parity = (iota & 1) == 1

    def _row_loop(r, c):
        for h in range(8):
            for rr, ptr_v in ((r, ptra_v), (r + _ROWS // 2, ptrb_v)):
                tok_idx = rr * 64 + h * 8 + half
                ea = plsc.load_gather(e1_v, [tok_idx])
                eb = plsc.load_gather(e2_v, [tok_idx])
                ev = jnp.where(parity, eb, ea)
                occ, last = plsc.scan_count(ev)
                base = plsc.load_gather(ptr_v, [ev])
                pos = base + occ - 1
                plsc.store_scatter(ptr_v, [ev], pos + 1, mask=last)
                sa = plsc.load_gather(s1_v, [tok_idx])
                sb = plsc.load_gather(s2_v, [tok_idx])
                sv = jnp.where(parity, sb, sa)
                pos_v[rr, pl.ds(h * 16, 16)] = pos
                val_v[rr, pl.ds(h * 16, 16)] = sv
                tok_v[rr, pl.ds(h * 16, 16)] = tbase + tok_idx
        return c

    lax.fori_loop(0, _ROWS // 2, _row_loop, 0)

    copies = []
    for r in range(_ROWS):
        copies.append(pltpu.async_copy(val_v.at[r], sc_sh.at[pos_v.at[r]], sem))
        copies.append(pltpu.async_copy(tok_v.at[r], tk_sh.at[pos_v.at[r]], sem))
    for c in copies:
        c.wait()
    plsc.subcore_barrier()
    obase = wid * (2 * _TOK_PER_TILE)
    d1 = pltpu.async_copy(sc_sh.at[pl.ds(obase, 2 * _TOK_PER_TILE)], drain_f, sem)
    d2 = pltpu.async_copy(tk_sh.at[pl.ds(obase, 2 * _TOK_PER_TILE)], drain_i, sem)
    d1.wait()
    d2.wait()
    d3 = pltpu.async_copy(drain_f, oscore_hbm.at[pl.ds(obase, 2 * _TOK_PER_TILE)], sem)
    d4 = pltpu.async_copy(drain_i, otok_hbm.at[pl.ds(obase, 2 * _TOK_PER_TILE)], sem)
    d3.wait()
    d4.wait()


@functools.cache
def _make_route():
    return pl.kernel(
        _route_body,
        out_type=[
            jax.ShapeDtypeStruct((_NFLAT,), jnp.float32),
            jax.ShapeDtypeStruct((_NFLAT,), jnp.int32),
            jax.ShapeDtypeStruct((_E,), jnp.int32),
        ],
        mesh=plsc.VectorSubcoreMesh(
            core_axis_name="c", subcore_axis_name="s", num_cores=1
        ),
        compiler_params=pltpu.CompilerParams(needs_layout_passes=False),
        scratch_types=[
            pltpu.VMEM((_TOK_PER_TILE,), jnp.int32),
            pltpu.VMEM((_TOK_PER_TILE,), jnp.int32),
            pltpu.VMEM((_TOK_PER_TILE,), jnp.float32),
            pltpu.VMEM((_TOK_PER_TILE,), jnp.float32),
            pltpu.VMEM((_E,), jnp.int32),
            pltpu.VMEM((_E,), jnp.int32),
            pltpu.VMEM((_E,), jnp.int32),
            pltpu.VMEM((_NSUB, 2, _E), jnp.int32),
            pltpu.VMEM((_ROWS, 128), jnp.int32),
            pltpu.VMEM((_ROWS, 128), jnp.float32),
            pltpu.VMEM((_ROWS, 128), jnp.int32),
            pltpu.VMEM_SHARED((_NFLAT,), jnp.float32),
            pltpu.VMEM_SHARED((_NFLAT,), jnp.int32),
            pltpu.VMEM((2 * _TOK_PER_TILE,), jnp.float32),
            pltpu.VMEM((2 * _TOK_PER_TILE,), jnp.int32),
            pltpu.SemaphoreType.DMA,
        ],
    )


def kernel(x, W, b):
    s1, s2, e1, e2, hist = _gate(x, W, b.reshape(1, _E))
    top_scores_sorted, token_indices, num_tokens_per_expert = _make_route()(
        e1, e2, s1, s2, hist
    )
    return (top_scores_sorted, token_indices, num_tokens_per_expert)

# --- scband reference (transcript-rebuilt; emitter-appended) ---
"""Pipeline reference for scband-token-choice-top-krouter-52802327937613 (READ-ONLY COPY).

The authoritative reference and input builder live on the scoring server;
editing this copy changes nothing except your own understanding.
"""

import jax, jax.numpy as jnp
import numpy as np

DIM = 2048
NUM_EXPERTS = 16
TOP_K = 2
NTOK = 16384  # bs*slen = 4*4096


def setup_inputs(seed: int = 0) -> dict:
    key = jax.random.key(seed)
    k1, k2, k3 = jax.random.split(key, 3)
    x = jax.random.normal(k1, (NTOK, DIM), dtype=jnp.float32)
    # gate = nn.Linear(dim, num_experts): weight [E, DIM] in torch; use W [DIM, E] for x @ W
    W = jax.random.normal(k2, (DIM, NUM_EXPERTS), dtype=jnp.float32) * 0.02
    b = jax.random.normal(k3, (NUM_EXPERTS,), dtype=jnp.float32) * 0.02
    return {"x": x, "W": W, "b": b}


def reference(x, W, b):
    # gate
    scores = x @ W + b
    # softmax=True branch, computed in float32 then cast back
    scores = jax.nn.softmax(scores.astype(jnp.float32), axis=1).astype(x.dtype)
    # top-k over experts per token
    top_scores, selected_experts_indices = jax.lax.top_k(scores, TOP_K)
    # norm_topk_prob=True
    top_scores = top_scores / jnp.sum(top_scores, axis=-1, keepdims=True).astype(x.dtype)
    sel_flat = selected_experts_indices.reshape(-1)
    # torch.histc(ints, bins=E, min=0, max=E) == bincount for values in [0, E)
    num_tokens_per_expert = jnp.bincount(sel_flat, length=NUM_EXPERTS)
    # stable argsort of expert ids groups tokens by expert
    token_indices_experts_sorted = jnp.argsort(sel_flat, stable=True)
    top_scores_sorted = top_scores.reshape(-1)[token_indices_experts_sorted]
    token_indices = token_indices_experts_sorted // TOP_K
    return (top_scores_sorted, token_indices, num_tokens_per_expert)

if __name__ == "__main__":
    import jax
    _d = setup_inputs()
    print(jax.jit(kernel)(*tuple(_d.values())))

</pallas_src>

<mosaic_0001>
#map = affine_map<(d0, d1) -> (0)>
#map1 = affine_map<(d0, d1) -> (0, 0, 0)>
module attributes {stable_mosaic.version = 14 : i64} {
  func.func @_route_body(%arg0: i32, %arg1: i32, %arg2: memref<16384xi32, #tpu.memory_space<hbm>>, %arg3: memref<16384xi32, #tpu.memory_space<hbm>>, %arg4: memref<16384xf32, #tpu.memory_space<hbm>>, %arg5: memref<16384xf32, #tpu.memory_space<hbm>>, %arg6: memref<16x2x16xi32, #tpu.memory_space<hbm>>, %arg7: memref<32768xf32, #tpu.memory_space<hbm>>, %arg8: memref<32768xi32, #tpu.memory_space<hbm>>, %arg9: memref<16xi32, #tpu.memory_space<hbm>>, %arg10: memref<1024xi32, #tpu.memory_space<vmem>>, %arg11: memref<1024xi32, #tpu.memory_space<vmem>>, %arg12: memref<1024xf32, #tpu.memory_space<vmem>>, %arg13: memref<1024xf32, #tpu.memory_space<vmem>>, %arg14: memref<16xi32, #tpu.memory_space<vmem>>, %arg15: memref<16xi32, #tpu.memory_space<vmem>>, %arg16: memref<16xi32, #tpu.memory_space<vmem>>, %arg17: memref<16x2x16xi32, #tpu.memory_space<vmem>>, %arg18: memref<16x128xi32, #tpu.memory_space<vmem>>, %arg19: memref<16x128xf32, #tpu.memory_space<vmem>>, %arg20: memref<16x128xi32, #tpu.memory_space<vmem>>, %arg21: memref<32768xf32, #tpu.memory_space<vmem_shared>>, %arg22: memref<32768xi32, #tpu.memory_space<vmem_shared>>, %arg23: memref<2048xf32, #tpu.memory_space<vmem>>, %arg24: memref<2048xi32, #tpu.memory_space<vmem>>, %arg25: memref<!tpu.dma_semaphore, #tpu.memory_space<semaphore_mem>>) attributes {dimension_semantics = [#tpu.dimension_semantics<core_parallel>, #tpu.dimension_semantics<subcore_parallel>], iteration_bounds = array<i64: 1, 16>, scalar_prefetch = 0 : i64, scratch_operands = 16 : i64, tpu.core_type = #tpu.core_type<sc_vector_subcore>, window_params = [{transform_indices = #map}, {transform_indices = #map}, {transform_indices = #map}, {transform_indices = #map}, {transform_indices = #map1}, {transform_indices = #map}, {transform_indices = #map}, {transform_indices = #map}]} {
    %mul3A = arith.constant 1024 : i32
    %mul3A_0 = arith.muli %arg1, %mul3A : i32
    %dma_start3A = tpu.memref_slice %arg2[%mul3A_0] : memref<16384xi32, #tpu.memory_space<hbm>> -> memref<1024xi32, #tpu.memory_space<hbm>>
    %dma_start3A_1 = tpu.memref_slice %arg2[%mul3A_0] : memref<16384xi32, #tpu.memory_space<hbm>> -> memref<1024xi32, #tpu.memory_space<hbm>>
    tpu.enqueue_dma source(%dma_start3A_1 : memref<1024xi32, #tpu.memory_space<hbm>>) target(%arg10 : memref<1024xi32, #tpu.memory_space<vmem>>) target_semaphore(%arg25 : memref<!tpu.dma_semaphore, #tpu.memory_space<semaphore_mem>>)
    %dma_start3A_2 = tpu.memref_slice %arg3[%mul3A_0] : memref<16384xi32, #tpu.memory_space<hbm>> -> memref<1024xi32, #tpu.memory_space<hbm>>
    %dma_start3A_3 = tpu.memref_slice %arg3[%mul3A_0] : memref<16384xi32, #tpu.memory_space<hbm>> -> memref<1024xi32, #tpu.memory_space<hbm>>
    tpu.enqueue_dma source(%dma_start3A_3 : memref<1024xi32, #tpu.memory_space<hbm>>) target(%arg11 : memref<1024xi32, #tpu.memory_space<vmem>>) target_semaphore(%arg25 : memref<!tpu.dma_semaphore, #tpu.memory_space<semaphore_mem>>)
    %dma_start3A_4 = tpu.memref_slice %arg4[%mul3A_0] : memref<16384xf32, #tpu.memory_space<hbm>> -> memref<1024xf32, #tpu.memory_space<hbm>>
    %dma_start3A_5 = tpu.memref_slice %arg4[%mul3A_0] : memref<16384xf32, #tpu.memory_space<hbm>> -> memref<1024xf32, #tpu.memory_space<hbm>>
    tpu.enqueue_dma source(%dma_start3A_5 : memref<1024xf32, #tpu.memory_space<hbm>>) target(%arg12 : memref<1024xf32, #tpu.memory_space<vmem>>) target_semaphore(%arg25 : memref<!tpu.dma_semaphore, #tpu.memory_space<semaphore_mem>>)
    %dma_start3A_6 = tpu.memref_slice %arg5[%mul3A_0] : memref<16384xf32, #tpu.memory_space<hbm>> -> memref<1024xf32, #tpu.memory_space<hbm>>
    %dma_start3A_7 = tpu.memref_slice %arg5[%mul3A_0] : memref<16384xf32, #tpu.memory_space<hbm>> -> memref<1024xf32, #tpu.memory_space<hbm>>
    tpu.enqueue_dma source(%dma_start3A_7 : memref<1024xf32, #tpu.memory_space<hbm>>) target(%arg13 : memref<1024xf32, #tpu.memory_space<vmem>>) target_semaphore(%arg25 : memref<!tpu.dma_semaphore, #tpu.memory_space<semaphore_mem>>)
    tpu.enqueue_dma source(%arg6 : memref<16x2x16xi32, #tpu.memory_space<hbm>>) target(%arg17 : memref<16x2x16xi32, #tpu.memory_space<vmem>>) target_semaphore(%arg25 : memref<!tpu.dma_semaphore, #tpu.memory_space<semaphore_mem>>)
    %dma_wait3A = tpu.memref_slice %arg2[%mul3A_0] : memref<16384xi32, #tpu.memory_space<hbm>> -> memref<1024xi32, #tpu.memory_space<hbm>>
    %dma_wait3A_8 = tpu.memref_slice %arg2[%mul3A_0] : memref<16384xi32, #tpu.memory_space<hbm>> -> memref<1024xi32, #tpu.memory_space<hbm>>
    tpu.wait_dma2 semaphore(%arg25 : memref<!tpu.dma_semaphore, #tpu.memory_space<semaphore_mem>>) src(%dma_wait3A_8 : memref<1024xi32, #tpu.memory_space<hbm>>) dst(%arg10 : memref<1024xi32, #tpu.memory_space<vmem>>)
    %dma_wait3A_9 = tpu.memref_slice %arg3[%mul3A_0] : memref<16384xi32, #tpu.memory_space<hbm>> -> memref<1024xi32, #tpu.memory_space<hbm>>
    %dma_wait3A_10 = tpu.memref_slice %arg3[%mul3A_0] : memref<16384xi32, #tpu.memory_space<hbm>> -> memref<1024xi32, #tpu.memory_space<hbm>>
    tpu.wait_dma2 semaphore(%arg25 : memref<!tpu.dma_semaphore, #tpu.memory_space<semaphore_mem>>) src(%dma_wait3A_10 : memref<1024xi32, #tpu.memory_space<hbm>>) dst(%arg11 : memref<1024xi32, #tpu.memory_space<vmem>>)
    %dma_wait3A_11 = tpu.memref_slice %arg4[%mul3A_0] : memref<16384xf32, #tpu.memory_space<hbm>> -> memref<1024xf32, #tpu.memory_space<hbm>>
    %dma_wait3A_12 = tpu.memref_slice %arg4[%mul3A_0] : memref<16384xf32, #tpu.memory_space<hbm>> -> memref<1024xf32, #tpu.memory_space<hbm>>
    tpu.wait_dma2 semaphore(%arg25 : memref<!tpu.dma_semaphore, #tpu.memory_space<semaphore_mem>>) src(%dma_wait3A_12 : memref<1024xf32, #tpu.memory_space<hbm>>) dst(%arg12 : memref<1024xf32, #tpu.memory_space<vmem>>)
    %dma_wait3A_13 = tpu.memref_slice %arg5[%mul3A_0] : memref<16384xf32, #tpu.memory_space<hbm>> -> memref<1024xf32, #tpu.memory_space<hbm>>
    %dma_wait3A_14 = tpu.memref_slice %arg5[%mul3A_0] : memref<16384xf32, #tpu.memory_space<hbm>> -> memref<1024xf32, #tpu.memory_space<hbm>>
    tpu.wait_dma2 semaphore(%arg25 : memref<!tpu.dma_semaphore, #tpu.memory_space<semaphore_mem>>) src(%dma_wait3A_14 : memref<1024xf32, #tpu.memory_space<hbm>>) dst(%arg13 : memref<1024xf32, #tpu.memory_space<vmem>>)
    tpu.wait_dma2 semaphore(%arg25 : memref<!tpu.dma_semaphore, #tpu.memory_space<semaphore_mem>>) src(%arg6 : memref<16x2x16xi32, #tpu.memory_space<hbm>>) dst(%arg17 : memref<16x2x16xi32, #tpu.memory_space<vmem>>)
    %broadcast_in_dim3A = arith.constant 0 : i32
    %broadcast_in_dim3A_15 = vector.broadcast %broadcast_in_dim3A : i32 to vector<16xi32>
    %broadcast_in_dim3A_16 = arith.constant 0 : i32
    %broadcast_in_dim3A_17 = vector.broadcast %broadcast_in_dim3A_16 : i32 to vector<16xi32>
    %broadcast_in_dim3A_18 = arith.constant 0 : i32
    %broadcast_in_dim3A_19 = vector.broadcast %broadcast_in_dim3A_18 : i32 to vector<16xi32>
    %get3A = arith.constant 0 : i32
    %get3A_20 = arith.constant 0 : i32
    %get3A_21 = arith.index_cast %get3A : i32 to index
    %get3A_22 = arith.index_cast %get3A_20 : i32 to index
    %get3A_23 = arith.constant 0 : index
    %get3A_24 = tpu.vector_load %arg17[%get3A_21, %get3A_22, %get3A_23] {strides = array<i32>} : memref<16x2x16xi32, #tpu.memory_space<vmem>>, vector<16xi32>,
    %get3A_25 = arith.constant 0 : i32
    %get3A_26 = arith.constant 1 : i32
    %get3A_27 = arith.index_cast %get3A_25 : i32 to index
    %get3A_28 = arith.index_cast %get3A_26 : i32 to index
    %get3A_29 = arith.constant 0 : index
    %get3A_30 = tpu.vector_load %arg17[%get3A_27, %get3A_28, %get3A_29] {strides = array<i32>} : memref<16x2x16xi32, #tpu.memory_space<vmem>>, vector<16xi32>,
    %add3A = arith.addi %get3A_24, %get3A_30 : vector<16xi32>
    %add3A_31 = arith.addi %broadcast_in_dim3A_15, %add3A : vector<16xi32>
    %lt3A = arith.constant 0 : i32
    %lt3A_32 = arith.cmpi slt, %lt3A, %arg1 : i32
    %convert_element_type3A = arith.extui %lt3A_32 : i1 to i32
    %mul3A_33 = vector.broadcast %convert_element_type3A : i32 to vector<16xi32>
    %mul3A_34 = arith.muli %add3A, %mul3A_33 : vector<16xi32>
    %add3A_35 = arith.addi %broadcast_in_dim3A_17, %mul3A_34 : vector<16xi32>
    %eq3A = arith.constant 0 : i32
    %eq3A_36 = arith.cmpi eq, %eq3A, %arg1 : i32
    %convert_element_type3A_37 = arith.extui %eq3A_36 : i1 to i32
    %mul3A_38 = vector.broadcast %convert_element_type3A_37 : i32 to vector<16xi32>
    %mul3A_39 = arith.muli %get3A_24, %mul3A_38 : vector<16xi32>
    %add3A_40 = arith.addi %broadcast_in_dim3A_19, %mul3A_39 : vector<16xi32>
    %get3A_41 = arith.constant 1 : i32
    %get3A_42 = arith.constant 0 : i32
    %get3A_43 = arith.index_cast %get3A_41 : i32 to index
    %get3A_44 = arith.index_cast %get3A_42 : i32 to index
    %get3A_45 = arith.constant 0 : index
    %get3A_46 = tpu.vector_load %arg17[%get3A_43, %get3A_44, %get3A_45] {strides = array<i32>} : memref<16x2x16xi32, #tpu.memory_space<vmem>>, vector<16xi32>,
    %get3A_47 = arith.constant 1 : i32
    %get3A_48 = arith.constant 1 : i32
    %get3A_49 = arith.index_cast %get3A_47 : i32 to index
    %get3A_50 = arith.index_cast %get3A_48 : i32 to index
    %get3A_51 = arith.constant 0 : index
    %get3A_52 = tpu.vector_load %arg17[%get3A_49, %get3A_50, %get3A_51] {strides = array<i32>} : memref<16x2x16xi32, #tpu.memory_space<vmem>>, vector<16xi32>,
    %add3A_53 = arith.addi %get3A_46, %get3A_52 : vector<16xi32>
    %add3A_54 = arith.addi %add3A_31, %add3A_53 : vector<16xi32>
    %lt3A_55 = arith.constant 1 : i32
    %lt3A_56 = arith.cmpi slt, %lt3A_55, %arg1 : i32
    %convert_element_type3A_57 = arith.extui %lt3A_56 : i1 to i32
    %mul3A_58 = vector.broadcast %convert_element_type3A_57 : i32 to vector<16xi32>
    %mul3A_59 = arith.muli %add3A_53, %mul3A_58 : vector<16xi32>
    %add3A_60 = arith.addi %add3A_35, %mul3A_59 : vector<16xi32>
    %eq3A_61 = arith.constant 1 : i32
    %eq3A_62 = arith.cmpi eq, %eq3A_61, %arg1 : i32
    %convert_element_type3A_63 = arith.extui %eq3A_62 : i1 to i32
    %mul3A_64 = vector.broadcast %convert_element_type3A_63 : i32 to vector<16xi32>
    %mul3A_65 = arith.muli %get3A_46, %mul3A_64 : vector<16xi32>
    %add3A_66 = arith.addi %add3A_40, %mul3A_65 : vector<16xi32>
    %get3A_67 = arith.constant 2 : i32
    %get3A_68 = arith.constant 0 : i32
    %get3A_69 = arith.index_cast %get3A_67 : i32 to index
    %get3A_70 = arith.index_cast %get3A_68 : i32 to index
    %get3A_71 = arith.constant 0 : index
    %get3A_72 = tpu.vector_load %arg17[%get3A_69, %get3A_70, %get3A_71] {strides = array<i32>} : memref<16x2x16xi32, #tpu.memory_space<vmem>>, vector<16xi32>,
    %get3A_73 = arith.constant 2 : i32
    %get3A_74 = arith.constant 1 : i32
    %get3A_75 = arith.index_cast %get3A_73 : i32 to index
    %get3A_76 = arith.index_cast %get3A_74 : i32 to index
    %get3A_77 = arith.constant 0 : index
    %get3A_78 = tpu.vector_load %arg17[%get3A_75, %get3A_76, %get3A_77] {strides = array<i32>} : memref<16x2x16xi32, #tpu.memory_space<vmem>>, vector<16xi32>,
    %add3A_79 = arith.addi %get3A_72, %get3A_78 : vector<16xi32>
    %add3A_80 = arith.addi %add3A_54, %add3A_79 : vector<16xi32>
    %lt3A_81 = arith.constant 2 : i32
    %lt3A_82 = arith.cmpi slt, %lt3A_81, %arg1 : i32
    %convert_element_type3A_83 = arith.extui %lt3A_82 : i1 to i32
    %mul3A_84 = vector.broadcast %convert_element_type3A_83 : i32 to vector<16xi32>
    %mul3A_85 = arith.muli %add3A_79, %mul3A_84 : vector<16xi32>
    %add3A_86 = arith.addi %add3A_60, %mul3A_85 : vector<16xi32>
    %eq3A_87 = arith.constant 2 : i32
    %eq3A_88 = arith.cmpi eq, %eq3A_87, %arg1 : i32
    %convert_element_type3A_89 = arith.extui %eq3A_88 : i1 to i32
    %mul3A_90 = vector.broadcast %convert_element_type3A_89 : i32 to vector<16xi32>
    %mul3A_91 = arith.muli %get3A_72, %mul3A_90 : vector<16xi32>
    %add3A_92 = arith.addi %add3A_66, %mul3A_91 : vector<16xi32>
    %get3A_93 = arith.constant 3 : i32
    %get3A_94 = arith.constant 0 : i32
    %get3A_95 = arith.index_cast %get3A_93 : i32 to index
    %get3A_96 = arith.index_cast %get3A_94 : i32 to index
    %get3A_97 = arith.constant 0 : index
    %get3A_98 = tpu.vector_load %arg17[%get3A_95, %get3A_96, %get3A_97] {strides = array<i32>} : memref<16x2x16xi32, #tpu.memory_space<vmem>>, vector<16xi32>,
    %get3A_99 = arith.constant 3 : i32
    %get3A_100 = arith.constant 1 : i32
    %get3A_101 = arith.index_cast %get3A_99 : i32 to index
    %get3A_102 = arith.index_cast %get3A_100 : i32 to index
    %get3A_103 = arith.constant 0 : index
    %get3A_104 = tpu.vector_load %arg17[%get3A_101, %get3A_102, %get3A_103] {strides = array<i32>} : memref<16x2x16xi32, #tpu.memory_space<vmem>>, vector<16xi32>,
    %add3A_105 = arith.addi %get3A_98, %get3A_104 : vector<16xi32>
    %add3A_106 = arith.addi %add3A_80, %add3A_105 : vector<16xi32>
    %lt3A_107 = arith.constant 3 : i32
    %lt3A_108 = arith.cmpi slt, %lt3A_107, %arg1 : i32
    %convert_element_type3A_109 = arith.extui %lt3A_108 : i1 to i32
    %mul3A_110 = vector.broadcast %convert_element_type3A_109 : i32 to vector<16xi32>
    %mul3A_111 = arith.muli %add3A_105, %mul3A_110 : vector<16xi32>
    %add3A_112 = arith.addi %add3A_86, %mul3A_111 : vector<16xi32>
    %eq3A_113 = arith.constant 3 : i32
    %eq3A_114 = arith.cmpi eq, %eq3A_113, %arg1 : i32
    %convert_element_type3A_115 = arith.extui %eq3A_114 : i1 to i32
    %mul3A_116 = vector.broadcast %convert_element_type3A_115 : i32 to vector<16xi32>
    %mul3A_117 = arith.muli %get3A_98, %mul3A_116 : vector<16xi32>
    %add3A_118 = arith.addi %add3A_92, %mul3A_117 : vector<16xi32>
    %get3A_119 = arith.constant 4 : i32
    %get3A_120 = arith.constant 0 : i32
    %get3A_121 = arith.index_cast %get3A_119 : i32 to index
    %get3A_122 = arith.index_cast %get3A_120 : i32 to index
    %get3A_123 = arith.constant 0 : index
    %get3A_124 = tpu.vector_load %arg17[%get3A_121, %get3A_122, %get3A_123] {strides = array<i32>} : memref<16x2x16xi32, #tpu.memory_space<vmem>>, vector<16xi32>,
    %get3A_125 = arith.constant 4 : i32
    %get3A_126 = arith.constant 1 : i32
    %get3A_127 = arith.index_cast %get3A_125 : i32 to index
    %get3A_128 = arith.index_cast %get3A_126 : i32 to index
    %get3A_129 = arith.constant 0 : index
    %get3A_130 = tpu.vector_load %arg17[%get3A_127, %get3A_128, %get3A_129] {strides = array<i32>} : memref<16x2x16xi32, #tpu.memory_space<vmem>>, vector<16xi32>,
    %add3A_131 = arith.addi %get3A_124, %get3A_130 : vector<16xi32>
    %add3A_132 = arith.addi %add3A_106, %add3A_131 : vector<16xi32>
    %lt3A_133 = arith.constant 4 : i32
    %lt3A_134 = arith.cmpi slt, %lt3A_133, %arg1 : i32
    %convert_element_type3A_135 = arith.extui %lt3A_134 : i1 to i32
    %mul3A_136 = vector.broadcast %convert_element_type3A_135 : i32 to vector<16xi32>
    %mul3A_137 = arith.muli %add3A_131, %mul3A_136 : vector<16xi32>
    %add3A_138 = arith.addi %add3A_112, %mul3A_137 : vector<16xi32>
    %eq3A_139 = arith.constant 4 : i32
    %eq3A_140 = arith.cmpi eq, %eq3A_139, %arg1 : i32
    %convert_element_type3A_141 = arith.extui %eq3A_140 : i1 to i32
    %mul3A_142 = vector.broadcast %convert_element_type3A_141 : i32 to vector<16xi32>
    %mul3A_143 = arith.muli %get3A_124, %mul3A_142 : vector<16xi32>
    %add3A_144 = arith.addi %add3A_118, %mul3A_143 : vector<16xi32>
    %get3A_145 = arith.constant 5 : i32
    %get3A_146 = arith.constant 0 : i32
    %get3A_147 = arith.index_cast %get3A_145 : i32 to index
    %get3A_148 = arith.index_cast %get3A_146 : i32 to index
    %get3A_149 = arith.constant 0 : index
    %get3A_150 = tpu.vector_load %arg17[%get3A_147, %get3A_148, %get3A_149] {strides = array<i32>} : memref<16x2x16xi32, #tpu.memory_space<vmem>>, vector<16xi32>,
    %get3A_151 = arith.constant 5 : i32
    %get3A_152 = arith.constant 1 : i32
    %get3A_153 = arith.index_cast %get3A_151 : i32 to index
    %get3A_154 = arith.index_cast %get3A_152 : i32 to index
    %get3A_155 = arith.constant 0 : index
    %get3A_156 = tpu.vector_load %arg17[%get3A_153, %get3A_154, %get3A_155] {strides = array<i32>} : memref<16x2x16xi32, #tpu.memory_space<vmem>>, vector<16xi32>,
    %add3A_157 = arith.addi %get3A_150, %get3A_156 : vector<16xi32>
    %add3A_158 = arith.addi %add3A_132, %add3A_157 : vector<16xi32>
    %lt3A_159 = arith.constant 5 : i32
    %lt3A_160 = arith.cmpi slt, %lt3A_159, %arg1 : i32
    %convert_element_type3A_161 = arith.extui %lt3A_160 : i1 to i32
    %mul3A_162 = vector.broadcast %convert_element_type3A_161 : i32 to vector<16xi32>
    %mul3A_163 = arith.muli %add3A_157, %mul3A_162 : vector<16xi32>
    %add3A_164 = arith.addi %add3A_138, %mul3A_163 : vector<16xi32>
    %eq3A_165 = arith.constant 5 : i32
    %eq3A_166 = arith.cmpi eq, %eq3A_165, %arg1 : i32
    %convert_element_type3A_167 = arith.extui %eq3A_166 : i1 to i32
    %mul3A_168 = vector.broadcast %convert_element_type3A_167 : i32 to vector<16xi32>
    %mul3A_169 = arith.muli %get3A_150, %mul3A_168 : vector<16xi32>
    %add3A_170 = arith.addi %add3A_144, %mul3A_169 : vector<16xi32>
    %get3A_171 = arith.constant 6 : i32
    %get3A_172 = arith.constant 0 : i32
    %get3A_173 = arith.index_cast %get3A_171 : i32 to index
    %get3A_174 = arith.index_cast %get3A_172 : i32 to index
    %get3A_175 = arith.constant 0 : index
    %get3A_176 = tpu.vector_load %arg17[%get3A_173, %get3A_174, %get3A_175] {strides = array<i32>} : memref<16x2x16xi32, #tpu.memory_space<vmem>>, vector<16xi32>,
    %get3A_177 = arith.constant 6 : i32
    %get3A_178 = arith.constant 1 : i32
    %get3A_179 = arith.index_cast %get3A_177 : i32 to index
    %get3A_180 = arith.index_cast %get3A_178 : i32 to index
    %get3A_181 = arith.constant 0 : index
    %get3A_182 = tpu.vector_load %arg17[%get3A_179, %get3A_180, %get3A_181] {strides = array<i32>} : memref<16x2x16xi32, #tpu.memory_space<vmem>>, vector<16xi32>,
    %add3A_183 = arith.addi %get3A_176, %get3A_182 : vector<16xi32>
    %add3A_184 = arith.addi %add3A_158, %add3A_183 : vector<16xi32>
    %lt3A_185 = arith.constant 6 : i32
    %lt3A_186 = arith.cmpi slt, %lt3A_185, %arg1 : i32
    %convert_element_type3A_187 = arith.extui %lt3A_186 : i1 to i32
    %mul3A_188 = vector.broadcast %convert_element_type3A_187 : i32 to vector<16xi32>
    %mul3A_189 = arith.muli %add3A_183, %mul3A_188 : vector<16xi32>
    %add3A_190 = arith.addi %add3A_164, %mul3A_189 : vector<16xi32>
    %eq3A_191 = arith.constant 6 : i32
    %eq3A_192 = arith.cmpi eq, %eq3A_191, %arg1 : i32
    %convert_element_type3A_193 = arith.extui %eq3A_192 : i1 to i32
    %mul3A_194 = vector.broadcast %convert_element_type3A_193 : i32 to vector<16xi32>
    %mul3A_195 = arith.muli %get3A_176, %mul3A_194 : vector<16xi32>
    %add3A_196 = arith.addi %add3A_170, %mul3A_195 : vector<16xi32>
    %get3A_197 = arith.constant 7 : i32
    %get3A_198 = arith.constant 0 : i32
    %get3A_199 = arith.index_cast %get3A_197 : i32 to index
    %get3A_200 = arith.index_cast %get3A_198 : i32 to index
    %get3A_201 = arith.constant 0 : index
    %get3A_202 = tpu.vector_load %arg17[%get3A_199, %get3A_200, %get3A_201] {strides = array<i32>} : memref<16x2x16xi32, #tpu.memory_space<vmem>>, vector<16xi32>,
    %get3A_203 = arith.constant 7 : i32
    %get3A_204 = arith.constant 1 : i32
    %get3A_205 = arith.index_cast %get3A_203 : i32 to index
    %get3A_206 = arith.index_cast %get3A_204 : i32 to index
    %get3A_207 = arith.constant 0 : index
    %get3A_208 = tpu.vector_load %arg17[%get3A_205, %get3A_206, %get3A_207] {strides = array<i32>} : memref<16x2x16xi32, #tpu.memory_space<vmem>>, vector<16xi32>,
    %add3A_209 = arith.addi %get3A_202, %get3A_208 : vector<16xi32>
    %add3A_210 = arith.addi %add3A_184, %add3A_209 : vector<16xi32>
    %lt3A_211 = arith.constant 7 : i32
    %lt3A_212 = arith.cmpi slt, %lt3A_211, %arg1 : i32
    %convert_element_type3A_213 = arith.extui %lt3A_212 : i1 to i32
    %mul3A_214 = vector.broadcast %convert_element_type3A_213 : i32 to vector<16xi32>
    %mul3A_215 = arith.muli %add3A_209, %mul3A_214 : vector<16xi32>
    %add3A_216 = arith.addi %add3A_190, %mul3A_215 : vector<16xi32>
    %eq3A_217 = arith.constant 7 : i32
    %eq3A_218 = arith.cmpi eq, %eq3A_217, %arg1 : i32
    %convert_element_type3A_219 = arith.extui %eq3A_218 : i1 to i32
    %mul3A_220 = vector.broadcast %convert_element_type3A_219 : i32 to vector<16xi32>
    %mul3A_221 = arith.muli %get3A_202, %mul3A_220 : vector<16xi32>
    %add3A_222 = arith.addi %add3A_196, %mul3A_221 : vector<16xi32>
    %get3A_223 = arith.constant 8 : i32
    %get3A_224 = arith.constant 0 : i32
    %get3A_225 = arith.index_cast %get3A_223 : i32 to index
    %get3A_226 = arith.index_cast %get3A_224 : i32 to index
    %get3A_227 = arith.constant 0 : index
    %get3A_228 = tpu.vector_load %arg17[%get3A_225, %get3A_226, %get3A_227] {strides = array<i32>} : memref<16x2x16xi32, #tpu.memory_space<vmem>>, vector<16xi32>,
    %get3A_229 = arith.constant 8 : i32
    %get3A_230 = arith.constant 1 : i32
    %get3A_231 = arith.index_cast %get3A_229 : i32 to index
    %get3A_232 = arith.index_cast %get3A_230 : i32 to index
    %get3A_233 = arith.constant 0 : index
    %get3A_234 = tpu.vector_load %arg17[%get3A_231, %get3A_232, %get3A_233] {strides = array<i32>} : memref<16x2x16xi32, #tpu.memory_space<vmem>>, vector<16xi32>,
    %add3A_235 = arith.addi %get3A_228, %get3A_234 : vector<16xi32>
    %add3A_236 = arith.addi %add3A_210, %add3A_235 : vector<16xi32>
    %lt3A_237 = arith.constant 8 : i32
    %lt3A_238 = arith.cmpi slt, %lt3A_237, %arg1 : i32
    %convert_element_type3A_239 = arith.extui %lt3A_238 : i1 to i32
    %mul3A_240 = vector.broadcast %convert_element_type3A_239 : i32 to vector<16xi32>
    %mul3A_241 = arith.muli %add3A_235, %mul3A_240 : vector<16xi32>
    %add3A_242 = arith.addi %add3A_216, %mul3A_241 : vector<16xi32>
    %eq3A_243 = arith.constant 8 : i32
    %eq3A_244 = arith.cmpi eq, %eq3A_243, %arg1 : i32
    %convert_element_type3A_245 = arith.extui %eq3A_244 : i1 to i32
    %mul3A_246 = vector.broadcast %convert_element_type3A_245 : i32 to vector<16xi32>
    %mul3A_247 = arith.muli %get3A_228, %mul3A_246 : vector<16xi32>
    %add3A_248 = arith.addi %add3A_222, %mul3A_247 : vector<16xi32>
    %get3A_249 = arith.constant 9 : i32
    %get3A_250 = arith.constant 0 : i32
    %get3A_251 = arith.index_cast %get3A_249 : i32 to index
    %get3A_252 = arith.index_cast %get3A_250 : i32 to index
    %get3A_253 = arith.constant 0 : index
    %get3A_254 = tpu.vector_load %arg17[%get3A_251, %get3A_252, %get3A_253] {strides = array<i32>} : memref<16x2x16xi32, #tpu.memory_space<vmem>>, vector<16xi32>,
    %get3A_255 = arith.constant 9 : i32
    %get3A_256 = arith.constant 1 : i32
    %get3A_257 = arith.index_cast %get3A_255 : i32 to index
    %get3A_258 = arith.index_cast %get3A_256 : i32 to index
    %get3A_259 = arith.constant 0 : index
    %get3A_260 = tpu.vector_load %arg17[%get3A_257, %get3A_258, %get3A_259] {strides = array<i32>} : memref<16x2x16xi32, #tpu.memory_space<vmem>>, vector<16xi32>,
    %add3A_261 = arith.addi %get3A_254, %get3A_260 : vector<16xi32>
    %add3A_262 = arith.addi %add3A_236, %add3A_261 : vector<16xi32>
    %lt3A_263 = arith.constant 9 : i32
    %lt3A_264 = arith.cmpi slt, %lt3A_263, %arg1 : i32
    %convert_element_type3A_265 = arith.extui %lt3A_264 : i1 to i32
    %mul3A_266 = vector.broadcast %convert_element_type3A_265 : i32 to vector<16xi32>
    %mul3A_267 = arith.muli %add3A_261, %mul3A_266 : vector<16xi32>
    %add3A_268 = arith.addi %add3A_242, %mul3A_267 : vector<16xi32>
    %eq3A_269 = arith.constant 9 : i32
    %eq3A_270 = arith.cmpi eq, %eq3A_269, %arg1 : i32
    %convert_element_type3A_271 = arith.extui %eq3A_270 : i1 to i32
    %mul3A_272 = vector.broadcast %convert_element_type3A_271 : i32 to vector<16xi32>
    %mul3A_273 = arith.muli %get3A_254, %mul3A_272 : vector<16xi32>
    %add3A_274 = arith.addi %add3A_248, %mul3A_273 : vector<16xi32>
    %get3A_275 = arith.constant 10 : i32
    %get3A_276 = arith.constant 0 : i32
    %get3A_277 = arith.index_cast %get3A_275 : i32 to index
    %get3A_278 = arith.index_cast %get3A_276 : i32 to index
    %get3A_279 = arith.constant 0 : index
    %get3A_280 = tpu.vector_load %arg17[%get3A_277, %get3A_278, %get3A_279] {strides = array<i32>} : memref<16x2x16xi32, #tpu.memory_space<vmem>>, vector<16xi32>,
    %get3A_281 = arith.constant 10 : i32
    %get3A_282 = arith.constant 1 : i32
    %get3A_283 = arith.index_cast %get3A_281 : i32 to index
    %get3A_284 = arith.index_cast %get3A_282 : i32 to index
    %get3A_285 = arith.constant 0 : index
    %get3A_286 = tpu.vector_load %arg17[%get3A_283, %get3A_284, %get3A_285] {strides = array<i32>} : memref<16x2x16xi32, #tpu.memory_space<vmem>>, vector<16xi32>,
    %add3A_287 = arith.addi %get3A_280, %get3A_286 : vector<16xi32>
    %add3A_288 = arith.addi %add3A_262, %add3A_287 : vector<16xi32>
    %lt3A_289 = arith.constant 10 : i32
    %lt3A_290 = arith.cmpi slt, %lt3A_289, %arg1 : i32
    %convert_element_type3A_291 = arith.extui %lt3A_290 : i1 to i32
    %mul3A_292 = vector.broadcast %convert_element_type3A_291 : i32 to vector<16xi32>
    %mul3A_293 = arith.muli %add3A_287, %mul3A_292 : vector<16xi32>
    %add3A_294 = arith.addi %add3A_268, %mul3A_293 : vector<16xi32>
    %eq3A_295 = arith.constant 10 : i32
    %eq3A_296 = arith.cmpi eq, %eq3A_295, %arg1 : i32
    %convert_element_type3A_297 = arith.extui %eq3A_296 : i1 to i32
    %mul3A_298 = vector.broadcast %convert_element_type3A_297 : i32 to vector<16xi32>
    %mul3A_299 = arith.muli %get3A_280, %mul3A_298 : vector<16xi32>
    %add3A_300 = arith.addi %add3A_274, %mul3A_299 : vector<16xi32>
    %get3A_301 = arith.constant 11 : i32
    %get3A_302 = arith.constant 0 : i32
    %get3A_303 = arith.index_cast %get3A_301 : i32 to index
    %get3A_304 = arith.index_cast %get3A_302 : i32 to index
    %get3A_305 = arith.constant 0 : index
    %get3A_306 = tpu.vector_load %arg17[%get3A_303, %get3A_304, %get3A_305] {strides = array<i32>} : memref<16x2x16xi32, #tpu.memory_space<vmem>>, vector<16xi32>,
    %get3A_307 = arith.constant 11 : i32
    %get3A_308 = arith.constant 1 : i32
    %get3A_309 = arith.index_cast %get3A_307 : i32 to index
    %get3A_310 = arith.index_cast %get3A_308 : i32 to index
    %get3A_311 = arith.constant 0 : index
    %get3A_312 = tpu.vector_load %arg17[%get3A_309, %get3A_310, %get3A_311] {strides = array<i32>} : memref<16x2x16xi32, #tpu.memory_space<vmem>>, vector<16xi32>,
    %add3A_313 = arith.addi %get3A_306, %get3A_312 : vector<16xi32>
    %add3A_314 = arith.addi %add3A_288, %add3A_313 : vector<16xi32>
    %lt3A_315 = arith.constant 11 : i32
    %lt3A_316 = arith.cmpi slt, %lt3A_315, %arg1 : i32
    %convert_element_type3A_317 = arith.extui %lt3A_316 : i1 to i32
    %mul3A_318 = vector.broadcast %convert_element_type3A_317 : i32 to vector<16xi32>
    %mul3A_319 = arith.muli %add3A_313, %mul3A_318 : vector<16xi32>
    %add3A_320 = arith.addi %add3A_294, %mul3A_319 : vector<16xi32>
    %eq3A_321 = arith.constant 11 : i32
    %eq3A_322 = arith.cmpi eq, %eq3A_321, %arg1 : i32
    %convert_element_type3A_323 = arith.extui %eq3A_322 : i1 to i32
    %mul3A_324 = vector.broadcast %convert_element_type3A_323 : i32 to vector<16xi32>
    %mul3A_325 = arith.muli %get3A_306, %mul3A_324 : vector<16xi32>
    %add3A_326 = arith.addi %add3A_300, %mul3A_325 : vector<16xi32>
    %get3A_327 = arith.constant 12 : i32
    %get3A_328 = arith.constant 0 : i32
    %get3A_329 = arith.index_cast %get3A_327 : i32 to index
    %get3A_330 = arith.index_cast %get3A_328 : i32 to index
    %get3A_331 = arith.constant 0 : index
    %get3A_332 = tpu.vector_load %arg17[%get3A_329, %get3A_330, %get3A_331] {strides = array<i32>} : memref<16x2x16xi32, #tpu.memory_space<vmem>>, vector<16xi32>,
    %get3A_333 = arith.constant 12 : i32
    %get3A_334 = arith.constant 1 : i32
    %get3A_335 = arith.index_cast %get3A_333 : i32 to index
    %get3A_336 = arith.index_cast %get3A_334 : i32 to index
    %get3A_337 = arith.constant 0 : index
    %get3A_338 = tpu.vector_load %arg17[%get3A_335, %get3A_336, %get3A_337] {strides = array<i32>} : memref<16x2x16xi32, #tpu.memory_space<vmem>>, vector<16xi32>,
    %add3A_339 = arith.addi %get3A_332, %get3A_338 : vector<16xi32>
    %add3A_340 = arith.addi %add3A_314, %add3A_339 : vector<16xi32>
    %lt3A_341 = arith.constant 12 : i32
    %lt3A_342 = arith.cmpi slt, %lt3A_341, %arg1 : i32
    %convert_element_type3A_343 = arith.extui %lt3A_342 : i1 to i32
    %mul3A_344 = vector.broadcast %convert_element_type3A_343 : i32 to vector<16xi32>
    %mul3A_345 = arith.muli %add3A_339, %mul3A_344 : vector<16xi32>
    %add3A_346 = arith.addi %add3A_320, %mul3A_345 : vector<16xi32>
    %eq3A_347 = arith.constant 12 : i32
    %eq3A_348 = arith.cmpi eq, %eq3A_347, %arg1 : i32
    %convert_element_type3A_349 = arith.extui %eq3A_348 : i1 to i32
    %mul3A_350 = vector.broadcast %convert_element_type3A_349 : i32 to vector<16xi32>
    %mul3A_351 = arith.muli %get3A_332, %mul3A_350 : vector<16xi32>
    %add3A_352 = arith.addi %add3A_326, %mul3A_351 : vector<16xi32>
    %get3A_353 = arith.constant 13 : i32
    %get3A_354 = arith.constant 0 : i32
    %get3A_355 = arith.index_cast %get3A_353 : i32 to index
    %get3A_356 = arith.index_cast %get3A_354 : i32 to index
    %get3A_357 = arith.constant 0 : index
    %get3A_358 = tpu.vector_load %arg17[%get3A_355, %get3A_356, %get3A_357] {strides = array<i32>} : memref<16x2x16xi32, #tpu.memory_space<vmem>>, vector<16xi32>,
    %get3A_359 = arith.constant 13 : i32
    %get3A_360 = arith.constant 1 : i32
    %get3A_361 = arith.index_cast %get3A_359 : i32 to index
    %get3A_362 = arith.index_cast %get3A_360 : i32 to index
    %get3A_363 = arith.constant 0 : index
    %get3A_364 = tpu.vector_load %arg17[%get3A_361, %get3A_362, %get3A_363] {strides = array<i32>} : memref<16x2x16xi32, #tpu.memory_space<vmem>>, vector<16xi32>,
    %add3A_365 = arith.addi %get3A_358, %get3A_364 : vector<16xi32>
    %add3A_366 = arith.addi %add3A_340, %add3A_365 : vector<16xi32>
    %lt3A_367 = arith.constant 13 : i32
    %lt3A_368 = arith.cmpi slt, %lt3A_367, %arg1 : i32
    %convert_element_type3A_369 = arith.extui %lt3A_368 : i1 to i32
    %mul3A_370 = vector.broadcast %convert_element_type3A_369 : i32 to vector<16xi32>
    %mul3A_371 = arith.muli %add3A_365, %mul3A_370 : vector<16xi32>
    %add3A_372 = arith.addi %add3A_346, %mul3A_371 : vector<16xi32>
    %eq3A_373 = arith.constant 13 : i32
    %eq3A_374 = arith.cmpi eq, %eq3A_373, %arg1 : i32
    %convert_element_type3A_375 = arith.extui %eq3A_374 : i1 to i32
    %mul3A_376 = vector.broadcast %convert_element_type3A_375 : i32 to vector<16xi32>
    %mul3A_377 = arith.muli %get3A_358, %mul3A_376 : vector<16xi32>
    %add3A_378 = arith.addi %add3A_352, %mul3A_377 : vector<16xi32>
    %get3A_379 = arith.constant 14 : i32
    %get3A_380 = arith.constant 0 : i32
    %get3A_381 = arith.index_cast %get3A_379 : i32 to index
    %get3A_382 = arith.index_cast %get3A_380 : i32 to index
    %get3A_383 = arith.constant 0 : index
    %get3A_384 = tpu.vector_load %arg17[%get3A_381, %get3A_382, %get3A_383] {strides = array<i32>} : memref<16x2x16xi32, #tpu.memory_space<vmem>>, vector<16xi32>,
    %get3A_385 = arith.constant 14 : i32
    %get3A_386 = arith.constant 1 : i32
    %get3A_387 = arith.index_cast %get3A_385 : i32 to index
    %get3A_388 = arith.index_cast %get3A_386 : i32 to index
    %get3A_389 = arith.constant 0 : index
    %get3A_390 = tpu.vector_load %arg17[%get3A_387, %get3A_388, %get3A_389] {strides = array<i32>} : memref<16x2x16xi32, #tpu.memory_space<vmem>>, vector<16xi32>,
    %add3A_391 = arith.addi %get3A_384, %get3A_390 : vector<16xi32>
    %add3A_392 = arith.addi %add3A_366, %add3A_391 : vector<16xi32>
    %lt3A_393 = arith.constant 14 : i32
    %lt3A_394 = arith.cmpi slt, %lt3A_393, %arg1 : i32
    %convert_element_type3A_395 = arith.extui %lt3A_394 : i1 to i32
    %mul3A_396 = vector.broadcast %convert_element_type3A_395 : i32 to vector<16xi32>
    %mul3A_397 = arith.muli %add3A_391, %mul3A_396 : vector<16xi32>
    %add3A_398 = arith.addi %add3A_372, %mul3A_397 : vector<16xi32>
    %eq3A_399 = arith.constant 14 : i32
    %eq3A_400 = arith.cmpi eq, %eq3A_399, %arg1 : i32
    %convert_element_type3A_401 = arith.extui %eq3A_400 : i1 to i32
    %mul3A_402 = vector.broadcast %convert_element_type3A_401 : i32 to vector<16xi32>
    %mul3A_403 = arith.muli %get3A_384, %mul3A_402 : vector<16xi32>
    %add3A_404 = arith.addi %add3A_378, %mul3A_403 : vector<16xi32>
    %get3A_405 = arith.constant 15 : i32
    %get3A_406 = arith.constant 0 : i32
    %get3A_407 = arith.index_cast %get3A_405 : i32 to index
    %get3A_408 = arith.index_cast %get3A_406 : i32 to index
    %get3A_409 = arith.constant 0 : index
    %get3A_410 = tpu.vector_load %arg17[%get3A_407, %get3A_408, %get3A_409] {strides = array<i32>} : memref<16x2x16xi32, #tpu.memory_space<vmem>>, vector<16xi32>,
    %get3A_411 = arith.constant 15 : i32
    %get3A_412 = arith.constant 1 : i32
    %get3A_413 = arith.index_cast %get3A_411 : i32 to index
    %get3A_414 = arith.index_cast %get3A_412 : i32 to index
    %get3A_415 = arith.constant 0 : index
    %get3A_416 = tpu.vector_load %arg17[%get3A_413, %get3A_414, %get3A_415] {strides = array<i32>} : memref<16x2x16xi32, #tpu.memory_space<vmem>>, vector<16xi32>,
    %add3A_417 = arith.addi %get3A_410, %get3A_416 : vector<16xi32>
    %add3A_418 = arith.addi %add3A_392, %add3A_417 : vector<16xi32>
    %lt3A_419 = arith.constant 15 : i32
    %lt3A_420 = arith.cmpi slt, %lt3A_419, %arg1 : i32
    %convert_element_type3A_421 = arith.extui %lt3A_420 : i1 to i32
    %mul3A_422 = vector.broadcast %convert_element_type3A_421 : i32 to vector<16xi32>
    %mul3A_423 = arith.muli %add3A_417, %mul3A_422 : vector<16xi32>
    %add3A_424 = arith.addi %add3A_398, %mul3A_423 : vector<16xi32>
    %eq3A_425 = arith.constant 15 : i32
    %eq3A_426 = arith.cmpi eq, %eq3A_425, %arg1 : i32
    %convert_element_type3A_427 = arith.extui %eq3A_426 : i1 to i32
    %mul3A_428 = vector.broadcast %convert_element_type3A_427 : i32 to vector<16xi32>
    %mul3A_429 = arith.muli %get3A_410, %mul3A_428 : vector<16xi32>
    %add3A_430 = arith.addi %add3A_404, %mul3A_429 : vector<16xi32>
    %broadcast_in_dim3A_431 = arith.constant true
    %broadcast_in_dim3A_432 = vector.broadcast %broadcast_in_dim3A_431 : i1 to vector<16xi1>
    %masked_cumsum3A = tpu.scan <sum>, %add3A_418 masked %broadcast_in_dim3A_432 : vector<16xi32>, vector<16xi1> -> vector<16xi32>
    %sub3A = arith.subi %masked_cumsum3A, %add3A_418 : vector<16xi32>
    %add3A_433 = arith.addi %sub3A, %add3A_424 : vector<16xi32>
    %swap3A = arith.constant 0 : index
    %swap3A_434 = tpu.vector_load %arg14[%swap3A] {strides = array<i32>} : memref<16xi32, #tpu.memory_space<vmem>>, vector<16xi32>,
    tpu.vector_store %arg14[%swap3A], %add3A_433 {strides = array<i32>} : memref<16xi32, #tpu.memory_space<vmem>>, vector<16xi32>,
    %add3A_435 = arith.addi %add3A_433, %add3A_430 : vector<16xi32>
    %swap3A_436 = arith.constant 0 : index
    %swap3A_437 = tpu.vector_load %arg15[%swap3A_436] {strides = array<i32>} : memref<16xi32, #tpu.memory_space<vmem>>, vector<16xi32>,
    tpu.vector_store %arg15[%swap3A_436], %add3A_435 {strides = array<i32>} : memref<16xi32, #tpu.memory_space<vmem>>, vector<16xi32>,
    %eq3A_438 = arith.constant 0 : i32
    %eq3A_439 = arith.cmpi eq, %arg1, %eq3A_438 : i32
    %convert_element_type3A_440 = arith.extui %eq3A_439 : i1 to i32
    %cond3A = arith.constant 0 : i32
    %cond3A_441 = arith.cmpi ne, %convert_element_type3A_440, %cond3A : i32
    scf.if %cond3A_441 {
      %swap3A_1112 = arith.constant 0 : index
      %swap3A_1113 = tpu.vector_load %arg16[%swap3A_1112] {strides = array<i32>} : memref<16xi32, #tpu.memory_space<vmem>>, vector<16xi32>,
      tpu.vector_store %arg16[%swap3A_1112], %add3A_418 {strides = array<i32>} : memref<16xi32, #tpu.memory_space<vmem>>, vector<16xi32>,
      "tpu.region"() ({
        %run_scoped3A = tpu.sem_alloc : memref<!tpu.dma_semaphore, #tpu.memory_space<semaphore_mem>>
        tpu.enqueue_dma source(%arg16 : memref<16xi32, #tpu.memory_space<vmem>>) target(%arg9 : memref<16xi32, #tpu.memory_space<hbm>>) target_semaphore(%run_scoped3A : memref<!tpu.dma_semaphore, #tpu.memory_space<semaphore_mem>>)
        tpu.wait_dma2 semaphore(%run_scoped3A : memref<!tpu.dma_semaphore, #tpu.memory_space<semaphore_mem>>) src(%arg16 : memref<16xi32, #tpu.memory_space<vmem>>) dst(%arg9 : memref<16xi32, #tpu.memory_space<hbm>>)
        tpu.yield
      }) : () -> ()
    } else {
    }
    %iota3A = tpu.iota {dimensions = array<i32: 0>} : vector<16xi32>
    %shift_right_arithmetic3A = arith.constant 1 : i32
    %shift_right_arithmetic3A_442 = vector.broadcast %shift_right_arithmetic3A : i32 to vector<16xi32>
    %shift_right_arithmetic3A_443 = arith.shrsi %iota3A, %shift_right_arithmetic3A_442 : vector<16xi32>
    %and3A = arith.constant 1 : i32
    %and3A_444 = vector.broadcast %and3A : i32 to vector<16xi32>
    %and3A_445 = arith.andi %iota3A, %and3A_444 : vector<16xi32>
    %eq3A_446 = arith.constant 1 : i32
    %eq3A_447 = vector.broadcast %eq3A_446 : i32 to vector<16xi32>
    %eq3A_448 = arith.cmpi eq, %and3A_445, %eq3A_447 : vector<16xi32>
    %scan3A = arith.constant 0 : i32
    %scan3A_449 = arith.constant 0 : i32
    %scan3A_450 = arith.constant 8 : i32
    %scan3A_451 = arith.addi %scan3A_449, %scan3A_450 : i32
    %scan3A_452 = arith.constant 1 : i32
    scf.for %scan3A_1112 = %scan3A_449 to %scan3A_451 step %scan3A_452  : i32 {
      %add3A_1113 = arith.constant 8 : i32
      %add3A_1114 = arith.addi %scan3A_1112, %add3A_1113 : i32
      %mul3A_1115 = arith.constant 64 : i32
      %mul3A_1116 = arith.muli %scan3A_1112, %mul3A_1115 : i32
      %add3A_1117 = arith.constant 0 : i32
      %add3A_1118 = arith.addi %mul3A_1116, %add3A_1117 : i32
      %add3A_1119 = vector.broadcast %add3A_1118 : i32 to vector<16xi32>
      %add3A_1120 = arith.addi %add3A_1119, %shift_right_arithmetic3A_443 : vector<16xi32>
      %gather3A = tpu.vector_load_idx %arg10[%add3A_1120] : memref<1024xi32, #tpu.memory_space<vmem>>[vector<16xi32>], vector<16xi32>,
      %gather3A_1121 = tpu.vector_load_idx %arg11[%add3A_1120] : memref<1024xi32, #tpu.memory_space<vmem>>[vector<16xi32>], vector<16xi32>,
      %select_n3A = arith.select %eq3A_448, %gather3A_1121, %gather3A : vector<16xi1>, vector<16xi32>
      %broadcast_in_dim3A_1122 = arith.constant true
      %broadcast_in_dim3A_1123 = vector.broadcast %broadcast_in_dim3A_1122 : i1 to vector<16xi1>
      %unique3A, %unique3A_1124 = tpu.scan_count mask(%broadcast_in_dim3A_1123 : vector<16xi1>) value(%select_n3A : vector<16xi32>) : vector<16xi1>, vector<16xi32>
      %gather3A_1125 = tpu.vector_load_idx %arg14[%select_n3A] : memref<16xi32, #tpu.memory_space<vmem>>[vector<16xi32>], vector<16xi32>,
      %add3A_1126 = arith.addi %gather3A_1125, %unique3A_1124 : vector<16xi32>
      %sub3A_1127 = arith.constant 1 : i32
      %sub3A_1128 = vector.broadcast %sub3A_1127 : i32 to vector<16xi32>
      %sub3A_1129 = arith.subi %add3A_1126, %sub3A_1128 : vector<16xi32>
      %add3A_1130 = arith.constant 1 : i32
      %add3A_1131 = vector.broadcast %add3A_1130 : i32 to vector<16xi32>
      %add3A_1132 = arith.addi %sub3A_1129, %add3A_1131 : vector<16xi32>
      tpu.vector_store_idx %arg14[%select_n3A], %add3A_1132 masked %unique3A : memref<16xi32, #tpu.memory_space<vmem>>[vector<16xi32>], vector<16xi32>, vector<16xi1>
      %gather3A_1133 = tpu.vector_load_idx %arg12[%add3A_1120] : memref<1024xf32, #tpu.memory_space<vmem>>[vector<16xi32>], vector<16xf32>,
      %gather3A_1134 = tpu.vector_load_idx %arg13[%add3A_1120] : memref<1024xf32, #tpu.memory_space<vmem>>[vector<16xi32>], vector<16xf32>,
      %select_n3A_1135 = arith.select %eq3A_448, %gather3A_1134, %gather3A_1133 : vector<16xi1>, vector<16xf32>
      %swap3A_1136 = arith.index_cast %scan3A_1112 : i32 to index
      %swap3A_1137 = arith.constant 0 : index
      %swap3A_1138 = tpu.vector_load %arg18[%swap3A_1136, %swap3A_1137] {strides = array<i32>} : memref<16x128xi32, #tpu.memory_space<vmem>>, vector<16xi32>,
      tpu.vector_store %arg18[%swap3A_1136, %swap3A_1137], %sub3A_1129 {strides = array<i32>} : memref<16x128xi32, #tpu.memory_space<vmem>>, vector<16xi32>,
      %swap3A_1139 = arith.index_cast %scan3A_1112 : i32 to index
      %swap3A_1140 = arith.constant 0 : index
      %swap3A_1141 = tpu.vector_load %arg19[%swap3A_1139, %swap3A_1140] {strides = array<i32>} : memref<16x128xf32, #tpu.memory_space<vmem>>, vector<16xf32>,
      tpu.vector_store %arg19[%swap3A_1139, %swap3A_1140], %select_n3A_1135 {strides = array<i32>} : memref<16x128xf32, #tpu.memory_space<vmem>>, vector<16xf32>,
      %add3A_1142 = vector.broadcast %mul3A_0 : i32 to vector<16xi32>
      %add3A_1143 = arith.addi %add3A_1142, %add3A_1120 : vector<16xi32>
      %swap3A_1144 = arith.index_cast %scan3A_1112 : i32 to index
      %swap3A_1145 = arith.constant 0 : index
      %swap3A_1146 = tpu.vector_load %arg20[%swap3A_1144, %swap3A_1145] {strides = array<i32>} : memref<16x128xi32, #tpu.memory_space<vmem>>, vector<16xi32>,
      tpu.vector_store %arg20[%swap3A_1144, %swap3A_1145], %add3A_1143 {strides = array<i32>} : memref<16x128xi32, #tpu.memory_space<vmem>>, vector<16xi32>,
      %mul3A_1147 = arith.constant 64 : i32
      %mul3A_1148 = arith.muli %add3A_1114, %mul3A_1147 : i32
      %add3A_1149 = arith.constant 0 : i32
      %add3A_1150 = arith.addi %mul3A_1148, %add3A_1149 : i32
      %add3A_1151 = vector.broadcast %add3A_1150 : i32 to vector<16xi32>
      %add3A_1152 = arith.addi %add3A_1151, %shift_right_arithmetic3A_443 : vector<16xi32>
      %gather3A_1153 = tpu.vector_load_idx %arg10[%add3A_1152] : memref<1024xi32, #tpu.memory_space<vmem>>[vector<16xi32>], vector<16xi32>,
      %gather3A_1154 = tpu.vector_load_idx %arg11[%add3A_1152] : memref<1024xi32, #tpu.memory_space<vmem>>[vector<16xi32>], vector<16xi32>,
      %select_n3A_1155 = arith.select %eq3A_448, %gather3A_1154, %gather3A_1153 : vector<16xi1>, vector<16xi32>
      %broadcast_in_dim3A_1156 = arith.constant true
      %broadcast_in_dim3A_1157 = vector.broadcast %broadcast_in_dim3A_1156 : i1 to vector<16xi1>
      %unique3A_1158, %unique3A_1159 = tpu.scan_count mask(%broadcast_in_dim3A_1157 : vector<16xi1>) value(%select_n3A_1155 : vector<16xi32>) : vector<16xi1>, vector<16xi32>
      %gather3A_1160 = tpu.vector_load_idx %arg15[%select_n3A_1155] : memref<16xi32, #tpu.memory_space<vmem>>[vector<16xi32>], vector<16xi32>,
      %add3A_1161 = arith.addi %gather3A_1160, %unique3A_1159 : vector<16xi32>
      %sub3A_1162 = arith.constant 1 : i32
      %sub3A_1163 = vector.broadcast %sub3A_1162 : i32 to vector<16xi32>
      %sub3A_1164 = arith.subi %add3A_1161, %sub3A_1163 : vector<16xi32>
      %add3A_1165 = arith.constant 1 : i32
      %add3A_1166 = vector.broadcast %add3A_1165 : i32 to vector<16xi32>
      %add3A_1167 = arith.addi %sub3A_1164, %add3A_1166 : vector<16xi32>
      tpu.vector_store_idx %arg15[%select_n3A_1155], %add3A_1167 masked %unique3A_1158 : memref<16xi32, #tpu.memory_space<vmem>>[vector<16xi32>], vector<16xi32>, vector<16xi1>
      %gather3A_1168 = tpu.vector_load_idx %arg12[%add3A_1152] : memref<1024xf32, #tpu.memory_space<vmem>>[vector<16xi32>], vector<16xf32>,
      %gather3A_1169 = tpu.vector_load_idx %arg13[%add3A_1152] : memref<1024xf32, #tpu.memory_space<vmem>>[vector<16xi32>], vector<16xf32>,
      %select_n3A_1170 = arith.select %eq3A_448, %gather3A_1169, %gather3A_1168 : vector<16xi1>, vector<16xf32>
      %swap3A_1171 = arith.index_cast %add3A_1114 : i32 to index
      %swap3A_1172 = arith.constant 0 : index
      %swap3A_1173 = tpu.vector_load %arg18[%swap3A_1171, %swap3A_1172] {strides = array<i32>} : memref<16x128xi32, #tpu.memory_space<vmem>>, vector<16xi32>,
      tpu.vector_store %arg18[%swap3A_1171, %swap3A_1172], %sub3A_1164 {strides = array<i32>} : memref<16x128xi32, #tpu.memory_space<vmem>>, vector<16xi32>,
      %swap3A_1174 = arith.index_cast %add3A_1114 : i32 to index
      %swap3A_1175 = arith.constant 0 : index
      %swap3A_1176 = tpu.vector_load %arg19[%swap3A_1174, %swap3A_1175] {strides = array<i32>} : memref<16x128xf32, #tpu.memory_space<vmem>>, vector<16xf32>,
      tpu.vector_store %arg19[%swap3A_1174, %swap3A_1175], %select_n3A_1170 {strides = array<i32>} : memref<16x128xf32, #tpu.memory_space<vmem>>, vector<16xf32>,
      %add3A_1177 = vector.broadcast %mul3A_0 : i32 to vector<16xi32>
      %add3A_1178 = arith.addi %add3A_1177, %add3A_1152 : vector<16xi32>
      %swap3A_1179 = arith.index_cast %add3A_1114 : i32 to index
      %swap3A_1180 = arith.constant 0 : index
      %swap3A_1181 = tpu.vector_load %arg20[%swap3A_1179, %swap3A_1180] {strides = array<i32>} : memref<16x128xi32, #tpu.memory_space<vmem>>, vector<16xi32>,
      tpu.vector_store %arg20[%swap3A_1179, %swap3A_1180], %add3A_1178 {strides = array<i32>} : memref<16x128xi32, #tpu.memory_space<vmem>>, vector<16xi32>,
      %add3A_1182 = arith.constant 8 : i32
      %add3A_1183 = arith.addi %scan3A_1112, %add3A_1182 : i32
      %mul3A_1184 = arith.constant 64 : i32
      %mul3A_1185 = arith.muli %scan3A_1112, %mul3A_1184 : i32
      %add3A_1186 = arith.constant 8 : i32
      %add3A_1187 = arith.addi %mul3A_1185, %add3A_1186 : i32
      %add3A_1188 = vector.broadcast %add3A_1187 : i32 to vector<16xi32>
      %add3A_1189 = arith.addi %add3A_1188, %shift_right_arithmetic3A_443 : vector<16xi32>
      %gather3A_1190 = tpu.vector_load_idx %arg10[%add3A_1189] : memref<1024xi32, #tpu.memory_space<vmem>>[vector<16xi32>], vector<16xi32>,
      %gather3A_1191 = tpu.vector_load_idx %arg11[%add3A_1189] : memref<1024xi32, #tpu.memory_space<vmem>>[vector<16xi32>], vector<16xi32>,
      %select_n3A_1192 = arith.select %eq3A_448, %gather3A_1191, %gather3A_1190 : vector<16xi1>, vector<16xi32>
      %broadcast_in_dim3A_1193 = arith.constant true
      %broadcast_in_dim3A_1194 = vector.broadcast %broadcast_in_dim3A_1193 : i1 to vector<16xi1>
      %unique3A_1195, %unique3A_1196 = tpu.scan_count mask(%broadcast_in_dim3A_1194 : vector<16xi1>) value(%select_n3A_1192 : vector<16xi32>) : vector<16xi1>, vector<16xi32>
      %gather3A_1197 = tpu.vector_load_idx %arg14[%select_n3A_1192] : memref<16xi32, #tpu.memory_space<vmem>>[vector<16xi32>], vector<16xi32>,
      %add3A_1198 = arith.addi %gather3A_1197, %unique3A_1196 : vector<16xi32>
      %sub3A_1199 = arith.constant 1 : i32
      %sub3A_1200 = vector.broadcast %sub3A_1199 : i32 to vector<16xi32>
      %sub3A_1201 = arith.subi %add3A_1198, %sub3A_1200 : vector<16xi32>
      %add3A_1202 = arith.constant 1 : i32
      %add3A_1203 = vector.broadcast %add3A_1202 : i32 to vector<16xi32>
      %add3A_1204 = arith.addi %sub3A_1201, %add3A_1203 : vector<16xi32>
      tpu.vector_store_idx %arg14[%select_n3A_1192], %add3A_1204 masked %unique3A_1195 : memref<16xi32, #tpu.memory_space<vmem>>[vector<16xi32>], vector<16xi32>, vector<16xi1>
      %gather3A_1205 = tpu.vector_load_idx %arg12[%add3A_1189] : memref<1024xf32, #tpu.memory_space<vmem>>[vector<16xi32>], vector<16xf32>,
      %gather3A_1206 = tpu.vector_load_idx %arg13[%add3A_1189] : memref<1024xf32, #tpu.memory_space<vmem>>[vector<16xi32>], vector<16xf32>,
      %select_n3A_1207 = arith.select %eq3A_448, %gather3A_1206, %gather3A_1205 : vector<16xi1>, vector<16xf32>
      %swap3A_1208 = arith.index_cast %scan3A_1112 : i32 to index
      %swap3A_1209 = arith.constant 16 : index
      %swap3A_1210 = tpu.vector_load %arg18[%swap3A_1208, %swap3A_1209] {strides = array<i32>} : memref<16x128xi32, #tpu.memory_space<vmem>>, vector<16xi32>,
      tpu.vector_store %arg18[%swap3A_1208, %swap3A_1209], %sub3A_1201 {strides = array<i32>} : memref<16x128xi32, #tpu.memory_space<vmem>>, vector<16xi32>,
      %swap3A_1211 = arith.index_cast %scan3A_1112 : i32 to index
      %swap3A_1212 = arith.constant 16 : index
      %swap3A_1213 = tpu.vector_load %arg19[%swap3A_1211, %swap3A_1212] {strides = array<i32>} : memref<16x128xf32, #tpu.memory_space<vmem>>, vector<16xf32>,
      tpu.vector_store %arg19[%swap3A_1211, %swap3A_1212], %select_n3A_1207 {strides = array<i32>} : memref<16x128xf32, #tpu.memory_space<vmem>>, vector<16xf32>,
      %add3A_1214 = vector.broadcast %mul3A_0 : i32 to vector<16xi32>
      %add3A_1215 = arith.addi %add3A_1214, %add3A_1189 : vector<16xi32>
      %swap3A_1216 = arith.index_cast %scan3A_1112 : i32 to index
      %swap3A_1217 = arith.constant 16 : index
      %swap3A_1218 = tpu.vector_load %arg20[%swap3A_1216, %swap3A_1217] {strides = array<i32>} : memref<16x128xi32, #tpu.memory_space<vmem>>, vector<16xi32>,
      tpu.vector_store %arg20[%swap3A_1216, %swap3A_1217], %add3A_1215 {strides = array<i32>} : memref<16x128xi32, #tpu.memory_space<vmem>>, vector<16xi32>,
      %mul3A_1219 = arith.constant 64 : i32
      %mul3A_1220 = arith.muli %add3A_1183, %mul3A_1219 : i32
      %add3A_1221 = arith.constant 8 : i32
      %add3A_1222 = arith.addi %mul3A_1220, %add3A_1221 : i32
      %add3A_1223 = vector.broadcast %add3A_1222 : i32 to vector<16xi32>
      %add3A_1224 = arith.addi %add3A_1223, %shift_right_arithmetic3A_443 : vector<16xi32>
      %gather3A_1225 = tpu.vector_load_idx %arg10[%add3A_1224] : memref<1024xi32, #tpu.memory_space<vmem>>[vector<16xi32>], vector<16xi32>,
      %gather3A_1226 = tpu.vector_load_idx %arg11[%add3A_1224] : memref<1024xi32, #tpu.memory_space<vmem>>[vector<16xi32>], vector<16xi32>,
      %select_n3A_1227 = arith.select %eq3A_448, %gather3A_1226, %gather3A_1225 : vector<16xi1>, vector<16xi32>
      %broadcast_in_dim3A_1228 = arith.constant true
      %broadcast_in_dim3A_1229 = vector.broadcast %broadcast_in_dim3A_1228 : i1 to vector<16xi1>
      %unique3A_1230, %unique3A_1231 = tpu.scan_count mask(%broadcast_in_dim3A_1229 : vector<16xi1>) value(%select_n3A_1227 : vector<16xi32>) : vector<16xi1>, vector<16xi32>
      %gather3A_1232 = tpu.vector_load_idx %arg15[%select_n3A_1227] : memref<16xi32, #tpu.memory_space<vmem>>[vector<16xi32>], vector<16xi32>,
      %add3A_1233 = arith.addi %gather3A_1232, %unique3A_1231 : vector<16xi32>
      %sub3A_1234 = arith.constant 1 : i32
      %sub3A_1235 = vector.broadcast %sub3A_1234 : i32 to vector<16xi32>
      %sub3A_1236 = arith.subi %add3A_1233, %sub3A_1235 : vector<16xi32>
      %add3A_1237 = arith.constant 1 : i32
      %add3A_1238 = vector.broadcast %add3A_1237 : i32 to vector<16xi32>
      %add3A_1239 = arith.addi %sub3A_1236, %add3A_1238 : vector<16xi32>
      tpu.vector_store_idx %arg15[%select_n3A_1227], %add3A_1239 masked %unique3A_1230 : memref<16xi32, #tpu.memory_space<vmem>>[vector<16xi32>], vector<16xi32>, vector<16xi1>
      %gather3A_1240 = tpu.vector_load_idx %arg12[%add3A_1224] : memref<1024xf32, #tpu.memory_space<vmem>>[vector<16xi32>], vector<16xf32>,
      %gather3A_1241 = tpu.vector_load_idx %arg13[%add3A_1224] : memref<1024xf32, #tpu.memory_space<vmem>>[vector<16xi32>], vector<16xf32>,
      %select_n3A_1242 = arith.select %eq3A_448, %gather3A_1241, %gather3A_1240 : vector<16xi1>, vector<16xf32>
      %swap3A_1243 = arith.index_cast %add3A_1183 : i32 to index
      %swap3A_1244 = arith.constant 16 : index
      %swap3A_1245 = tpu.vector_load %arg18[%swap3A_1243, %swap3A_1244] {strides = array<i32>} : memref<16x128xi32, #tpu.memory_space<vmem>>, vector<16xi32>,
      tpu.vector_store %arg18[%swap3A_1243, %swap3A_1244], %sub3A_1236 {strides = array<i32>} : memref<16x128xi32, #tpu.memory_space<vmem>>, vector<16xi32>,
      %swap3A_1246 = arith.index_cast %add3A_1183 : i32 to index
      %swap3A_1247 = arith.constant 16 : index
      %swap3A_1248 = tpu.vector_load %arg19[%swap3A_1246, %swap3A_1247] {strides = array<i32>} : memref<16x128xf32, #tpu.memory_space<vmem>>, vector<16xf32>,
      tpu.vector_store %arg19[%swap3A_1246, %swap3A_1247], %select_n3A_1242 {strides = array<i32>} : memref<16x128xf32, #tpu.memory_space<vmem>>, vector<16xf32>,
      %add3A_1249 = vector.broadcast %mul3A_0 : i32 to vector<16xi32>
      %add3A_1250 = arith.addi %add3A_1249, %add3A_1224 : vector<16xi32>
      %swap3A_1251 = arith.index_cast %add3A_1183 : i32 to index
      %swap3A_1252 = arith.constant 16 : index
      %swap3A_1253 = tpu.vector_load %arg20[%swap3A_1251, %swap3A_1252] {strides = array<i32>} : memref<16x128xi32, #tpu.memory_space<vmem>>, vector<16xi32>,
      tpu.vector_store %arg20[%swap3A_1251, %swap3A_1252], %add3A_1250 {strides = array<i32>} : memref<16x128xi32, #tpu.memory_space<vmem>>, vector<16xi32>,
      %add3A_1254 = arith.constant 8 : i32
      %add3A_1255 = arith.addi %scan3A_1112, %add3A_1254 : i32
      %mul3A_1256 = arith.constant 64 : i32
      %mul3A_1257 = arith.muli %scan3A_1112, %mul3A_1256 : i32
      %add3A_1258 = arith.constant 16 : i32
      %add3A_1259 = arith.addi %mul3A_1257, %add3A_1258 : i32
      %add3A_1260 = vector.broadcast %add3A_1259 : i32 to vector<16xi32>
      %add3A_1261 = arith.addi %add3A_1260, %shift_right_arithmetic3A_443 : vector<16xi32>
      %gather3A_1262 = tpu.vector_load_idx %arg10[%add3A_1261] : memref<1024xi32, #tpu.memory_space<vmem>>[vector<16xi32>], vector<16xi32>,
      %gather3A_1263 = tpu.vector_load_idx %arg11[%add3A_1261] : memref<1024xi32, #tpu.memory_space<vmem>>[vector<16xi32>], vector<16xi32>,
      %select_n3A_1264 = arith.select %eq3A_448, %gather3A_1263, %gather3A_1262 : vector<16xi1>, vector<16xi32>
      %broadcast_in_dim3A_1265 = arith.constant true
      %broadcast_in_dim3A_1266 = vector.broadcast %broadcast_in_dim3A_1265 : i1 to vector<16xi1>
      %unique3A_1267, %unique3A_1268 = tpu.scan_count mask(%broadcast_in_dim3A_1266 : vector<16xi1>) value(%select_n3A_1264 : vector<16xi32>) : vector<16xi1>, vector<16xi32>
      %gather3A_1269 = tpu.vector_load_idx %arg14[%select_n3A_1264] : memref<16xi32, #tpu.memory_space<vmem>>[vector<16xi32>], vector<16xi32>,
      %add3A_1270 = arith.addi %gather3A_1269, %unique3A_1268 : vector<16xi32>
      %sub3A_1271 = arith.constant 1 : i32
      %sub3A_1272 = vector.broadcast %sub3A_1271 : i32 to vector<16xi32>
      %sub3A_1273 = arith.subi %add3A_1270, %sub3A_1272 : vector<16xi32>
      %add3A_1274 = arith.constant 1 : i32
      %add3A_1275 = vector.broadcast %add3A_1274 : i32 to vector<16xi32>
      %add3A_1276 = arith.addi %sub3A_1273, %add3A_1275 : vector<16xi32>
      tpu.vector_store_idx %arg14[%select_n3A_1264], %add3A_1276 masked %unique3A_1267 : memref<16xi32, #tpu.memory_space<vmem>>[vector<16xi32>], vector<16xi32>, vector<16xi1>
      %gather3A_1277 = tpu.vector_load_idx %arg12[%add3A_1261] : memref<1024xf32, #tpu.memory_space<vmem>>[vector<16xi32>], vector<16xf32>,
      %gather3A_1278 = tpu.vector_load_idx %arg13[%add3A_1261] : memref<1024xf32, #tpu.memory_space<vmem>>[vector<16xi32>], vector<16xf32>,
      %select_n3A_1279 = arith.select %eq3A_448, %gather3A_1278, %gather3A_1277 : vector<16xi1>, vector<16xf32>
      %swap3A_1280 = arith.index_cast %scan3A_1112 : i32 to index
      %swap3A_1281 = arith.constant 32 : index
      %swap3A_1282 = tpu.vector_load %arg18[%swap3A_1280, %swap3A_1281] {strides = array<i32>} : memref<16x128xi32, #tpu.memory_space<vmem>>, vector<16xi32>,
      tpu.vector_store %arg18[%swap3A_1280, %swap3A_1281], %sub3A_1273 {strides = array<i32>} : memref<16x128xi32, #tpu.memory_space<vmem>>, vector<16xi32>,
      %swap3A_1283 = arith.index_cast %scan3A_1112 : i32 to index
      %swap3A_1284 = arith.constant 32 : index
      %swap3A_1285 = tpu.vector_load %arg19[%swap3A_1283, %swap3A_1284] {strides = array<i32>} : memref<16x128xf32, #tpu.memory_space<vmem>>, vector<16xf32>,
      tpu.vector_store %arg19[%swap3A_1283, %swap3A_1284], %select_n3A_1279 {strides = array<i32>} : memref<16x128xf32, #tpu.memory_space<vmem>>, vector<16xf32>,
      %add3A_1286 = vector.broadcast %mul3A_0 : i32 to vector<16xi32>
      %add3A_1287 = arith.addi %add3A_1286, %add3A_1261 : vector<16xi32>
      %swap3A_1288 = arith.index_cast %scan3A_1112 : i32 to index
      %swap3A_1289 = arith.constant 32 : index
      %swap3A_1290 = tpu.vector_load %arg20[%swap3A_1288, %swap3A_1289] {strides = array<i32>} : memref<16x128xi32, #tpu.memory_space<vmem>>, vector<16xi32>,
      tpu.vector_store %arg20[%swap3A_1288, %swap3A_1289], %add3A_1287 {strides = array<i32>} : memref<16x128xi32, #tpu.memory_space<vmem>>, vector<16xi32>,
      %mul3A_1291 = arith.constant 64 : i32
      %mul3A_1292 = arith.muli %add3A_1255, %mul3A_1291 : i32
      %add3A_1293 = arith.constant 16 : i32
      %add3A_1294 = arith.addi %mul3A_1292, %add3A_1293 : i32
      %add3A_1295 = vector.broadcast %add3A_1294 : i32 to vector<16xi32>
      %add3A_1296 = arith.addi %add3A_1295, %shift_right_arithmetic3A_443 : vector<16xi32>
      %gather3A_1297 = tpu.vector_load_idx %arg10[%add3A_1296] : memref<1024xi32, #tpu.memory_space<vmem>>[vector<16xi32>], vector<16xi32>,
      %gather3A_1298 = tpu.vector_load_idx %arg11[%add3A_1296] : memref<1024xi32, #tpu.memory_space<vmem>>[vector<16xi32>], vector<16xi32>,
      %select_n3A_1299 = arith.select %eq3A_448, %gather3A_1298, %gather3A_1297 : vector<16xi1>, vector<16xi32>
      %broadcast_in_dim3A_1300 = arith.constant true
      %broadcast_in_dim3A_1301 = vector.broadcast %broadcast_in_dim3A_1300 : i1 to vector<16xi1>
      %unique3A_1302, %unique3A_1303 = tpu.scan_count mask(%broadcast_in_dim3A_1301 : vector<16xi1>) value(%select_n3A_1299 : vector<16xi32>) : vector<16xi1>, vector<16xi32>
      %gather3A_1304 = tpu.vector_load_idx %arg15[%select_n3A_1299] : memref<16xi32, #tpu.memory_space<vmem>>[vector<16xi32>], vector<16xi32>,
      %add3A_1305 = arith.addi %gather3A_1304, %unique3A_1303 : vector<16xi32>
      %sub3A_1306 = arith.constant 1 : i32
      %sub3A_1307 = vector.broadcast %sub3A_1306 : i32 to vector<16xi32>
      %sub3A_1308 = arith.subi %add3A_1305, %sub3A_1307 : vector<16xi32>
      %add3A_1309 = arith.constant 1 : i32
      %add3A_1310 = vector.broadcast %add3A_1309 : i32 to vector<16xi32>
      %add3A_1311 = arith.addi %sub3A_1308, %add3A_1310 : vector<16xi32>
      tpu.vector_store_idx %arg15[%select_n3A_1299], %add3A_1311 masked %unique3A_1302 : memref<16xi32, #tpu.memory_space<vmem>>[vector<16xi32>], vector<16xi32>, vector<16xi1>
      %gather3A_1312 = tpu.vector_load_idx %arg12[%add3A_1296] : memref<1024xf32, #tpu.memory_space<vmem>>[vector<16xi32>], vector<16xf32>,
      %gather3A_1313 = tpu.vector_load_idx %arg13[%add3A_1296] : memref<1024xf32, #tpu.memory_space<vmem>>[vector<16xi32>], vector<16xf32>,
      %select_n3A_1314 = arith.select %eq3A_448, %gather3A_1313, %gather3A_1312 : vector<16xi1>, vector<16xf32>
      %swap3A_1315 = arith.index_cast %add3A_1255 : i32 to index
      %swap3A_1316 = arith.constant 32 : index
      %swap3A_1317 = tpu.vector_load %arg18[%swap3A_1315, %swap3A_1316] {strides = array<i32>} : memref<16x128xi32, #tpu.memory_space<vmem>>, vector<16xi32>,
      tpu.vector_store %arg18[%swap3A_1315, %swap3A_1316], %sub3A_1308 {strides = array<i32>} : memref<16x128xi32, #tpu.memory_space<vmem>>, vector<16xi32>,
      %swap3A_1318 = arith.index_cast %add3A_1255 : i32 to index
      %swap3A_1319 = arith.constant 32 : index
      %swap3A_1320 = tpu.vector_load %arg19[%swap3A_1318, %swap3A_1319] {strides = array<i32>} : memref<16x128xf32, #tpu.memory_space<vmem>>, vector<16xf32>,
      tpu.vector_store %arg19[%swap3A_1318, %swap3A_1319], %select_n3A_1314 {strides = array<i32>} : memref<16x128xf32, #tpu.memory_space<vmem>>, vector<16xf32>,
      %add3A_1321 = vector.broadcast %mul3A_0 : i32 to vector<16xi32>
      %add3A_1322 = arith.addi %add3A_1321, %add3A_1296 : vector<16xi32>
      %swap3A_1323 = arith.index_cast %add3A_1255 : i32 to index
      %swap3A_1324 = arith.constant 32 : index
      %swap3A_1325 = tpu.vector_load %arg20[%swap3A_1323, %swap3A_1324] {strides = array<i32>} : memref<16x128xi32, #tpu.memory_space<vmem>>, vector<16xi32>,
      tpu.vector_store %arg20[%swap3A_1323, %swap3A_1324], %add3A_1322 {strides = array<i32>} : memref<16x128xi32, #tpu.memory_space<vmem>>, vector<16xi32>,
      %add3A_1326 = arith.constant 8 : i32
      %add3A_1327 = arith.addi %scan3A_1112, %add3A_1326 : i32
      %mul3A_1328 = arith.constant 64 : i32
      %mul3A_1329 = arith.muli %scan3A_1112, %mul3A_1328 : i32
      %add3A_1330 = arith.constant 24 : i32
      %add3A_1331 = arith.addi %mul3A_1329, %add3A_1330 : i32
      %add3A_1332 = vector.broadcast %add3A_1331 : i32 to vector<16xi32>
      %add3A_1333 = arith.addi %add3A_1332, %shift_right_arithmetic3A_443 : vector<16xi32>
      %gather3A_1334 = tpu.vector_load_idx %arg10[%add3A_1333] : memref<1024xi32, #tpu.memory_space<vmem>>[vector<16xi32>], vector<16xi32>,
      %gather3A_1335 = tpu.vector_load_idx %arg11[%add3A_1333] : memref<1024xi32, #tpu.memory_space<vmem>>[vector<16xi32>], vector<16xi32>,
      %select_n3A_1336 = arith.select %eq3A_448, %gather3A_1335, %gather3A_1334 : vector<16xi1>, vector<16xi32>
      %broadcast_in_dim3A_1337 = arith.constant true
      %broadcast_in_dim3A_1338 = vector.broadcast %broadcast_in_dim3A_1337 : i1 to vector<16xi1>
      %unique3A_1339, %unique3A_1340 = tpu.scan_count mask(%broadcast_in_dim3A_1338 : vector<16xi1>) value(%select_n3A_1336 : vector<16xi32>) : vector<16xi1>, vector<16xi32>
      %gather3A_1341 = tpu.vector_load_idx %arg14[%select_n3A_1336] : memref<16xi32, #tpu.memory_space<vmem>>[vector<16xi32>], vector<16xi32>,
      %add3A_1342 = arith.addi %gather3A_1341, %unique3A_1340 : vector<16xi32>
      %sub3A_1343 = arith.constant 1 : i32
      %sub3A_1344 = vector.broadcast %sub3A_1343 : i32 to vector<16xi32>
      %sub3A_1345 = arith.subi %add3A_1342, %sub3A_1344 : vector<16xi32>
      %add3A_1346 = arith.constant 1 : i32
      %add3A_1347 = vector.broadcast %add3A_1346 : i32 to vector<16xi32>
      %add3A_1348 = arith.addi %sub3A_1345, %add3A_1347 : vector<16xi32>
      tpu.vector_store_idx %arg14[%select_n3A_1336], %add3A_1348 masked %unique3A_1339 : memref<16xi32, #tpu.memory_space<vmem>>[vector<16xi32>], vector<16xi32>, vector<16xi1>
      %gather3A_1349 = tpu.vector_load_idx %arg12[%add3A_1333] : memref<1024xf32, #tpu.memory_space<vmem>>[vector<16xi32>], vector<16xf32>,
      %gather3A_1350 = tpu.vector_load_idx %arg13[%add3A_1333] : memref<1024xf32, #tpu.memory_space<vmem>>[vector<16xi32>], vector<16xf32>,
      %select_n3A_1351 = arith.select %eq3A_448, %gather3A_1350, %gather3A_1349 : vector<16xi1>, vector<16xf32>
      %swap3A_1352 = arith.index_cast %scan3A_1112 : i32 to index
      %swap3A_1353 = arith.constant 48 : index
      %swap3A_1354 = tpu.vector_load %arg18[%swap3A_1352, %swap3A_1353] {strides = array<i32>} : memref<16x128xi32, #tpu.memory_space<vmem>>, vector<16xi32>,
      tpu.vector_store %arg18[%swap3A_1352, %swap3A_1353], %sub3A_1345 {strides = array<i32>} : memref<16x128xi32, #tpu.memory_space<vmem>>, vector<16xi32>,
      %swap3A_1355 = arith.index_cast %scan3A_1112 : i32 to index
      %swap3A_1356 = arith.constant 48 : index
      %swap3A_1357 = tpu.vector_load %arg19[%swap3A_1355, %swap3A_1356] {strides = array<i32>} : memref<16x128xf32, #tpu.memory_space<vmem>>, vector<16xf32>,
      tpu.vector_store %arg19[%swap3A_1355, %swap3A_1356], %select_n3A_1351 {strides = array<i32>} : memref<16x128xf32, #tpu.memory_space<vmem>>, vector<16xf32>,
      %add3A_1358 = vector.broadcast %mul3A_0 : i32 to vector<16xi32>
      %add3A_1359 = arith.addi %add3A_1358, %add3A_1333 : vector<16xi32>
      %swap3A_1360 = arith.index_cast %scan3A_1112 : i32 to index
      %swap3A_1361 = arith.constant 48 : index
      %swap3A_1362 = tpu.vector_load %arg20[%swap3A_1360, %swap3A_1361] {strides = array<i32>} : memref<16x128xi32, #tpu.memory_space<vmem>>, vector<16xi32>,
      tpu.vector_store %arg20[%swap3A_1360, %swap3A_1361], %add3A_1359 {strides = array<i32>} : memref<16x128xi32, #tpu.memory_space<vmem>>, vector<16xi32>,
      %mul3A_1363 = arith.constant 64 : i32
      %mul3A_1364 = arith.muli %add3A_1327, %mul3A_1363 : i32
      %add3A_1365 = arith.constant 24 : i32
      %add3A_1366 = arith.addi %mul3A_1364, %add3A_1365 : i32
      %add3A_1367 = vector.broadcast %add3A_1366 : i32 to vector<16xi32>
      %add3A_1368 = arith.addi %add3A_1367, %shift_right_arithmetic3A_443 : vector<16xi32>
      %gather3A_1369 = tpu.vector_load_idx %arg10[%add3A_1368] : memref<1024xi32, #tpu.memory_space<vmem>>[vector<16xi32>], vector<16xi32>,
      %gather3A_1370 = tpu.vector_load_idx %arg11[%add3A_1368] : memref<1024xi32, #tpu.memory_space<vmem>>[vector<16xi32>], vector<16xi32>,
      %select_n3A_1371 = arith.select %eq3A_448, %gather3A_1370, %gather3A_1369 : vector<16xi1>, vector<16xi32>
      %broadcast_in_dim3A_1372 = arith.constant true
      %broadcast_in_dim3A_1373 = vector.broadcast %broadcast_in_dim3A_1372 : i1 to vector<16xi1>
      %unique3A_1374, %unique3A_1375 = tpu.scan_count mask(%broadcast_in_dim3A_1373 : vector<16xi1>) value(%select_n3A_1371 : vector<16xi32>) : vector<16xi1>, vector<16xi32>
      %gather3A_1376 = tpu.vector_load_idx %arg15[%select_n3A_1371] : memref<16xi32, #tpu.memory_space<vmem>>[vector<16xi32>], vector<16xi32>,
      %add3A_1377 = arith.addi %gather3A_1376, %unique3A_1375 : vector<16xi32>
      %sub3A_1378 = arith.constant 1 : i32
      %sub3A_1379 = vector.broadcast %sub3A_1378 : i32 to vector<16xi32>
      %sub3A_1380 = arith.subi %add3A_1377, %sub3A_1379 : vector<16xi32>
      %add3A_1381 = arith.constant 1 : i32
      %add3A_1382 = vector.broadcast %add3A_1381 : i32 to vector<16xi32>
      %add3A_1383 = arith.addi %sub3A_1380, %add3A_1382 : vector<16xi32>
      tpu.vector_store_idx %arg15[%select_n3A_1371], %add3A_1383 masked %unique3A_1374 : memref<16xi32, #tpu.memory_space<vmem>>[vector<16xi32>], vector<16xi32>, vector<16xi1>
      %gather3A_1384 = tpu.vector_load_idx %arg12[%add3A_1368] : memref<1024xf32, #tpu.memory_space<vmem>>[vector<16xi32>], vector<16xf32>,
      %gather3A_1385 = tpu.vector_load_idx %arg13[%add3A_1368] : memref<1024xf32, #tpu.memory_space<vmem>>[vector<16xi32>], vector<16xf32>,
      %select_n3A_1386 = arith.select %eq3A_448, %gather3A_1385, %gather3A_1384 : vector<16xi1>, vector<16xf32>
      %swap3A_1387 = arith.index_cast %add3A_1327 : i32 to index
      %swap3A_1388 = arith.constant 48 : index
      %swap3A_1389 = tpu.vector_load %arg18[%swap3A_1387, %swap3A_1388] {strides = array<i32>} : memref<16x128xi32, #tpu.memory_space<vmem>>, vector<16xi32>,
      tpu.vector_store %arg18[%swap3A_1387, %swap3A_1388], %sub3A_1380 {strides = array<i32>} : memref<16x128xi32, #tpu.memory_space<vmem>>, vector<16xi32>,
      %swap3A_1390 = arith.index_cast %add3A_1327 : i32 to index
      %swap3A_1391 = arith.constant 48 : index
      %swap3A_1392 = tpu.vector_load %arg19[%swap3A_1390, %swap3A_1391] {strides = array<i32>} : memref<16x128xf32, #tpu.memory_space<vmem>>, vector<16xf32>,
      tpu.vector_store %arg19[%swap3A_1390, %swap3A_1391], %select_n3A_1386 {strides = array<i32>} : memref<16x128xf32, #tpu.memory_space<vmem>>, vector<16xf32>,
      %add3A_1393 = vector.broadcast %mul3A_0 : i32 to vector<16xi32>
      %add3A_1394 = arith.addi %add3A_1393, %add3A_1368 : vector<16xi32>
      %swap3A_1395 = arith.index_cast %add3A_1327 : i32 to index
      %swap3A_1396 = arith.constant 48 : index
      %swap3A_1397 = tpu.vector_load %arg20[%swap3A_1395, %swap3A_1396] {strides = array<i32>} : memref<16x128xi32, #tpu.memory_space<vmem>>, vector<16xi32>,
      tpu.vector_store %arg20[%swap3A_1395, %swap3A_1396], %add3A_1394 {strides = array<i32>} : memref<16x128xi32, #tpu.memory_space<vmem>>, vector<16xi32>,
      %add3A_1398 = arith.constant 8 : i32
      %add3A_1399 = arith.addi %scan3A_1112, %add3A_1398 : i32
      %mul3A_1400 = arith.constant 64 : i32
      %mul3A_1401 = arith.muli %scan3A_1112, %mul3A_1400 : i32
      %add3A_1402 = arith.constant 32 : i32
      %add3A_1403 = arith.addi %mul3A_1401, %add3A_1402 : i32
      %add3A_1404 = vector.broadcast %add3A_1403 : i32 to vector<16xi32>
      %add3A_1405 = arith.addi %add3A_1404, %shift_right_arithmetic3A_443 : vector<16xi32>
      %gather3A_1406 = tpu.vector_load_idx %arg10[%add3A_1405] : memref<1024xi32, #tpu.memory_space<vmem>>[vector<16xi32>], vector<16xi32>,
      %gather3A_1407 = tpu.vector_load_idx %arg11[%add3A_1405] : memref<1024xi32, #tpu.memory_space<vmem>>[vector<16xi32>], vector<16xi32>,
      %select_n3A_1408 = arith.select %eq3A_448, %gather3A_1407, %gather3A_1406 : vector<16xi1>, vector<16xi32>
      %broadcast_in_dim3A_1409 = arith.constant true
      %broadcast_in_dim3A_1410 = vector.broadcast %broadcast_in_dim3A_1409 : i1 to vector<16xi1>
      %unique3A_1411, %unique3A_1412 = tpu.scan_count mask(%broadcast_in_dim3A_1410 : vector<16xi1>) value(%select_n3A_1408 : vector<16xi32>) : vector<16xi1>, vector<16xi32>
      %gather3A_1413 = tpu.vector_load_idx %arg14[%select_n3A_1408] : memref<16xi32, #tpu.memory_space<vmem>>[vector<16xi32>], vector<16xi32>,
      %add3A_1414 = arith.addi %gather3A_1413, %unique3A_1412 : vector<16xi32>
      %sub3A_1415 = arith.constant 1 : i32
      %sub3A_1416 = vector.broadcast %sub3A_1415 : i32 to vector<16xi32>
      %sub3A_1417 = arith.subi %add3A_1414, %sub3A_1416 : vector<16xi32>
      %add3A_1418 = arith.constant 1 : i32
      %add3A_1419 = vector.broadcast %add3A_1418 : i32 to vector<16xi32>
      %add3A_1420 = arith.addi %sub3A_1417, %add3A_1419 : vector<16xi32>
      tpu.vector_store_idx %arg14[%select_n3A_1408], %add3A_1420 masked %unique3A_1411 : memref<16xi32, #tpu.memory_space<vmem>>[vector<16xi32>], vector<16xi32>, vector<16xi1>
      %gather3A_1421 = tpu.vector_load_idx %arg12[%add3A_1405] : memref<1024xf32, #tpu.memory_space<vmem>>[vector<16xi32>], vector<16xf32>,
      %gather3A_1422 = tpu.vector_load_idx %arg13[%add3A_1405] : memref<1024xf32, #tpu.memory_space<vmem>>[vector<16xi32>], vector<16xf32>,
      %select_n3A_1423 = arith.select %eq3A_448, %gather3A_1422, %gather3A_1421 : vector<16xi1>, vector<16xf32>
      %swap3A_1424 = arith.index_cast %scan3A_1112 : i32 to index
      %swap3A_1425 = arith.constant 64 : index
      %swap3A_1426 = tpu.vector_load %arg18[%swap3A_1424, %swap3A_1425] {strides = array<i32>} : memref<16x128xi32, #tpu.memory_space<vmem>>, vector<16xi32>,
      tpu.vector_store %arg18[%swap3A_1424, %swap3A_1425], %sub3A_1417 {strides = array<i32>} : memref<16x128xi32, #tpu.memory_space<vmem>>, vector<16xi32>,
      %swap3A_1427 = arith.index_cast %scan3A_1112 : i32 to index
      %swap3A_1428 = arith.constant 64 : index
      %swap3A_1429 = tpu.vector_load %arg19[%swap3A_1427, %swap3A_1428] {strides = array<i32>} : memref<16x128xf32, #tpu.memory_space<vmem>>, vector<16xf32>,
      tpu.vector_store %arg19[%swap3A_1427, %swap3A_1428], %select_n3A_1423 {strides = array<i32>} : memref<16x128xf32, #tpu.memory_space<vmem>>, vector<16xf32>,
      %add3A_1430 = vector.broadcast %mul3A_0 : i32 to vector<16xi32>
      %add3A_1431 = arith.addi %add3A_1430, %add3A_1405 : vector<16xi32>
      %swap3A_1432 = arith.index_cast %scan3A_1112 : i32 to index
      %swap3A_1433 = arith.constant 64 : index
      %swap3A_1434 = tpu.vector_load %arg20[%swap3A_1432, %swap3A_1433] {strides = array<i32>} : memref<16x128xi32, #tpu.memory_space<vmem>>, vector<16xi32>,
      tpu.vector_store %arg20[%swap3A_1432, %swap3A_1433], %add3A_1431 {strides = array<i32>} : memref<16x128xi32, #tpu.memory_space<vmem>>, vector<16xi32>,
      %mul3A_1435 = arith.constant 64 : i32
      %mul3A_1436 = arith.muli %add3A_1399, %mul3A_1435 : i32
      %add3A_1437 = arith.constant 32 : i32
      %add3A_1438 = arith.addi %mul3A_1436, %add3A_1437 : i32
      %add3A_1439 = vector.broadcast %add3A_1438 : i32 to vector<16xi32>
      %add3A_1440 = arith.addi %add3A_1439, %shift_right_arithmetic3A_443 : vector<16xi32>
      %gather3A_1441 = tpu.vector_load_idx %arg10[%add3A_1440] : memref<1024xi32, #tpu.memory_space<vmem>>[vector<16xi32>], vector<16xi32>,
      %gather3A_1442 = tpu.vector_load_idx %arg11[%add3A_1440] : memref<1024xi32, #tpu.memory_space<vmem>>[vector<16xi32>], vector<16xi32>,
      %select_n3A_1443 = arith.select %eq3A_448, %gather3A_1442, %gather3A_1441 : vector<16xi1>, vector<16xi32>
      %broadcast_in_dim3A_1444 = arith.constant true
      %broadcast_in_dim3A_1445 = vector.broadcast %broadcast_in_dim3A_1444 : i1 to vector<16xi1>
      %unique3A_1446, %unique3A_1447 = tpu.scan_count mask(%broadcast_in_dim3A_1445 : vector<16xi1>) value(%select_n3A_1443 : vector<16xi32>) : vector<16xi1>, vector<16xi32>
      %gather3A_1448 = tpu.vector_load_idx %arg15[%select_n3A_1443] : memref<16xi32, #tpu.memory_space<vmem>>[vector<16xi32>], vector<16xi32>,
      %add3A_1449 = arith.addi %gather3A_1448, %unique3A_1447 : vector<16xi32>
      %sub3A_1450 = arith.constant 1 : i32
      %sub3A_1451 = vector.broadcast %sub3A_1450 : i32 to vector<16xi32>
      %sub3A_1452 = arith.subi %add3A_1449, %sub3A_1451 : vector<16xi32>
      %add3A_1453 = arith.constant 1 : i32
      %add3A_1454 = vector.broadcast %add3A_1453 : i32 to vector<16xi32>
      %add3A_1455 = arith.addi %sub3A_1452, %add3A_1454 : vector<16xi32>
      tpu.vector_store_idx %arg15[%select_n3A_1443], %add3A_1455 masked %unique3A_1446 : memref<16xi32, #tpu.memory_space<vmem>>[vector<16xi32>], vector<16xi32>, vector<16xi1>
      %gather3A_1456 = tpu.vector_load_idx %arg12[%add3A_1440] : memref<1024xf32, #tpu.memory_space<vmem>>[vector<16xi32>], vector<16xf32>,
      %gather3A_1457 = tpu.vector_load_idx %arg13[%add3A_1440] : memref<1024xf32, #tpu.memory_space<vmem>>[vector<16xi32>], vector<16xf32>,
      %select_n3A_1458 = arith.select %eq3A_448, %gather3A_1457, %gather3A_1456 : vector<16xi1>, vector<16xf32>
      %swap3A_1459 = arith.index_cast %add3A_1399 : i32 to index
      %swap3A_1460 = arith.constant 64 : index
      %swap3A_1461 = tpu.vector_load %arg18[%swap3A_1459, %swap3A_1460] {strides = array<i32>} : memref<16x128xi32, #tpu.memory_space<vmem>>, vector<16xi32>,
      tpu.vector_store %arg18[%swap3A_1459, %swap3A_1460], %sub3A_1452 {strides = array<i32>} : memref<16x128xi32, #tpu.memory_space<vmem>>, vector<16xi32>,
      %swap3A_1462 = arith.index_cast %add3A_1399 : i32 to index
      %swap3A_1463 = arith.constant 64 : index
      %swap3A_1464 = tpu.vector_load %arg19[%swap3A_1462, %swap3A_1463] {strides = array<i32>} : memref<16x128xf32, #tpu.memory_space<vmem>>, vector<16xf32>,
      tpu.vector_store %arg19[%swap3A_1462, %swap3A_1463], %select_n3A_1458 {strides = array<i32>} : memref<16x128xf32, #tpu.memory_space<vmem>>, vector<16xf32>,
      %add3A_1465 = vector.broadcast %mul3A_0 : i32 to vector<16xi32>
      %add3A_1466 = arith.addi %add3A_1465, %add3A_1440 : vector<16xi32>
      %swap3A_1467 = arith.index_cast %add3A_1399 : i32 to index
      %swap3A_1468 = arith.constant 64 : index
      %swap3A_1469 = tpu.vector_load %arg20[%swap3A_1467, %swap3A_1468] {strides = array<i32>} : memref<16x128xi32, #tpu.memory_space<vmem>>, vector<16xi32>,
      tpu.vector_store %arg20[%swap3A_1467, %swap3A_1468], %add3A_1466 {strides = array<i32>} : memref<16x128xi32, #tpu.memory_space<vmem>>, vector<16xi32>,
      %add3A_1470 = arith.constant 8 : i32
      %add3A_1471 = arith.addi %scan3A_1112, %add3A_1470 : i32
      %mul3A_1472 = arith.constant 64 : i32
      %mul3A_1473 = arith.muli %scan3A_1112, %mul3A_1472 : i32
      %add3A_1474 = arith.constant 40 : i32
      %add3A_1475 = arith.addi %mul3A_1473, %add3A_1474 : i32
      %add3A_1476 = vector.broadcast %add3A_1475 : i32 to vector<16xi32>
      %add3A_1477 = arith.addi %add3A_1476, %shift_right_arithmetic3A_443 : vector<16xi32>
      %gather3A_1478 = tpu.vector_load_idx %arg10[%add3A_1477] : memref<1024xi32, #tpu.memory_space<vmem>>[vector<16xi32>], vector<16xi32>,
      %gather3A_1479 = tpu.vector_load_idx %arg11[%add3A_1477] : memref<1024xi32, #tpu.memory_space<vmem>>[vector<16xi32>], vector<16xi32>,
      %select_n3A_1480 = arith.select %eq3A_448, %gather3A_1479, %gather3A_1478 : vector<16xi1>, vector<16xi32>
      %broadcast_in_dim3A_1481 = arith.constant true
      %broadcast_in_dim3A_1482 = vector.broadcast %broadcast_in_dim3A_1481 : i1 to vector<16xi1>
      %unique3A_1483, %unique3A_1484 = tpu.scan_count mask(%broadcast_in_dim3A_1482 : vector<16xi1>) value(%select_n3A_1480 : vector<16xi32>) : vector<16xi1>, vector<16xi32>
      %gather3A_1485 = tpu.vector_load_idx %arg14[%select_n3A_1480] : memref<16xi32, #tpu.memory_space<vmem>>[vector<16xi32>], vector<16xi32>,
      %add3A_1486 = arith.addi %gather3A_1485, %unique3A_1484 : vector<16xi32>
      %sub3A_1487 = arith.constant 1 : i32
      %sub3A_1488 = vector.broadcast %sub3A_1487 : i32 to vector<16xi32>
      %sub3A_1489 = arith.subi %add3A_1486, %sub3A_1488 : vector<16xi32>
      %add3A_1490 = arith.constant 1 : i32
      %add3A_1491 = vector.broadcast %add3A_1490 : i32 to vector<16xi32>
      %add3A_1492 = arith.addi %sub3A_1489, %add3A_1491 : vector<16xi32>
      tpu.vector_store_idx %arg14[%select_n3A_1480], %add3A_1492 masked %unique3A_1483 : memref<16xi32, #tpu.memory_space<vmem>>[vector<16xi32>], vector<16xi32>, vector<16xi1>
      %gather3A_1493 = tpu.vector_load_idx %arg12[%add3A_1477] : memref<1024xf32, #tpu.memory_space<vmem>>[vector<16xi32>], vector<16xf32>,
      %gather3A_1494 = tpu.vector_load_idx %arg13[%add3A_1477] : memref<1024xf32, #tpu.memory_space<vmem>>[vector<16xi32>], vector<16xf32>,
      %select_n3A_1495 = arith.select %eq3A_448, %gather3A_1494, %gather3A_1493 : vector<16xi1>, vector<16xf32>
      %swap3A_1496 = arith.index_cast %scan3A_1112 : i32 to index
      %swap3A_1497 = arith.constant 80 : index
      %swap3A_1498 = tpu.vector_load %arg18[%swap3A_1496, %swap3A_1497] {strides = array<i32>} : memref<16x128xi32, #tpu.memory_space<vmem>>, vector<16xi32>,
      tpu.vector_store %arg18[%swap3A_1496, %swap3A_1497], %sub3A_1489 {strides = array<i32>} : memref<16x128xi32, #tpu.memory_space<vmem>>, vector<16xi32>,
      %swap3A_1499 = arith.index_cast %scan3A_1112 : i32 to index
      %swap3A_1500 = arith.constant 80 : index
      %swap3A_1501 = tpu.vector_load %arg19[%swap3A_1499, %swap3A_1500] {strides = array<i32>} : memref<16x128xf32, #tpu.memory_space<vmem>>, vector<16xf32>,
      tpu.vector_store %arg19[%swap3A_1499, %swap3A_1500], %select_n3A_1495 {strides = array<i32>} : memref<16x128xf32, #tpu.memory_space<vmem>>, vector<16xf32>,
      %add3A_1502 = vector.broadcast %mul3A_0 : i32 to vector<16xi32>
      %add3A_1503 = arith.addi %add3A_1502, %add3A_1477 : vector<16xi32>
      %swap3A_1504 = arith.index_cast %scan3A_1112 : i32 to index
      %swap3A_1505 = arith.constant 80 : index
      %swap3A_1506 = tpu.vector_load %arg20[%swap3A_1504, %swap3A_1505] {strides = array<i32>} : memref<16x128xi32, #tpu.memory_space<vmem>>, vector<16xi32>,
      tpu.vector_store %arg20[%swap3A_1504, %swap3A_1505], %add3A_1503 {strides = array<i32>} : memref<16x128xi32, #tpu.memory_space<vmem>>, vector<16xi32>,
      %mul3A_1507 = arith.constant 64 : i32
      %mul3A_1508 = arith.muli %add3A_1471, %mul3A_1507 : i32
      %add3A_1509 = arith.constant 40 : i32
      %add3A_1510 = arith.addi %mul3A_1508, %add3A_1509 : i32
      %add3A_1511 = vector.broadcast %add3A_1510 : i32 to vector<16xi32>
      %add3A_1512 = arith.addi %add3A_1511, %shift_right_arithmetic3A_443 : vector<16xi32>
      %gather3A_1513 = tpu.vector_load_idx %arg10[%add3A_1512] : memref<1024xi32, #tpu.memory_space<vmem>>[vector<16xi32>], vector<16xi32>,
      %gather3A_1514 = tpu.vector_load_idx %arg11[%add3A_1512] : memref<1024xi32, #tpu.memory_space<vmem>>[vector<16xi32>], vector<16xi32>,
      %select_n3A_1515 = arith.select %eq3A_448, %gather3A_1514, %gather3A_1513 : vector<16xi1>, vector<16xi32>
      %broadcast_in_dim3A_1516 = arith.constant true
      %broadcast_in_dim3A_1517 = vector.broadcast %broadcast_in_dim3A_1516 : i1 to vector<16xi1>
      %unique3A_1518, %unique3A_1519 = tpu.scan_count mask(%broadcast_in_dim3A_1517 : vector<16xi1>) value(%select_n3A_1515 : vector<16xi32>) : vector<16xi1>, vector<16xi32>
      %gather3A_1520 = tpu.vector_load_idx %arg15[%select_n3A_1515] : memref<16xi32, #tpu.memory_space<vmem>>[vector<16xi32>], vector<16xi32>,
      %add3A_1521 = arith.addi %gather3A_1520, %unique3A_1519 : vector<16xi32>
      %sub3A_1522 = arith.constant 1 : i32
      %sub3A_1523 = vector.broadcast %sub3A_1522 : i32 to vector<16xi32>
      %sub3A_1524 = arith.subi %add3A_1521, %sub3A_1523 : vector<16xi32>
      %add3A_1525 = arith.constant 1 : i32
      %add3A_1526 = vector.broadcast %add3A_1525 : i32 to vector<16xi32>
      %add3A_1527 = arith.addi %sub3A_1524, %add3A_1526 : vector<16xi32>
      tpu.vector_store_idx %arg15[%select_n3A_1515], %add3A_1527 masked %unique3A_1518 : memref<16xi32, #tpu.memory_space<vmem>>[vector<16xi32>], vector<16xi32>, vector<16xi1>
      %gather3A_1528 = tpu.vector_load_idx %arg12[%add3A_1512] : memref<1024xf32, #tpu.memory_space<vmem>>[vector<16xi32>], vector<16xf32>,
      %gather3A_1529 = tpu.vector_load_idx %arg13[%add3A_1512] : memref<1024xf32, #tpu.memory_space<vmem>>[vector<16xi32>], vector<16xf32>,
      %select_n3A_1530 = arith.select %eq3A_448, %gather3A_1529, %gather3A_1528 : vector<16xi1>, vector<16xf32>
      %swap3A_1531 = arith.index_cast %add3A_1471 : i32 to index
      %swap3A_1532 = arith.constant 80 : index
      %swap3A_1533 = tpu.vector_load %arg18[%swap3A_1531, %swap3A_1532] {strides = array<i32>} : memref<16x128xi32, #tpu.memory_space<vmem>>, vector<16xi32>,
      tpu.vector_store %arg18[%swap3A_1531, %swap3A_1532], %sub3A_1524 {strides = array<i32>} : memref<16x128xi32, #tpu.memory_space<vmem>>, vector<16xi32>,
      %swap3A_1534 = arith.index_cast %add3A_1471 : i32 to index
      %swap3A_1535 = arith.constant 80 : index
      %swap3A_1536 = tpu.vector_load %arg19[%swap3A_1534, %swap3A_1535] {strides = array<i32>} : memref<16x128xf32, #tpu.memory_space<vmem>>, vector<16xf32>,
      tpu.vector_store %arg19[%swap3A_1534, %swap3A_1535], %select_n3A_1530 {strides = array<i32>} : memref<16x128xf32, #tpu.memory_space<vmem>>, vector<16xf32>,
      %add3A_1537 = vector.broadcast %mul3A_0 : i32 to vector<16xi32>
      %add3A_1538 = arith.addi %add3A_1537, %add3A_1512 : vector<16xi32>
      %swap3A_1539 = arith.index_cast %add3A_1471 : i32 to index
      %swap3A_1540 = arith.constant 80 : index
      %swap3A_1541 = tpu.vector_load %arg20[%swap3A_1539, %swap3A_1540] {strides = array<i32>} : memref<16x128xi32, #tpu.memory_space<vmem>>, vector<16xi32>,
      tpu.vector_store %arg20[%swap3A_1539, %swap3A_1540], %add3A_1538 {strides = array<i32>} : memref<16x128xi32, #tpu.memory_space<vmem>>, vector<16xi32>,
      %add3A_1542 = arith.constant 8 : i32
      %add3A_1543 = arith.addi %scan3A_1112, %add3A_1542 : i32
      %mul3A_1544 = arith.constant 64 : i32
      %mul3A_1545 = arith.muli %scan3A_1112, %mul3A_1544 : i32
      %add3A_1546 = arith.constant 48 : i32
      %add3A_1547 = arith.addi %mul3A_1545, %add3A_1546 : i32
      %add3A_1548 = vector.broadcast %add3A_1547 : i32 to vector<16xi32>
      %add3A_1549 = arith.addi %add3A_1548, %shift_right_arithmetic3A_443 : vector<16xi32>
      %gather3A_1550 = tpu.vector_load_idx %arg10[%add3A_1549] : memref<1024xi32, #tpu.memory_space<vmem>>[vector<16xi32>], vector<16xi32>,
      %gather3A_1551 = tpu.vector_load_idx %arg11[%add3A_1549] : memref<1024xi32, #tpu.memory_space<vmem>>[vector<16xi32>], vector<16xi32>,
      %select_n3A_1552 = arith.select %eq3A_448, %gather3A_1551, %gather3A_1550 : vector<16xi1>, vector<16xi32>
      %broadcast_in_dim3A_1553 = arith.constant true
      %broadcast_in_dim3A_1554 = vector.broadcast %broadcast_in_dim3A_1553 : i1 to vector<16xi1>
      %unique3A_1555, %unique3A_1556 = tpu.scan_count mask(%broadcast_in_dim3A_1554 : vector<16xi1>) value(%select_n3A_1552 : vector<16xi32>) : vector<16xi1>, vector<16xi32>
      %gather3A_1557 = tpu.vector_load_idx %arg14[%select_n3A_1552] : memref<16xi32, #tpu.memory_space<vmem>>[vector<16xi32>], vector<16xi32>,
      %add3A_1558 = arith.addi %gather3A_1557, %unique3A_1556 : vector<16xi32>
      %sub3A_1559 = arith.constant 1 : i32
      %sub3A_1560 = vector.broadcast %sub3A_1559 : i32 to vector<16xi32>
      %sub3A_1561 = arith.subi %add3A_1558, %sub3A_1560 : vector<16xi32>
      %add3A_1562 = arith.constant 1 : i32
      %add3A_1563 = vector.broadcast %add3A_1562 : i32 to vector<16xi32>
      %add3A_1564 = arith.addi %sub3A_1561, %add3A_1563 : vector<16xi32>
      tpu.vector_store_idx %arg14[%select_n3A_1552], %add3A_1564 masked %unique3A_1555 : memref<16xi32, #tpu.memory_space<vmem>>[vector<16xi32>], vector<16xi32>, vector<16xi1>
      %gather3A_1565 = tpu.vector_load_idx %arg12[%add3A_1549] : memref<1024xf32, #tpu.memory_space<vmem>>[vector<16xi32>], vector<16xf32>,
      %gather3A_1566 = tpu.vector_load_idx %arg13[%add3A_1549] : memref<1024xf32, #tpu.memory_space<vmem>>[vector<16xi32>], vector<16xf32>,
      %select_n3A_1567 = arith.select %eq3A_448, %gather3A_1566, %gather3A_1565 : vector<16xi1>, vector<16xf32>
      %swap3A_1568 = arith.index_cast %scan3A_1112 : i32 to index
      %swap3A_1569 = arith.constant 96 : index
      %swap3A_1570 = tpu.vector_load %arg18[%swap3A_1568, %swap3A_1569] {strides = array<i32>} : memref<16x128xi32, #tpu.memory_space<vmem>>, vector<16xi32>,
      tpu.vector_store %arg18[%swap3A_1568, %swap3A_1569], %sub3A_1561 {strides = array<i32>} : memref<16x128xi32, #tpu.memory_space<vmem>>, vector<16xi32>,
      %swap3A_1571 = arith.index_cast %scan3A_1112 : i32 to index
      %swap3A_1572 = arith.constant 96 : index
      %swap3A_1573 = tpu.vector_load %arg19[%swap3A_1571, %swap3A_1572] {strides = array<i32>} : memref<16x128xf32, #tpu.memory_space<vmem>>, vector<16xf32>,
      tpu.vector_store %arg19[%swap3A_1571, %swap3A_1572], %select_n3A_1567 {strides = array<i32>} : memref<16x128xf32, #tpu.memory_space<vmem>>, vector<16xf32>,
      %add3A_1574 = vector.broadcast %mul3A_0 : i32 to vector<16xi32>
      %add3A_1575 = arith.addi %add3A_1574, %add3A_1549 : vector<16xi32>
      %swap3A_1576 = arith.index_cast %scan3A_1112 : i32 to index
      %swap3A_1577 = arith.constant 96 : index
      %swap3A_1578 = tpu.vector_load %arg20[%swap3A_1576, %swap3A_1577] {strides = array<i32>} : memref<16x128xi32, #tpu.memory_space<vmem>>, vector<16xi32>,
      tpu.vector_store %arg20[%swap3A_1576, %swap3A_1577], %add3A_1575 {strides = array<i32>} : memref<16x128xi32, #tpu.memory_space<vmem>>, vector<16xi32>,
      %mul3A_1579 = arith.constant 64 : i32
      %mul3A_1580 = arith.muli %add3A_1543, %mul3A_1579 : i32
      %add3A_1581 = arith.constant 48 : i32
      %add3A_1582 = arith.addi %mul3A_1580, %add3A_1581 : i32
      %add3A_1583 = vector.broadcast %add3A_1582 : i32 to vector<16xi32>
      %add3A_1584 = arith.addi %add3A_1583, %shift_right_arithmetic3A_443 : vector<16xi32>
      %gather3A_1585 = tpu.vector_load_idx %arg10[%add3A_1584] : memref<1024xi32, #tpu.memory_space<vmem>>[vector<16xi32>], vector<16xi32>,
      %gather3A_1586 = tpu.vector_load_idx %arg11[%add3A_1584] : memref<1024xi32, #tpu.memory_space<vmem>>[vector<16xi32>], vector<16xi32>,
      %select_n3A_1587 = arith.select %eq3A_448, %gather3A_1586, %gather3A_1585 : vector<16xi1>, vector<16xi32>
      %broadcast_in_dim3A_1588 = arith.constant true
      %broadcast_in_dim3A_1589 = vector.broadcast %broadcast_in_dim3A_1588 : i1 to vector<16xi1>
      %unique3A_1590, %unique3A_1591 = tpu.scan_count mask(%broadcast_in_dim3A_1589 : vector<16xi1>) value(%select_n3A_1587 : vector<16xi32>) : vector<16xi1>, vector<16xi32>
      %gather3A_1592 = tpu.vector_load_idx %arg15[%select_n3A_1587] : memref<16xi32, #tpu.memory_space<vmem>>[vector<16xi32>], vector<16xi32>,
      %add3A_1593 = arith.addi %gather3A_1592, %unique3A_1591 : vector<16xi32>
      %sub3A_1594 = arith.constant 1 : i32
      %sub3A_1595 = vector.broadcast %sub3A_1594 : i32 to vector<16xi32>
      %sub3A_1596 = arith.subi %add3A_1593, %sub3A_1595 : vector<16xi32>
      %add3A_1597 = arith.constant 1 : i32
      %add3A_1598 = vector.broadcast %add3A_1597 : i32 to vector<16xi32>
      %add3A_1599 = arith.addi %sub3A_1596, %add3A_1598 : vector<16xi32>
      tpu.vector_store_idx %arg15[%select_n3A_1587], %add3A_1599 masked %unique3A_1590 : memref<16xi32, #tpu.memory_space<vmem>>[vector<16xi32>], vector<16xi32>, vector<16xi1>
      %gather3A_1600 = tpu.vector_load_idx %arg12[%add3A_1584] : memref<1024xf32, #tpu.memory_space<vmem>>[vector<16xi32>], vector<16xf32>,
      %gather3A_1601 = tpu.vector_load_idx %arg13[%add3A_1584] : memref<1024xf32, #tpu.memory_space<vmem>>[vector<16xi32>], vector<16xf32>,
      %select_n3A_1602 = arith.select %eq3A_448, %gather3A_1601, %gather3A_1600 : vector<16xi1>, vector<16xf32>
      %swap3A_1603 = arith.index_cast %add3A_1543 : i32 to index
      %swap3A_1604 = arith.constant 96 : index
      %swap3A_1605 = tpu.vector_load %arg18[%swap3A_1603, %swap3A_1604] {strides = array<i32>} : memref<16x128xi32, #tpu.memory_space<vmem>>, vector<16xi32>,
      tpu.vector_store %arg18[%swap3A_1603, %swap3A_1604], %sub3A_1596 {strides = array<i32>} : memref<16x128xi32, #tpu.memory_space<vmem>>, vector<16xi32>,
      %swap3A_1606 = arith.index_cast %add3A_1543 : i32 to index
      %swap3A_1607 = arith.constant 96 : index
      %swap3A_1608 = tpu.vector_load %arg19[%swap3A_1606, %swap3A_1607] {strides = array<i32>} : memref<16x128xf32, #tpu.memory_space<vmem>>, vector<16xf32>,
      tpu.vector_store %arg19[%swap3A_1606, %swap3A_1607], %select_n3A_1602 {strides = array<i32>} : memref<16x128xf32, #tpu.memory_space<vmem>>, vector<16xf32>,
      %add3A_1609 = vector.broadcast %mul3A_0 : i32 to vector<16xi32>
      %add3A_1610 = arith.addi %add3A_1609, %add3A_1584 : vector<16xi32>
      %swap3A_1611 = arith.index_cast %add3A_1543 : i32 to index
      %swap3A_1612 = arith.constant 96 : index
      %swap3A_1613 = tpu.vector_load %arg20[%swap3A_1611, %swap3A_1612] {strides = array<i32>} : memref<16x128xi32, #tpu.memory_space<vmem>>, vector<16xi32>,
      tpu.vector_store %arg20[%swap3A_1611, %swap3A_1612], %add3A_1610 {strides = array<i32>} : memref<16x128xi32, #tpu.memory_space<vmem>>, vector<16xi32>,
      %add3A_1614 = arith.constant 8 : i32
      %add3A_1615 = arith.addi %scan3A_1112, %add3A_1614 : i32
      %mul3A_1616 = arith.constant 64 : i32
      %mul3A_1617 = arith.muli %scan3A_1112, %mul3A_1616 : i32
      %add3A_1618 = arith.constant 56 : i32
      %add3A_1619 = arith.addi %mul3A_1617, %add3A_1618 : i32
      %add3A_1620 = vector.broadcast %add3A_1619 : i32 to vector<16xi32>
      %add3A_1621 = arith.addi %add3A_1620, %shift_right_arithmetic3A_443 : vector<16xi32>
      %gather3A_1622 = tpu.vector_load_idx %arg10[%add3A_1621] : memref<1024xi32, #tpu.memory_space<vmem>>[vector<16xi32>], vector<16xi32>,
      %gather3A_1623 = tpu.vector_load_idx %arg11[%add3A_1621] : memref<1024xi32, #tpu.memory_space<vmem>>[vector<16xi32>], vector<16xi32>,
      %select_n3A_1624 = arith.select %eq3A_448, %gather3A_1623, %gather3A_1622 : vector<16xi1>, vector<16xi32>
      %broadcast_in_dim3A_1625 = arith.constant true
      %broadcast_in_dim3A_1626 = vector.broadcast %broadcast_in_dim3A_1625 : i1 to vector<16xi1>
      %unique3A_1627, %unique3A_1628 = tpu.scan_count mask(%broadcast_in_dim3A_1626 : vector<16xi1>) value(%select_n3A_1624 : vector<16xi32>) : vector<16xi1>, vector<16xi32>
      %gather3A_1629 = tpu.vector_load_idx %arg14[%select_n3A_1624] : memref<16xi32, #tpu.memory_space<vmem>>[vector<16xi32>], vector<16xi32>,
      %add3A_1630 = arith.addi %gather3A_1629, %unique3A_1628 : vector<16xi32>
      %sub3A_1631 = arith.constant 1 : i32
      %sub3A_1632 = vector.broadcast %sub3A_1631 : i32 to vector<16xi32>
      %sub3A_1633 = arith.subi %add3A_1630, %sub3A_1632 : vector<16xi32>
      %add3A_1634 = arith.constant 1 : i32
      %add3A_1635 = vector.broadcast %add3A_1634 : i32 to vector<16xi32>
      %add3A_1636 = arith.addi %sub3A_1633, %add3A_1635 : vector<16xi32>
      tpu.vector_store_idx %arg14[%select_n3A_1624], %add3A_1636 masked %unique3A_1627 : memref<16xi32, #tpu.memory_space<vmem>>[vector<16xi32>], vector<16xi32>, vector<16xi1>
      %gather3A_1637 = tpu.vector_load_idx %arg12[%add3A_1621] : memref<1024xf32, #tpu.memory_space<vmem>>[vector<16xi32>], vector<16xf32>,
      %gather3A_1638 = tpu.vector_load_idx %arg13[%add3A_1621] : memref<1024xf32, #tpu.memory_space<vmem>>[vector<16xi32>], vector<16xf32>,
      %select_n3A_1639 = arith.select %eq3A_448, %gather3A_1638, %gather3A_1637 : vector<16xi1>, vector<16xf32>
      %swap3A_1640 = arith.index_cast %scan3A_1112 : i32 to index
      %swap3A_1641 = arith.constant 112 : index
      %swap3A_1642 = tpu.vector_load %arg18[%swap3A_1640, %swap3A_1641] {strides = array<i32>} : memref<16x128xi32, #tpu.memory_space<vmem>>, vector<16xi32>,
      tpu.vector_store %arg18[%swap3A_1640, %swap3A_1641], %sub3A_1633 {strides = array<i32>} : memref<16x128xi32, #tpu.memory_space<vmem>>, vector<16xi32>,
      %swap3A_1643 = arith.index_cast %scan3A_1112 : i32 to index
      %swap3A_1644 = arith.constant 112 : index
      %swap3A_1645 = tpu.vector_load %arg19[%swap3A_1643, %swap3A_1644] {strides = array<i32>} : memref<16x128xf32, #tpu.memory_space<vmem>>, vector<16xf32>,
      tpu.vector_store %arg19[%swap3A_1643, %swap3A_1644], %select_n3A_1639 {strides = array<i32>} : memref<16x128xf32, #tpu.memory_space<vmem>>, vector<16xf32>,
      %add3A_1646 = vector.broadcast %mul3A_0 : i32 to vector<16xi32>
      %add3A_1647 = arith.addi %add3A_1646, %add3A_1621 : vector<16xi32>
      %swap3A_1648 = arith.index_cast %scan3A_1112 : i32 to index
      %swap3A_1649 = arith.constant 112 : index
      %swap3A_1650 = tpu.vector_load %arg20[%swap3A_1648, %swap3A_1649] {strides = array<i32>} : memref<16x128xi32, #tpu.memory_space<vmem>>, vector<16xi32>,
      tpu.vector_store %arg20[%swap3A_1648, %swap3A_1649], %add3A_1647 {strides = array<i32>} : memref<16x128xi32, #tpu.memory_space<vmem>>, vector<16xi32>,
      %mul3A_1651 = arith.constant 64 : i32
      %mul3A_1652 = arith.muli %add3A_1615, %mul3A_1651 : i32
      %add3A_1653 = arith.constant 56 : i32
      %add3A_1654 = arith.addi %mul3A_1652, %add3A_1653 : i32
      %add3A_1655 = vector.broadcast %add3A_1654 : i32 to vector<16xi32>
      %add3A_1656 = arith.addi %add3A_1655, %shift_right_arithmetic3A_443 : vector<16xi32>
      %gather3A_1657 = tpu.vector_load_idx %arg10[%add3A_1656] : memref<1024xi32, #tpu.memory_space<vmem>>[vector<16xi32>], vector<16xi32>,
      %gather3A_1658 = tpu.vector_load_idx %arg11[%add3A_1656] : memref<1024xi32, #tpu.memory_space<vmem>>[vector<16xi32>], vector<16xi32>,
      %select_n3A_1659 = arith.select %eq3A_448, %gather3A_1658, %gather3A_1657 : vector<16xi1>, vector<16xi32>
      %broadcast_in_dim3A_1660 = arith.constant true
      %broadcast_in_dim3A_1661 = vector.broadcast %broadcast_in_dim3A_1660 : i1 to vector<16xi1>
      %unique3A_1662, %unique3A_1663 = tpu.scan_count mask(%broadcast_in_dim3A_1661 : vector<16xi1>) value(%select_n3A_1659 : vector<16xi32>) : vector<16xi1>, vector<16xi32>
      %gather3A_1664 = tpu.vector_load_idx %arg15[%select_n3A_1659] : memref<16xi32, #tpu.memory_space<vmem>>[vector<16xi32>], vector<16xi32>,
      %add3A_1665 = arith.addi %gather3A_1664, %unique3A_1663 : vector<16xi32>
      %sub3A_1666 = arith.constant 1 : i32
      %sub3A_1667 = vector.broadcast %sub3A_1666 : i32 to vector<16xi32>
      %sub3A_1668 = arith.subi %add3A_1665, %sub3A_1667 : vector<16xi32>
      %add3A_1669 = arith.constant 1 : i32
      %add3A_1670 = vector.broadcast %add3A_1669 : i32 to vector<16xi32>
      %add3A_1671 = arith.addi %sub3A_1668, %add3A_1670 : vector<16xi32>
      tpu.vector_store_idx %arg15[%select_n3A_1659], %add3A_1671 masked %unique3A_1662 : memref<16xi32, #tpu.memory_space<vmem>>[vector<16xi32>], vector<16xi32>, vector<16xi1>
      %gather3A_1672 = tpu.vector_load_idx %arg12[%add3A_1656] : memref<1024xf32, #tpu.memory_space<vmem>>[vector<16xi32>], vector<16xf32>,
      %gather3A_1673 = tpu.vector_load_idx %arg13[%add3A_1656] : memref<1024xf32, #tpu.memory_space<vmem>>[vector<16xi32>], vector<16xf32>,
      %select_n3A_1674 = arith.select %eq3A_448, %gather3A_1673, %gather3A_1672 : vector<16xi1>, vector<16xf32>
      %swap3A_1675 = arith.index_cast %add3A_1615 : i32 to index
      %swap3A_1676 = arith.constant 112 : index
      %swap3A_1677 = tpu.vector_load %arg18[%swap3A_1675, %swap3A_1676] {strides = array<i32>} : memref<16x128xi32, #tpu.memory_space<vmem>>, vector<16xi32>,
      tpu.vector_store %arg18[%swap3A_1675, %swap3A_1676], %sub3A_1668 {strides = array<i32>} : memref<16x128xi32, #tpu.memory_space<vmem>>, vector<16xi32>,
      %swap3A_1678 = arith.index_cast %add3A_1615 : i32 to index
      %swap3A_1679 = arith.constant 112 : index
      %swap3A_1680 = tpu.vector_load %arg19[%swap3A_1678, %swap3A_1679] {strides = array<i32>} : memref<16x128xf32, #tpu.memory_space<vmem>>, vector<16xf32>,
      tpu.vector_store %arg19[%swap3A_1678, %swap3A_1679], %select_n3A_1674 {strides = array<i32>} : memref<16x128xf32, #tpu.memory_space<vmem>>, vector<16xf32>,
      %add3A_1681 = vector.broadcast %mul3A_0 : i32 to vector<16xi32>
      %add3A_1682 = arith.addi %add3A_1681, %add3A_1656 : vector<16xi32>
      %swap3A_1683 = arith.index_cast %add3A_1615 : i32 to index
      %swap3A_1684 = arith.constant 112 : index
      %swap3A_1685 = tpu.vector_load %arg20[%swap3A_1683, %swap3A_1684] {strides = array<i32>} : memref<16x128xi32, #tpu.memory_space<vmem>>, vector<16xi32>,
      tpu.vector_store %arg20[%swap3A_1683, %swap3A_1684], %add3A_1682 {strides = array<i32>} : memref<16x128xi32, #tpu.memory_space<vmem>>, vector<16xi32>,
    }
    %scan3A_453 = arith.constant 8 : i32
    %dma_start3A_454 = arith.constant 0 : i32
    %dma_start3A_455 = arith.constant 0 : i32
    %dma_start3A_456 = arith.constant 0 : i32
    %dma_start3A_457 = tpu.memref_slice %arg19[%dma_start3A_454, %dma_start3A_456] : memref<16x128xf32, #tpu.memory_space<vmem>> -> memref<1x128xf32, #tpu.memory_space<vmem>>
    %dma_start3A_458 = tpu.memref_squeeze %dma_start3A_457 : memref<1x128xf32, #tpu.memory_space<vmem>> -> memref<128xf32, #tpu.memory_space<vmem>>
    %dma_start3A_459 = arith.constant 0 : i32
    %dma_start3A_460 = tpu.memref_slice %arg18[%dma_start3A_455, %dma_start3A_459] : memref<16x128xi32, #tpu.memory_space<vmem>> -> memref<1x128xi32, #tpu.memory_space<vmem>>
    %dma_start3A_461 = tpu.memref_squeeze %dma_start3A_460 : memref<1x128xi32, #tpu.memory_space<vmem>> -> memref<128xi32, #tpu.memory_space<vmem>>
    %dma_start3A_462 = arith.constant 0 : i32
    %dma_start3A_463 = tpu.memref_slice %arg21[%dma_start3A_462] : memref<32768xf32, #tpu.memory_space<vmem_shared>> -> memref<32768xf32, #tpu.memory_space<vmem_shared>>
    tpu.enqueue_indirect_dma source(%dma_start3A_458 : memref<128xf32, #tpu.memory_space<vmem>>) target(%dma_start3A_463 : memref<32768xf32, #tpu.memory_space<vmem_shared>>) offsets(%dma_start3A_461 : memref<128xi32, #tpu.memory_space<vmem>>) semaphore(%arg25 : memref<!tpu.dma_semaphore, #tpu.memory_space<semaphore_mem>>)
    %dma_start3A_464 = arith.constant 0 : i32
    %dma_start3A_465 = arith.constant 0 : i32
    %dma_start3A_466 = arith.constant 0 : i32
    %dma_start3A_467 = tpu.memref_slice %arg20[%dma_start3A_464, %dma_start3A_466] : memref<16x128xi32, #tpu.memory_space<vmem>> -> memref<1x128xi32, #tpu.memory_space<vmem>>
    %dma_start3A_468 = tpu.memref_squeeze %dma_start3A_467 : memref<1x128xi32, #tpu.memory_space<vmem>> -> memref<128xi32, #tpu.memory_space<vmem>>
    %dma_start3A_469 = arith.constant 0 : i32
    %dma_start3A_470 = tpu.memref_slice %arg18[%dma_start3A_465, %dma_start3A_469] : memref<16x128xi32, #tpu.memory_space<vmem>> -> memref<1x128xi32, #tpu.memory_space<vmem>>
    %dma_start3A_471 = tpu.memref_squeeze %dma_start3A_470 : memref<1x128xi32, #tpu.memory_space<vmem>> -> memref<128xi32, #tpu.memory_space<vmem>>
    %dma_start3A_472 = arith.constant 0 : i32
    %dma_start3A_473 = tpu.memref_slice %arg22[%dma_start3A_472] : memref<32768xi32, #tpu.memory_space<vmem_shared>> -> memref<32768xi32, #tpu.memory_space<vmem_shared>>
    tpu.enqueue_indirect_dma source(%dma_start3A_468 : memref<128xi32, #tpu.memory_space<vmem>>) target(%dma_start3A_473 : memref<32768xi32, #tpu.memory_space<vmem_shared>>) offsets(%dma_start3A_471 : memref<128xi32, #tpu.memory_space<vmem>>) semaphore(%arg25 : memref<!tpu.dma_semaphore, #tpu.memory_space<semaphore_mem>>)
    %dma_start3A_474 = arith.constant 1 : i32
    %dma_start3A_475 = arith.constant 1 : i32
    %dma_start3A_476 = arith.constant 0 : i32
    %dma_start3A_477 = tpu.memref_slice %arg19[%dma_start3A_474, %dma_start3A_476] : memref<16x128xf32, #tpu.memory_space<vmem>> -> memref<1x128xf32, #tpu.memory_space<vmem>>
    %dma_start3A_478 = tpu.memref_squeeze %dma_start3A_477 : memref<1x128xf32, #tpu.memory_space<vmem>> -> memref<128xf32, #tpu.memory_space<vmem>>
    %dma_start3A_479 = arith.constant 0 : i32
    %dma_start3A_480 = tpu.memref_slice %arg18[%dma_start3A_475, %dma_start3A_479] : memref<16x128xi32, #tpu.memory_space<vmem>> -> memref<1x128xi32, #tpu.memory_space<vmem>>
    %dma_start3A_481 = tpu.memref_squeeze %dma_start3A_480 : memref<1x128xi32, #tpu.memory_space<vmem>> -> memref<128xi32, #tpu.memory_space<vmem>>
    %dma_start3A_482 = arith.constant 0 : i32
    %dma_start3A_483 = tpu.memref_slice %arg21[%dma_start3A_482] : memref<32768xf32, #tpu.memory_space<vmem_shared>> -> memref<32768xf32, #tpu.memory_space<vmem_shared>>
    tpu.enqueue_indirect_dma source(%dma_start3A_478 : memref<128xf32, #tpu.memory_space<vmem>>) target(%dma_start3A_483 : memref<32768xf32, #tpu.memory_space<vmem_shared>>) offsets(%dma_start3A_481 : memref<128xi32, #tpu.memory_space<vmem>>) semaphore(%arg25 : memref<!tpu.dma_semaphore, #tpu.memory_space<semaphore_mem>>)
    %dma_start3A_484 = arith.constant 1 : i32
    %dma_start3A_485 = arith.constant 1 : i32
    %dma_start3A_486 = arith.constant 0 : i32
    %dma_start3A_487 = tpu.memref_slice %arg20[%dma_start3A_484, %dma_start3A_486] : memref<16x128xi32, #tpu.memory_space<vmem>> -> memref<1x128xi32, #tpu.memory_space<vmem>>
    %dma_start3A_488 = tpu.memref_squeeze %dma_start3A_487 : memref<1x128xi32, #tpu.memory_space<vmem>> -> memref<128xi32, #tpu.memory_space<vmem>>
    %dma_start3A_489 = arith.constant 0 : i32
    %dma_start3A_490 = tpu.memref_slice %arg18[%dma_start3A_485, %dma_start3A_489] : memref<16x128xi32, #tpu.memory_space<vmem>> -> memref<1x128xi32, #tpu.memory_space<vmem>>
    %dma_start3A_491 = tpu.memref_squeeze %dma_start3A_490 : memref<1x128xi32, #tpu.memory_space<vmem>> -> memref<128xi32, #tpu.memory_space<vmem>>
    %dma_start3A_492 = arith.constant 0 : i32
    %dma_start3A_493 = tpu.memref_slice %arg22[%dma_start3A_492] : memref<32768xi32, #tpu.memory_space<vmem_shared>> -> memref<32768xi32, #tpu.memory_space<vmem_shared>>
    tpu.enqueue_indirect_dma source(%dma_start3A_488 : memref<128xi32, #tpu.memory_space<vmem>>) target(%dma_start3A_493 : memref<32768xi32, #tpu.memory_space<vmem_shared>>) offsets(%dma_start3A_491 : memref<128xi32, #tpu.memory_space<vmem>>) semaphore(%arg25 : memref<!tpu.dma_semaphore, #tpu.memory_space<semaphore_mem>>)
    %dma_start3A_494 = arith.constant 2 : i32
    %dma_start3A_495 = arith.constant 2 : i32
    %dma_start3A_496 = arith.constant 0 : i32
    %dma_start3A_497 = tpu.memref_slice %arg19[%dma_start3A_494, %dma_start3A_496] : memref<16x128xf32, #tpu.memory_space<vmem>> -> memref<1x128xf32, #tpu.memory_space<vmem>>
    %dma_start3A_498 = tpu.memref_squeeze %dma_start3A_497 : memref<1x128xf32, #tpu.memory_space<vmem>> -> memref<128xf32, #tpu.memory_space<vmem>>
    %dma_start3A_499 = arith.constant 0 : i32
    %dma_start3A_500 = tpu.memref_slice %arg18[%dma_start3A_495, %dma_start3A_499] : memref<16x128xi32, #tpu.memory_space<vmem>> -> memref<1x128xi32, #tpu.memory_space<vmem>>
    %dma_start3A_501 = tpu.memref_squeeze %dma_start3A_500 : memref<1x128xi32, #tpu.memory_space<vmem>> -> memref<128xi32, #tpu.memory_space<vmem>>
    %dma_start3A_502 = arith.constant 0 : i32
    %dma_start3A_503 = tpu.memref_slice %arg21[%dma_start3A_502] : memref<32768xf32, #tpu.memory_space<vmem_shared>> -> memref<32768xf32, #tpu.memory_space<vmem_shared>>
    tpu.enqueue_indirect_dma source(%dma_start3A_498 : memref<128xf32, #tpu.memory_space<vmem>>) target(%dma_start3A_503 : memref<32768xf32, #tpu.memory_space<vmem_shared>>) offsets(%dma_start3A_501 : memref<128xi32, #tpu.memory_space<vmem>>) semaphore(%arg25 : memref<!tpu.dma_semaphore, #tpu.memory_space<semaphore_mem>>)
    %dma_start3A_504 = arith.constant 2 : i32
    %dma_start3A_505 = arith.constant 2 : i32
    %dma_start3A_506 = arith.constant 0 : i32
    %dma_start3A_507 = tpu.memref_slice %arg20[%dma_start3A_504, %dma_start3A_506] : memref<16x128xi32, #tpu.memory_space<vmem>> -> memref<1x128xi32, #tpu.memory_space<vmem>>
    %dma_start3A_508 = tpu.memref_squeeze %dma_start3A_507 : memref<1x128xi32, #tpu.memory_space<vmem>> -> memref<128xi32, #tpu.memory_space<vmem>>
    %dma_start3A_509 = arith.constant 0 : i32
    %dma_start3A_510 = tpu.memref_slice %arg18[%dma_start3A_505, %dma_start3A_509] : memref<16x128xi32, #tpu.memory_space<vmem>> -> memref<1x128xi32, #tpu.memory_space<vmem>>
    %dma_start3A_511 = tpu.memref_squeeze %dma_start3A_510 : memref<1x128xi32, #tpu.memory_space<vmem>> -> memref<128xi32, #tpu.memory_space<vmem>>
    %dma_start3A_512 = arith.constant 0 : i32
    %dma_start3A_513 = tpu.memref_slice %arg22[%dma_start3A_512] : memref<32768xi32, #tpu.memory_space<vmem_shared>> -> memref<32768xi32, #tpu.memory_space<vmem_shared>>
    tpu.enqueue_indirect_dma source(%dma_start3A_508 : memref<128xi32, #tpu.memory_space<vmem>>) target(%dma_start3A_513 : memref<32768xi32, #tpu.memory_space<vmem_shared>>) offsets(%dma_start3A_511 : memref<128xi32, #tpu.memory_space<vmem>>) semaphore(%arg25 : memref<!tpu.dma_semaphore, #tpu.memory_space<semaphore_mem>>)
    %dma_start3A_514 = arith.constant 3 : i32
    %dma_start3A_515 = arith.constant 3 : i32
    %dma_start3A_516 = arith.constant 0 : i32
    %dma_start3A_517 = tpu.memref_slice %arg19[%dma_start3A_514, %dma_start3A_516] : memref<16x128xf32, #tpu.memory_space<vmem>> -> memref<1x128xf32, #tpu.memory_space<vmem>>
    %dma_start3A_518 = tpu.memref_squeeze %dma_start3A_517 : memref<1x128xf32, #tpu.memory_space<vmem>> -> memref<128xf32, #tpu.memory_space<vmem>>
    %dma_start3A_519 = arith.constant 0 : i32
    %dma_start3A_520 = tpu.memref_slice %arg18[%dma_start3A_515, %dma_start3A_519] : memref<16x128xi32, #tpu.memory_space<vmem>> -> memref<1x128xi32, #tpu.memory_space<vmem>>
    %dma_start3A_521 = tpu.memref_squeeze %dma_start3A_520 : memref<1x128xi32, #tpu.memory_space<vmem>> -> memref<128xi32, #tpu.memory_space<vmem>>
    %dma_start3A_522 = arith.constant 0 : i32
    %dma_start3A_523 = tpu.memref_slice %arg21[%dma_start3A_522] : memref<32768xf32, #tpu.memory_space<vmem_shared>> -> memref<32768xf32, #tpu.memory_space<vmem_shared>>
    tpu.enqueue_indirect_dma source(%dma_start3A_518 : memref<128xf32, #tpu.memory_space<vmem>>) target(%dma_start3A_523 : memref<32768xf32, #tpu.memory_space<vmem_shared>>) offsets(%dma_start3A_521 : memref<128xi32, #tpu.memory_space<vmem>>) semaphore(%arg25 : memref<!tpu.dma_semaphore, #tpu.memory_space<semaphore_mem>>)
    %dma_start3A_524 = arith.constant 3 : i32
    %dma_start3A_525 = arith.constant 3 : i32
    %dma_start3A_526 = arith.constant 0 : i32
    %dma_start3A_527 = tpu.memref_slice %arg20[%dma_start3A_524, %dma_start3A_526] : memref<16x128xi32, #tpu.memory_space<vmem>> -> memref<1x128xi32, #tpu.memory_space<vmem>>
    %dma_start3A_528 = tpu.memref_squeeze %dma_start3A_527 : memref<1x128xi32, #tpu.memory_space<vmem>> -> memref<128xi32, #tpu.memory_space<vmem>>
    %dma_start3A_529 = arith.constant 0 : i32
    %dma_start3A_530 = tpu.memref_slice %arg18[%dma_start3A_525, %dma_start3A_529] : memref<16x128xi32, #tpu.memory_space<vmem>> -> memref<1x128xi32, #tpu.memory_space<vmem>>
    %dma_start3A_531 = tpu.memref_squeeze %dma_start3A_530 : memref<1x128xi32, #tpu.memory_space<vmem>> -> memref<128xi32, #tpu.memory_space<vmem>>
    %dma_start3A_532 = arith.constant 0 : i32
    %dma_start3A_533 = tpu.memref_slice %arg22[%dma_start3A_532] : memref<32768xi32, #tpu.memory_space<vmem_shared>> -> memref<32768xi32, #tpu.memory_space<vmem_shared>>
    tpu.enqueue_indirect_dma source(%dma_start3A_528 : memref<128xi32, #tpu.memory_space<vmem>>) target(%dma_start3A_533 : memref<32768xi32, #tpu.memory_space<vmem_shared>>) offsets(%dma_start3A_531 : memref<128xi32, #tpu.memory_space<vmem>>) semaphore(%arg25 : memref<!tpu.dma_semaphore, #tpu.memory_space<semaphore_mem>>)
    %dma_start3A_534 = arith.constant 4 : i32
    %dma_start3A_535 = arith.constant 4 : i32
    %dma_start3A_536 = arith.constant 0 : i32
    %dma_start3A_537 = tpu.memref_slice %arg19[%dma_start3A_534, %dma_start3A_536] : memref<16x128xf32, #tpu.memory_space<vmem>> -> memref<1x128xf32, #tpu.memory_space<vmem>>
    %dma_start3A_538 = tpu.memref_squeeze %dma_start3A_537 : memref<1x128xf32, #tpu.memory_space<vmem>> -> memref<128xf32, #tpu.memory_space<vmem>>
    %dma_start3A_539 = arith.constant 0 : i32
    %dma_start3A_540 = tpu.memref_slice %arg18[%dma_start3A_535, %dma_start3A_539] : memref<16x128xi32, #tpu.memory_space<vmem>> -> memref<1x128xi32, #tpu.memory_space<vmem>>
    %dma_start3A_541 = tpu.memref_squeeze %dma_start3A_540 : memref<1x128xi32, #tpu.memory_space<vmem>> -> memref<128xi32, #tpu.memory_space<vmem>>
    %dma_start3A_542 = arith.constant 0 : i32
    %dma_start3A_543 = tpu.memref_slice %arg21[%dma_start3A_542] : memref<32768xf32, #tpu.memory_space<vmem_shared>> -> memref<32768xf32, #tpu.memory_space<vmem_shared>>
    tpu.enqueue_indirect_dma source(%dma_start3A_538 : memref<128xf32, #tpu.memory_space<vmem>>) target(%dma_start3A_543 : memref<32768xf32, #tpu.memory_space<vmem_shared>>) offsets(%dma_start3A_541 : memref<128xi32, #tpu.memory_space<vmem>>) semaphore(%arg25 : memref<!tpu.dma_semaphore, #tpu.memory_space<semaphore_mem>>)
    %dma_start3A_544 = arith.constant 4 : i32
    %dma_start3A_545 = arith.constant 4 : i32
    %dma_start3A_546 = arith.constant 0 : i32
    %dma_start3A_547 = tpu.memref_slice %arg20[%dma_start3A_544, %dma_start3A_546] : memref<16x128xi32, #tpu.memory_space<vmem>> -> memref<1x128xi32, #tpu.memory_space<vmem>>
    %dma_start3A_548 = tpu.memref_squeeze %dma_start3A_547 : memref<1x128xi32, #tpu.memory_space<vmem>> -> memref<128xi32, #tpu.memory_space<vmem>>
    %dma_start3A_549 = arith.constant 0 : i32
    %dma_start3A_550 = tpu.memref_slice %arg18[%dma_start3A_545, %dma_start3A_549] : memref<16x128xi32, #tpu.memory_space<vmem>> -> memref<1x128xi32, #tpu.memory_space<vmem>>
    %dma_start3A_551 = tpu.memref_squeeze %dma_start3A_550 : memref<1x128xi32, #tpu.memory_space<vmem>> -> memref<128xi32, #tpu.memory_space<vmem>>
    %dma_start3A_552 = arith.constant 0 : i32
    %dma_start3A_553 = tpu.memref_slice %arg22[%dma_start3A_552] : memref<32768xi32, #tpu.memory_space<vmem_shared>> -> memref<32768xi32, #tpu.memory_space<vmem_shared>>
    tpu.enqueue_indirect_dma source(%dma_start3A_548 : memref<128xi32, #tpu.memory_space<vmem>>) target(%dma_start3A_553 : memref<32768xi32, #tpu.memory_space<vmem_shared>>) offsets(%dma_start3A_551 : memref<128xi32, #tpu.memory_space<vmem>>) semaphore(%arg25 : memref<!tpu.dma_semaphore, #tpu.memory_space<semaphore_mem>>)
    %dma_start3A_554 = arith.constant 5 : i32
    %dma_start3A_555 = arith.constant 5 : i32
    %dma_start3A_556 = arith.constant 0 : i32
    %dma_start3A_557 = tpu.memref_slice %arg19[%dma_start3A_554, %dma_start3A_556] : memref<16x128xf32, #tpu.memory_space<vmem>> -> memref<1x128xf32, #tpu.memory_space<vmem>>
    %dma_start3A_558 = tpu.memref_squeeze %dma_start3A_557 : memref<1x128xf32, #tpu.memory_space<vmem>> -> memref<128xf32, #tpu.memory_space<vmem>>
    %dma_start3A_559 = arith.constant 0 : i32
    %dma_start3A_560 = tpu.memref_slice %arg18[%dma_start3A_555, %dma_start3A_559] : memref<16x128xi32, #tpu.memory_space<vmem>> -> memref<1x128xi32, #tpu.memory_space<vmem>>
    %dma_start3A_561 = tpu.memref_squeeze %dma_start3A_560 : memref<1x128xi32, #tpu.memory_space<vmem>> -> memref<128xi32, #tpu.memory_space<vmem>>
    %dma_start3A_562 = arith.constant 0 : i32
    %dma_start3A_563 = tpu.memref_slice %arg21[%dma_start3A_562] : memref<32768xf32, #tpu.memory_space<vmem_shared>> -> memref<32768xf32, #tpu.memory_space<vmem_shared>>
    tpu.enqueue_indirect_dma source(%dma_start3A_558 : memref<128xf32, #tpu.memory_space<vmem>>) target(%dma_start3A_563 : memref<32768xf32, #tpu.memory_space<vmem_shared>>) offsets(%dma_start3A_561 : memref<128xi32, #tpu.memory_space<vmem>>) semaphore(%arg25 : memref<!tpu.dma_semaphore, #tpu.memory_space<semaphore_mem>>)
    %dma_start3A_564 = arith.constant 5 : i32
    %dma_start3A_565 = arith.constant 5 : i32
    %dma_start3A_566 = arith.constant 0 : i32
    %dma_start3A_567 = tpu.memref_slice %arg20[%dma_start3A_564, %dma_start3A_566] : memref<16x128xi32, #tpu.memory_space<vmem>> -> memref<1x128xi32, #tpu.memory_space<vmem>>
    %dma_start3A_568 = tpu.memref_squeeze %dma_start3A_567 : memref<1x128xi32, #tpu.memory_space<vmem>> -> memref<128xi32, #tpu.memory_space<vmem>>
    %dma_start3A_569 = arith.constant 0 : i32
    %dma_start3A_570 = tpu.memref_slice %arg18[%dma_start3A_565, %dma_start3A_569] : memref<16x128xi32, #tpu.memory_space<vmem>> -> memref<1x128xi32, #tpu.memory_space<vmem>>
    %dma_start3A_571 = tpu.memref_squeeze %dma_start3A_570 : memref<1x128xi32, #tpu.memory_space<vmem>> -> memref<128xi32, #tpu.memory_space<vmem>>
    %dma_start3A_572 = arith.constant 0 : i32
    %dma_start3A_573 = tpu.memref_slice %arg22[%dma_start3A_572] : memref<32768xi32, #tpu.memory_space<vmem_shared>> -> memref<32768xi32, #tpu.memory_space<vmem_shared>>
    tpu.enqueue_indirect_dma source(%dma_start3A_568 : memref<128xi32, #tpu.memory_space<vmem>>) target(%dma_start3A_573 : memref<32768xi32, #tpu.memory_space<vmem_shared>>) offsets(%dma_start3A_571 : memref<128xi32, #tpu.memory_space<vmem>>) semaphore(%arg25 : memref<!tpu.dma_semaphore, #tpu.memory_space<semaphore_mem>>)
    %dma_start3A_574 = arith.constant 6 : i32
    %dma_start3A_575 = arith.constant 6 : i32
    %dma_start3A_576 = arith.constant 0 : i32
    %dma_start3A_577 = tpu.memref_slice %arg19[%dma_start3A_574, %dma_start3A_576] : memref<16x128xf32, #tpu.memory_space<vmem>> -> memref<1x128xf32, #tpu.memory_space<vmem>>
    %dma_start3A_578 = tpu.memref_squeeze %dma_start3A_577 : memref<1x128xf32, #tpu.memory_space<vmem>> -> memref<128xf32, #tpu.memory_space<vmem>>
    %dma_start3A_579 = arith.constant 0 : i32
    %dma_start3A_580 = tpu.memref_slice %arg18[%dma_start3A_575, %dma_start3A_579] : memref<16x128xi32, #tpu.memory_space<vmem>> -> memref<1x128xi32, #tpu.memory_space<vmem>>
    %dma_start3A_581 = tpu.memref_squeeze %dma_start3A_580 : memref<1x128xi32, #tpu.memory_space<vmem>> -> memref<128xi32, #tpu.memory_space<vmem>>
    %dma_start3A_582 = arith.constant 0 : i32
    %dma_start3A_583 = tpu.memref_slice %arg21[%dma_start3A_582] : memref<32768xf32, #tpu.memory_space<vmem_shared>> -> memref<32768xf32, #tpu.memory_space<vmem_shared>>
    tpu.enqueue_indirect_dma source(%dma_start3A_578 : memref<128xf32, #tpu.memory_space<vmem>>) target(%dma_start3A_583 : memref<32768xf32, #tpu.memory_space<vmem_shared>>) offsets(%dma_start3A_581 : memref<128xi32, #tpu.memory_space<vmem>>) semaphore(%arg25 : memref<!tpu.dma_semaphore, #tpu.memory_space<semaphore_mem>>)
    %dma_start3A_584 = arith.constant 6 : i32
    %dma_start3A_585 = arith.constant 6 : i32
    %dma_start3A_586 = arith.constant 0 : i32
    %dma_start3A_587 = tpu.memref_slice %arg20[%dma_start3A_584, %dma_start3A_586] : memref<16x128xi32, #tpu.memory_space<vmem>> -> memref<1x128xi32, #tpu.memory_space<vmem>>
    %dma_start3A_588 = tpu.memref_squeeze %dma_start3A_587 : memref<1x128xi32, #tpu.memory_space<vmem>> -> memref<128xi32, #tpu.memory_space<vmem>>
    %dma_start3A_589 = arith.constant 0 : i32
    %dma_start3A_590 = tpu.memref_slice %arg18[%dma_start3A_585, %dma_start3A_589] : memref<16x128xi32, #tpu.memory_space<vmem>> -> memref<1x128xi32, #tpu.memory_space<vmem>>
    %dma_start3A_591 = tpu.memref_squeeze %dma_start3A_590 : memref<1x128xi32, #tpu.memory_space<vmem>> -> memref<128xi32, #tpu.memory_space<vmem>>
    %dma_start3A_592 = arith.constant 0 : i32
    %dma_start3A_593 = tpu.memref_slice %arg22[%dma_start3A_592] : memref<32768xi32, #tpu.memory_space<vmem_shared>> -> memref<32768xi32, #tpu.memory_space<vmem_shared>>
    tpu.enqueue_indirect_dma source(%dma_start3A_588 : memref<128xi32, #tpu.memory_space<vmem>>) target(%dma_start3A_593 : memref<32768xi32, #tpu.memory_space<vmem_shared>>) offsets(%dma_start3A_591 : memref<128xi32, #tpu.memory_space<vmem>>) semaphore(%arg25 : memref<!tpu.dma_semaphore, #tpu.memory_space<semaphore_mem>>)
    %dma_start3A_594 = arith.constant 7 : i32
    %dma_start3A_595 = arith.constant 7 : i32
    %dma_start3A_596 = arith.constant 0 : i32
    %dma_start3A_597 = tpu.memref_slice %arg19[%dma_start3A_594, %dma_start3A_596] : memref<16x128xf32, #tpu.memory_space<vmem>> -> memref<1x128xf32, #tpu.memory_space<vmem>>
    %dma_start3A_598 = tpu.memref_squeeze %dma_start3A_597 : memref<1x128xf32, #tpu.memory_space<vmem>> -> memref<128xf32, #tpu.memory_space<vmem>>
    %dma_start3A_599 = arith.constant 0 : i32
    %dma_start3A_600 = tpu.memref_slice %arg18[%dma_start3A_595, %dma_start3A_599] : memref<16x128xi32, #tpu.memory_space<vmem>> -> memref<1x128xi32, #tpu.memory_space<vmem>>
    %dma_start3A_601 = tpu.memref_squeeze %dma_start3A_600 : memref<1x128xi32, #tpu.memory_space<vmem>> -> memref<128xi32, #tpu.memory_space<vmem>>
    %dma_start3A_602 = arith.constant 0 : i32
    %dma_start3A_603 = tpu.memref_slice %arg21[%dma_start3A_602] : memref<32768xf32, #tpu.memory_space<vmem_shared>> -> memref<32768xf32, #tpu.memory_space<vmem_shared>>
    tpu.enqueue_indirect_dma source(%dma_start3A_598 : memref<128xf32, #tpu.memory_space<vmem>>) target(%dma_start3A_603 : memref<32768xf32, #tpu.memory_space<vmem_shared>>) offsets(%dma_start3A_601 : memref<128xi32, #tpu.memory_space<vmem>>) semaphore(%arg25 : memref<!tpu.dma_semaphore, #tpu.memory_space<semaphore_mem>>)
    %dma_start3A_604 = arith.constant 7 : i32
    %dma_start3A_605 = arith.constant 7 : i32
    %dma_start3A_606 = arith.constant 0 : i32
    %dma_start3A_607 = tpu.memref_slice %arg20[%dma_start3A_604, %dma_start3A_606] : memref<16x128xi32, #tpu.memory_space<vmem>> -> memref<1x128xi32, #tpu.memory_space<vmem>>
    %dma_start3A_608 = tpu.memref_squeeze %dma_start3A_607 : memref<1x128xi32, #tpu.memory_space<vmem>> -> memref<128xi32, #tpu.memory_space<vmem>>
    %dma_start3A_609 = arith.constant 0 : i32
    %dma_start3A_610 = tpu.memref_slice %arg18[%dma_start3A_605, %dma_start3A_609] : memref<16x128xi32, #tpu.memory_space<vmem>> -> memref<1x128xi32, #tpu.memory_space<vmem>>
    %dma_start3A_611 = tpu.memref_squeeze %dma_start3A_610 : memref<1x128xi32, #tpu.memory_space<vmem>> -> memref<128xi32, #tpu.memory_space<vmem>>
    %dma_start3A_612 = arith.constant 0 : i32
    %dma_start3A_613 = tpu.memref_slice %arg22[%dma_start3A_612] : memref<32768xi32, #tpu.memory_space<vmem_shared>> -> memref<32768xi32, #tpu.memory_space<vmem_shared>>
    tpu.enqueue_indirect_dma source(%dma_start3A_608 : memref<128xi32, #tpu.memory_space<vmem>>) target(%dma_start3A_613 : memref<32768xi32, #tpu.memory_space<vmem_shared>>) offsets(%dma_start3A_611 : memref<128xi32, #tpu.memory_space<vmem>>) semaphore(%arg25 : memref<!tpu.dma_semaphore, #tpu.memory_space<semaphore_mem>>)
    %dma_start3A_614 = arith.constant 8 : i32
    %dma_start3A_615 = arith.constant 8 : i32
    %dma_start3A_616 = arith.constant 0 : i32
    %dma_start3A_617 = tpu.memref_slice %arg19[%dma_start3A_614, %dma_start3A_616] : memref<16x128xf32, #tpu.memory_space<vmem>> -> memref<1x128xf32, #tpu.memory_space<vmem>>
    %dma_start3A_618 = tpu.memref_squeeze %dma_start3A_617 : memref<1x128xf32, #tpu.memory_space<vmem>> -> memref<128xf32, #tpu.memory_space<vmem>>
    %dma_start3A_619 = arith.constant 0 : i32
    %dma_start3A_620 = tpu.memref_slice %arg18[%dma_start3A_615, %dma_start3A_619] : memref<16x128xi32, #tpu.memory_space<vmem>> -> memref<1x128xi32, #tpu.memory_space<vmem>>
    %dma_start3A_621 = tpu.memref_squeeze %dma_start3A_620 : memref<1x128xi32, #tpu.memory_space<vmem>> -> memref<128xi32, #tpu.memory_space<vmem>>
    %dma_start3A_622 = arith.constant 0 : i32
    %dma_start3A_623 = tpu.memref_slice %arg21[%dma_start3A_622] : memref<32768xf32, #tpu.memory_space<vmem_shared>> -> memref<32768xf32, #tpu.memory_space<vmem_shared>>
    tpu.enqueue_indirect_dma source(%dma_start3A_618 : memref<128xf32, #tpu.memory_space<vmem>>) target(%dma_start3A_623 : memref<32768xf32, #tpu.memory_space<vmem_shared>>) offsets(%dma_start3A_621 : memref<128xi32, #tpu.memory_space<vmem>>) semaphore(%arg25 : memref<!tpu.dma_semaphore, #tpu.memory_space<semaphore_mem>>)
    %dma_start3A_624 = arith.constant 8 : i32
    %dma_start3A_625 = arith.constant 8 : i32
    %dma_start3A_626 = arith.constant 0 : i32
    %dma_start3A_627 = tpu.memref_slice %arg20[%dma_start3A_624, %dma_start3A_626] : memref<16x128xi32, #tpu.memory_space<vmem>> -> memref<1x128xi32, #tpu.memory_space<vmem>>
    %dma_start3A_628 = tpu.memref_squeeze %dma_start3A_627 : memref<1x128xi32, #tpu.memory_space<vmem>> -> memref<128xi32, #tpu.memory_space<vmem>>
    %dma_start3A_629 = arith.constant 0 : i32
    %dma_start3A_630 = tpu.memref_slice %arg18[%dma_start3A_625, %dma_start3A_629] : memref<16x128xi32, #tpu.memory_space<vmem>> -> memref<1x128xi32, #tpu.memory_space<vmem>>
    %dma_start3A_631 = tpu.memref_squeeze %dma_start3A_630 : memref<1x128xi32, #tpu.memory_space<vmem>> -> memref<128xi32, #tpu.memory_space<vmem>>
    %dma_start3A_632 = arith.constant 0 : i32
    %dma_start3A_633 = tpu.memref_slice %arg22[%dma_start3A_632] : memref<32768xi32, #tpu.memory_space<vmem_shared>> -> memref<32768xi32, #tpu.memory_space<vmem_shared>>
    tpu.enqueue_indirect_dma source(%dma_start3A_628 : memref<128xi32, #tpu.memory_space<vmem>>) target(%dma_start3A_633 : memref<32768xi32, #tpu.memory_space<vmem_shared>>) offsets(%dma_start3A_631 : memref<128xi32, #tpu.memory_space<vmem>>) semaphore(%arg25 : memref<!tpu.dma_semaphore, #tpu.memory_space<semaphore_mem>>)
    %dma_start3A_634 = arith.constant 9 : i32
    %dma_start3A_635 = arith.constant 9 : i32
    %dma_start3A_636 = arith.constant 0 : i32
    %dma_start3A_637 = tpu.memref_slice %arg19[%dma_start3A_634, %dma_start3A_636] : memref<16x128xf32, #tpu.memory_space<vmem>> -> memref<1x128xf32, #tpu.memory_space<vmem>>
    %dma_start3A_638 = tpu.memref_squeeze %dma_start3A_637 : memref<1x128xf32, #tpu.memory_space<vmem>> -> memref<128xf32, #tpu.memory_space<vmem>>
    %dma_start3A_639 = arith.constant 0 : i32
    %dma_start3A_640 = tpu.memref_slice %arg18[%dma_start3A_635, %dma_start3A_639] : memref<16x128xi32, #tpu.memory_space<vmem>> -> memref<1x128xi32, #tpu.memory_space<vmem>>
    %dma_start3A_641 = tpu.memref_squeeze %dma_start3A_640 : memref<1x128xi32, #tpu.memory_space<vmem>> -> memref<128xi32, #tpu.memory_space<vmem>>
    %dma_start3A_642 = arith.constant 0 : i32
    %dma_start3A_643 = tpu.memref_slice %arg21[%dma_start3A_642] : memref<32768xf32, #tpu.memory_space<vmem_shared>> -> memref<32768xf32, #tpu.memory_space<vmem_shared>>
    tpu.enqueue_indirect_dma source(%dma_start3A_638 : memref<128xf32, #tpu.memory_space<vmem>>) target(%dma_start3A_643 : memref<32768xf32, #tpu.memory_space<vmem_shared>>) offsets(%dma_start3A_641 : memref<128xi32, #tpu.memory_space<vmem>>) semaphore(%arg25 : memref<!tpu.dma_semaphore, #tpu.memory_space<semaphore_mem>>)
    %dma_start3A_644 = arith.constant 9 : i32
    %dma_start3A_645 = arith.constant 9 : i32
    %dma_start3A_646 = arith.constant 0 : i32
    %dma_start3A_647 = tpu.memref_slice %arg20[%dma_start3A_644, %dma_start3A_646] : memref<16x128xi32, #tpu.memory_space<vmem>> -> memref<1x128xi32, #tpu.memory_space<vmem>>
    %dma_start3A_648 = tpu.memref_squeeze %dma_start3A_647 : memref<1x128xi32, #tpu.memory_space<vmem>> -> memref<128xi32, #tpu.memory_space<vmem>>
    %dma_start3A_649 = arith.constant 0 : i32
    %dma_start3A_650 = tpu.memref_slice %arg18[%dma_start3A_645, %dma_start3A_649] : memref<16x128xi32, #tpu.memory_space<vmem>> -> memref<1x128xi32, #tpu.memory_space<vmem>>
    %dma_start3A_651 = tpu.memref_squeeze %dma_start3A_650 : memref<1x128xi32, #tpu.memory_space<vmem>> -> memref<128xi32, #tpu.memory_space<vmem>>
    %dma_start3A_652 = arith.constant 0 : i32
    %dma_start3A_653 = tpu.memref_slice %arg22[%dma_start3A_652] : memref<32768xi32, #tpu.memory_space<vmem_shared>> -> memref<32768xi32, #tpu.memory_space<vmem_shared>>
    tpu.enqueue_indirect_dma source(%dma_start3A_648 : memref<128xi32, #tpu.memory_space<vmem>>) target(%dma_start3A_653 : memref<32768xi32, #tpu.memory_space<vmem_shared>>) offsets(%dma_start3A_651 : memref<128xi32, #tpu.memory_space<vmem>>) semaphore(%arg25 : memref<!tpu.dma_semaphore, #tpu.memory_space<semaphore_mem>>)
    %dma_start3A_654 = arith.constant 10 : i32
    %dma_start3A_655 = arith.constant 10 : i32
    %dma_start3A_656 = arith.constant 0 : i32
    %dma_start3A_657 = tpu.memref_slice %arg19[%dma_start3A_654, %dma_start3A_656] : memref<16x128xf32, #tpu.memory_space<vmem>> -> memref<1x128xf32, #tpu.memory_space<vmem>>
    %dma_start3A_658 = tpu.memref_squeeze %dma_start3A_657 : memref<1x128xf32, #tpu.memory_space<vmem>> -> memref<128xf32, #tpu.memory_space<vmem>>
    %dma_start3A_659 = arith.constant 0 : i32
    %dma_start3A_660 = tpu.memref_slice %arg18[%dma_start3A_655, %dma_start3A_659] : memref<16x128xi32, #tpu.memory_space<vmem>> -> memref<1x128xi32, #tpu.memory_space<vmem>>
    %dma_start3A_661 = tpu.memref_squeeze %dma_start3A_660 : memref<1x128xi32, #tpu.memory_space<vmem>> -> memref<128xi32, #tpu.memory_space<vmem>>
    %dma_start3A_662 = arith.constant 0 : i32
    %dma_start3A_663 = tpu.memref_slice %arg21[%dma_start3A_662] : memref<32768xf32, #tpu.memory_space<vmem_shared>> -> memref<32768xf32, #tpu.memory_space<vmem_shared>>
    tpu.enqueue_indirect_dma source(%dma_start3A_658 : memref<128xf32, #tpu.memory_space<vmem>>) target(%dma_start3A_663 : memref<32768xf32, #tpu.memory_space<vmem_shared>>) offsets(%dma_start3A_661 : memref<128xi32, #tpu.memory_space<vmem>>) semaphore(%arg25 : memref<!tpu.dma_semaphore, #tpu.memory_space<semaphore_mem>>)
    %dma_start3A_664 = arith.constant 10 : i32
    %dma_start3A_665 = arith.constant 10 : i32
    %dma_start3A_666 = arith.constant 0 : i32
    %dma_start3A_667 = tpu.memref_slice %arg20[%dma_start3A_664, %dma_start3A_666] : memref<16x128xi32, #tpu.memory_space<vmem>> -> memref<1x128xi32, #tpu.memory_space<vmem>>
    %dma_start3A_668 = tpu.memref_squeeze %dma_start3A_667 : memref<1x128xi32, #tpu.memory_space<vmem>> -> memref<128xi32, #tpu.memory_space<vmem>>
    %dma_start3A_669 = arith.constant 0 : i32
    %dma_start3A_670 = tpu.memref_slice %arg18[%dma_start3A_665, %dma_start3A_669] : memref<16x128xi32, #tpu.memory_space<vmem>> -> memref<1x128xi32, #tpu.memory_space<vmem>>
    %dma_start3A_671 = tpu.memref_squeeze %dma_start3A_670 : memref<1x128xi32, #tpu.memory_space<vmem>> -> memref<128xi32, #tpu.memory_space<vmem>>
    %dma_start3A_672 = arith.constant 0 : i32
    %dma_start3A_673 = tpu.memref_slice %arg22[%dma_start3A_672] : memref<32768xi32, #tpu.memory_space<vmem_shared>> -> memref<32768xi32, #tpu.memory_space<vmem_shared>>
    tpu.enqueue_indirect_dma source(%dma_start3A_668 : memref<128xi32, #tpu.memory_space<vmem>>) target(%dma_start3A_673 : memref<32768xi32, #tpu.memory_space<vmem_shared>>) offsets(%dma_start3A_671 : memref<128xi32, #tpu.memory_space<vmem>>) semaphore(%arg25 : memref<!tpu.dma_semaphore, #tpu.memory_space<semaphore_mem>>)
    %dma_start3A_674 = arith.constant 11 : i32
    %dma_start3A_675 = arith.constant 11 : i32
    %dma_start3A_676 = arith.constant 0 : i32
    %dma_start3A_677 = tpu.memref_slice %arg19[%dma_start3A_674, %dma_start3A_676] : memref<16x128xf32, #tpu.memory_space<vmem>> -> memref<1x128xf32, #tpu.memory_space<vmem>>
    %dma_start3A_678 = tpu.memref_squeeze %dma_start3A_677 : memref<1x128xf32, #tpu.memory_space<vmem>> -> memref<128xf32, #tpu.memory_space<vmem>>
    %dma_start3A_679 = arith.constant 0 : i32
    %dma_start3A_680 = tpu.memref_slice %arg18[%dma_start3A_675, %dma_start3A_679] : memref<16x128xi32, #tpu.memory_space<vmem>> -> memref<1x128xi32, #tpu.memory_space<vmem>>
    %dma_start3A_681 = tpu.memref_squeeze %dma_start3A_680 : memref<1x128xi32, #tpu.memory_space<vmem>> -> memref<128xi32, #tpu.memory_space<vmem>>
    %dma_start3A_682 = arith.constant 0 : i32
    %dma_start3A_683 = tpu.memref_slice %arg21[%dma_start3A_682] : memref<32768xf32, #tpu.memory_space<vmem_shared>> -> memref<32768xf32, #tpu.memory_space<vmem_shared>>
    tpu.enqueue_indirect_dma source(%dma_start3A_678 : memref<128xf32, #tpu.memory_space<vmem>>) target(%dma_start3A_683 : memref<32768xf32, #tpu.memory_space<vmem_shared>>) offsets(%dma_start3A_681 : memref<128xi32, #tpu.memory_space<vmem>>) semaphore(%arg25 : memref<!tpu.dma_semaphore, #tpu.memory_space<semaphore_mem>>)
    %dma_start3A_684 = arith.constant 11 : i32
    %dma_start3A_685 = arith.constant 11 : i32
    %dma_start3A_686 = arith.constant 0 : i32
    %dma_start3A_687 = tpu.memref_slice %arg20[%dma_start3A_684, %dma_start3A_686] : memref<16x128xi32, #tpu.memory_space<vmem>> -> memref<1x128xi32, #tpu.memory_space<vmem>>
    %dma_start3A_688 = tpu.memref_squeeze %dma_start3A_687 : memref<1x128xi32, #tpu.memory_space<vmem>> -> memref<128xi32, #tpu.memory_space<vmem>>
    %dma_start3A_689 = arith.constant 0 : i32
    %dma_start3A_690 = tpu.memref_slice %arg18[%dma_start3A_685, %dma_start3A_689] : memref<16x128xi32, #tpu.memory_space<vmem>> -> memref<1x128xi32, #tpu.memory_space<vmem>>
    %dma_start3A_691 = tpu.memref_squeeze %dma_start3A_690 : memref<1x128xi32, #tpu.memory_space<vmem>> -> memref<128xi32, #tpu.memory_space<vmem>>
    %dma_start3A_692 = arith.constant 0 : i32
    %dma_start3A_693 = tpu.memref_slice %arg22[%dma_start3A_692] : memref<32768xi32, #tpu.memory_space<vmem_shared>> -> memref<32768xi32, #tpu.memory_space<vmem_shared>>
    tpu.enqueue_indirect_dma source(%dma_start3A_688 : memref<128xi32, #tpu.memory_space<vmem>>) target(%dma_start3A_693 : memref<32768xi32, #tpu.memory_space<vmem_shared>>) offsets(%dma_start3A_691 : memref<128xi32, #tpu.memory_space<vmem>>) semaphore(%arg25 : memref<!tpu.dma_semaphore, #tpu.memory_space<semaphore_mem>>)
    %dma_start3A_694 = arith.constant 12 : i32
    %dma_start3A_695 = arith.constant 12 : i32
    %dma_start3A_696 = arith.constant 0 : i32
    %dma_start3A_697 = tpu.memref_slice %arg19[%dma_start3A_694, %dma_start3A_696] : memref<16x128xf32, #tpu.memory_space<vmem>> -> memref<1x128xf32, #tpu.memory_space<vmem>>
    %dma_start3A_698 = tpu.memref_squeeze %dma_start3A_697 : memref<1x128xf32, #tpu.memory_space<vmem>> -> memref<128xf32, #tpu.memory_space<vmem>>
    %dma_start3A_699 = arith.constant 0 : i32
    %dma_start3A_700 = tpu.memref_slice %arg18[%dma_start3A_695, %dma_start3A_699] : memref<16x128xi32, #tpu.memory_space<vmem>> -> memref<1x128xi32, #tpu.memory_space<vmem>>
    %dma_start3A_701 = tpu.memref_squeeze %dma_start3A_700 : memref<1x128xi32, #tpu.memory_space<vmem>> -> memref<128xi32, #tpu.memory_space<vmem>>
    %dma_start3A_702 = arith.constant 0 : i32
    %dma_start3A_703 = tpu.memref_slice %arg21[%dma_start3A_702] : memref<32768xf32, #tpu.memory_space<vmem_shared>> -> memref<32768xf32, #tpu.memory_space<vmem_shared>>
    tpu.enqueue_indirect_dma source(%dma_start3A_698 : memref<128xf32, #tpu.memory_space<vmem>>) target(%dma_start3A_703 : memref<32768xf32, #tpu.memory_space<vmem_shared>>) offsets(%dma_start3A_701 : memref<128xi32, #tpu.memory_space<vmem>>) semaphore(%arg25 : memref<!tpu.dma_semaphore, #tpu.memory_space<semaphore_mem>>)
    %dma_start3A_704 = arith.constant 12 : i32
    %dma_start3A_705 = arith.constant 12 : i32
    %dma_start3A_706 = arith.constant 0 : i32
    %dma_start3A_707 = tpu.memref_slice %arg20[%dma_start3A_704, %dma_start3A_706] : memref<16x128xi32, #tpu.memory_space<vmem>> -> memref<1x128xi32, #tpu.memory_space<vmem>>
    %dma_start3A_708 = tpu.memref_squeeze %dma_start3A_707 : memref<1x128xi32, #tpu.memory_space<vmem>> -> memref<128xi32, #tpu.memory_space<vmem>>
    %dma_start3A_709 = arith.constant 0 : i32
    %dma_start3A_710 = tpu.memref_slice %arg18[%dma_start3A_705, %dma_start3A_709] : memref<16x128xi32, #tpu.memory_space<vmem>> -> memref<1x128xi32, #tpu.memory_space<vmem>>
    %dma_start3A_711 = tpu.memref_squeeze %dma_start3A_710 : memref<1x128xi32, #tpu.memory_space<vmem>> -> memref<128xi32, #tpu.memory_space<vmem>>
    %dma_start3A_712 = arith.constant 0 : i32
    %dma_start3A_713 = tpu.memref_slice %arg22[%dma_start3A_712] : memref<32768xi32, #tpu.memory_space<vmem_shared>> -> memref<32768xi32, #tpu.memory_space<vmem_shared>>
    tpu.enqueue_indirect_dma source(%dma_start3A_708 : memref<128xi32, #tpu.memory_space<vmem>>) target(%dma_start3A_713 : memref<32768xi32, #tpu.memory_space<vmem_shared>>) offsets(%dma_start3A_711 : memref<128xi32, #tpu.memory_space<vmem>>) semaphore(%arg25 : memref<!tpu.dma_semaphore, #tpu.memory_space<semaphore_mem>>)
    %dma_start3A_714 = arith.constant 13 : i32
    %dma_start3A_715 = arith.constant 13 : i32
    %dma_start3A_716 = arith.constant 0 : i32
    %dma_start3A_717 = tpu.memref_slice %arg19[%dma_start3A_714, %dma_start3A_716] : memref<16x128xf32, #tpu.memory_space<vmem>> -> memref<1x128xf32, #tpu.memory_space<vmem>>
    %dma_start3A_718 = tpu.memref_squeeze %dma_start3A_717 : memref<1x128xf32, #tpu.memory_space<vmem>> -> memref<128xf32, #tpu.memory_space<vmem>>
    %dma_start3A_719 = arith.constant 0 : i32
    %dma_start3A_720 = tpu.memref_slice %arg18[%dma_start3A_715, %dma_start3A_719] : memref<16x128xi32, #tpu.memory_space<vmem>> -> memref<1x128xi32, #tpu.memory_space<vmem>>
    %dma_start3A_721 = tpu.memref_squeeze %dma_start3A_720 : memref<1x128xi32, #tpu.memory_space<vmem>> -> memref<128xi32, #tpu.memory_space<vmem>>
    %dma_start3A_722 = arith.constant 0 : i32
    %dma_start3A_723 = tpu.memref_slice %arg21[%dma_start3A_722] : memref<32768xf32, #tpu.memory_space<vmem_shared>> -> memref<32768xf32, #tpu.memory_space<vmem_shared>>
    tpu.enqueue_indirect_dma source(%dma_start3A_718 : memref<128xf32, #tpu.memory_space<vmem>>) target(%dma_start3A_723 : memref<32768xf32, #tpu.memory_space<vmem_shared>>) offsets(%dma_start3A_721 : memref<128xi32, #tpu.memory_space<vmem>>) semaphore(%arg25 : memref<!tpu.dma_semaphore, #tpu.memory_space<semaphore_mem>>)
    %dma_start3A_724 = arith.constant 13 : i32
    %dma_start3A_725 = arith.constant 13 : i32
    %dma_start3A_726 = arith.constant 0 : i32
    %dma_start3A_727 = tpu.memref_slice %arg20[%dma_start3A_724, %dma_start3A_726] : memref<16x128xi32, #tpu.memory_space<vmem>> -> memref<1x128xi32, #tpu.memory_space<vmem>>
    %dma_start3A_728 = tpu.memref_squeeze %dma_start3A_727 : memref<1x128xi32, #tpu.memory_space<vmem>> -> memref<128xi32, #tpu.memory_space<vmem>>
    %dma_start3A_729 = arith.constant 0 : i32
    %dma_start3A_730 = tpu.memref_slice %arg18[%dma_start3A_725, %dma_start3A_729] : memref<16x128xi32, #tpu.memory_space<vmem>> -> memref<1x128xi32, #tpu.memory_space<vmem>>
    %dma_start3A_731 = tpu.memref_squeeze %dma_start3A_730 : memref<1x128xi32, #tpu.memory_space<vmem>> -> memref<128xi32, #tpu.memory_space<vmem>>
    %dma_start3A_732 = arith.constant 0 : i32
    %dma_start3A_733 = tpu.memref_slice %arg22[%dma_start3A_732] : memref<32768xi32, #tpu.memory_space<vmem_shared>> -> memref<32768xi32, #tpu.memory_space<vmem_shared>>
    tpu.enqueue_indirect_dma source(%dma_start3A_728 : memref<128xi32, #tpu.memory_space<vmem>>) target(%dma_start3A_733 : memref<32768xi32, #tpu.memory_space<vmem_shared>>) offsets(%dma_start3A_731 : memref<128xi32, #tpu.memory_space<vmem>>) semaphore(%arg25 : memref<!tpu.dma_semaphore, #tpu.memory_space<semaphore_mem>>)
    %dma_start3A_734 = arith.constant 14 : i32
    %dma_start3A_735 = arith.constant 14 : i32
    %dma_start3A_736 = arith.constant 0 : i32
    %dma_start3A_737 = tpu.memref_slice %arg19[%dma_start3A_734, %dma_start3A_736] : memref<16x128xf32, #tpu.memory_space<vmem>> -> memref<1x128xf32, #tpu.memory_space<vmem>>
    %dma_start3A_738 = tpu.memref_squeeze %dma_start3A_737 : memref<1x128xf32, #tpu.memory_space<vmem>> -> memref<128xf32, #tpu.memory_space<vmem>>
    %dma_start3A_739 = arith.constant 0 : i32
    %dma_start3A_740 = tpu.memref_slice %arg18[%dma_start3A_735, %dma_start3A_739] : memref<16x128xi32, #tpu.memory_space<vmem>> -> memref<1x128xi32, #tpu.memory_space<vmem>>
    %dma_start3A_741 = tpu.memref_squeeze %dma_start3A_740 : memref<1x128xi32, #tpu.memory_space<vmem>> -> memref<128xi32, #tpu.memory_space<vmem>>
    %dma_start3A_742 = arith.constant 0 : i32
    %dma_start3A_743 = tpu.memref_slice %arg21[%dma_start3A_742] : memref<32768xf32, #tpu.memory_space<vmem_shared>> -> memref<32768xf32, #tpu.memory_space<vmem_shared>>
    tpu.enqueue_indirect_dma source(%dma_start3A_738 : memref<128xf32, #tpu.memory_space<vmem>>) target(%dma_start3A_743 : memref<32768xf32, #tpu.memory_space<vmem_shared>>) offsets(%dma_start3A_741 : memref<128xi32, #tpu.memory_space<vmem>>) semaphore(%arg25 : memref<!tpu.dma_semaphore, #tpu.memory_space<semaphore_mem>>)
    %dma_start3A_744 = arith.constant 14 : i32
    %dma_start3A_745 = arith.constant 14 : i32
    %dma_start3A_746 = arith.constant 0 : i32
    %dma_start3A_747 = tpu.memref_slice %arg20[%dma_start3A_744, %dma_start3A_746] : memref<16x128xi32, #tpu.memory_space<vmem>> -> memref<1x128xi32, #tpu.memory_space<vmem>>
    %dma_start3A_748 = tpu.memref_squeeze %dma_start3A_747 : memref<1x128xi32, #tpu.memory_space<vmem>> -> memref<128xi32, #tpu.memory_space<vmem>>
    %dma_start3A_749 = arith.constant 0 : i32
    %dma_start3A_750 = tpu.memref_slice %arg18[%dma_start3A_745, %dma_start3A_749] : memref<16x128xi32, #tpu.memory_space<vmem>> -> memref<1x128xi32, #tpu.memory_space<vmem>>
    %dma_start3A_751 = tpu.memref_squeeze %dma_start3A_750 : memref<1x128xi32, #tpu.memory_space<vmem>> -> memref<128xi32, #tpu.memory_space<vmem>>
    %dma_start3A_752 = arith.constant 0 : i32
    %dma_start3A_753 = tpu.memref_slice %arg22[%dma_start3A_752] : memref<32768xi32, #tpu.memory_space<vmem_shared>> -> memref<32768xi32, #tpu.memory_space<vmem_shared>>
    tpu.enqueue_indirect_dma source(%dma_start3A_748 : memref<128xi32, #tpu.memory_space<vmem>>) target(%dma_start3A_753 : memref<32768xi32, #tpu.memory_space<vmem_shared>>) offsets(%dma_start3A_751 : memref<128xi32, #tpu.memory_space<vmem>>) semaphore(%arg25 : memref<!tpu.dma_semaphore, #tpu.memory_space<semaphore_mem>>)
    %dma_start3A_754 = arith.constant 15 : i32
    %dma_start3A_755 = arith.constant 15 : i32
    %dma_start3A_756 = arith.constant 0 : i32
    %dma_start3A_757 = tpu.memref_slice %arg19[%dma_start3A_754, %dma_start3A_756] : memref<16x128xf32, #tpu.memory_space<vmem>> -> memref<1x128xf32, #tpu.memory_space<vmem>>
    %dma_start3A_758 = tpu.memref_squeeze %dma_start3A_757 : memref<1x128xf32, #tpu.memory_space<vmem>> -> memref<128xf32, #tpu.memory_space<vmem>>
    %dma_start3A_759 = arith.constant 0 : i32
    %dma_start3A_760 = tpu.memref_slice %arg18[%dma_start3A_755, %dma_start3A_759] : memref<16x128xi32, #tpu.memory_space<vmem>> -> memref<1x128xi32, #tpu.memory_space<vmem>>
    %dma_start3A_761 = tpu.memref_squeeze %dma_start3A_760 : memref<1x128xi32, #tpu.memory_space<vmem>> -> memref<128xi32, #tpu.memory_space<vmem>>
    %dma_start3A_762 = arith.constant 0 : i32
    %dma_start3A_763 = tpu.memref_slice %arg21[%dma_start3A_762] : memref<32768xf32, #tpu.memory_space<vmem_shared>> -> memref<32768xf32, #tpu.memory_space<vmem_shared>>
    tpu.enqueue_indirect_dma source(%dma_start3A_758 : memref<128xf32, #tpu.memory_space<vmem>>) target(%dma_start3A_763 : memref<32768xf32, #tpu.memory_space<vmem_shared>>) offsets(%dma_start3A_761 : memref<128xi32, #tpu.memory_space<vmem>>) semaphore(%arg25 : memref<!tpu.dma_semaphore, #tpu.memory_space<semaphore_mem>>)
    %dma_start3A_764 = arith.constant 15 : i32
    %dma_start3A_765 = arith.constant 15 : i32
    %dma_start3A_766 = arith.constant 0 : i32
    %dma_start3A_767 = tpu.memref_slice %arg20[%dma_start3A_764, %dma_start3A_766] : memref<16x128xi32, #tpu.memory_space<vmem>> -> memref<1x128xi32, #tpu.memory_space<vmem>>
    %dma_start3A_768 = tpu.memref_squeeze %dma_start3A_767 : memref<1x128xi32, #tpu.memory_space<vmem>> -> memref<128xi32, #tpu.memory_space<vmem>>
    %dma_start3A_769 = arith.constant 0 : i32
    %dma_start3A_770 = tpu.memref_slice %arg18[%dma_start3A_765, %dma_start3A_769] : memref<16x128xi32, #tpu.memory_space<vmem>> -> memref<1x128xi32, #tpu.memory_space<vmem>>
    %dma_start3A_771 = tpu.memref_squeeze %dma_start3A_770 : memref<1x128xi32, #tpu.memory_space<vmem>> -> memref<128xi32, #tpu.memory_space<vmem>>
    %dma_start3A_772 = arith.constant 0 : i32
    %dma_start3A_773 = tpu.memref_slice %arg22[%dma_start3A_772] : memref<32768xi32, #tpu.memory_space<vmem_shared>> -> memref<32768xi32, #tpu.memory_space<vmem_shared>>
    tpu.enqueue_indirect_dma source(%dma_start3A_768 : memref<128xi32, #tpu.memory_space<vmem>>) target(%dma_start3A_773 : memref<32768xi32, #tpu.memory_space<vmem_shared>>) offsets(%dma_start3A_771 : memref<128xi32, #tpu.memory_space<vmem>>) semaphore(%arg25 : memref<!tpu.dma_semaphore, #tpu.memory_space<semaphore_mem>>)
    %dma_wait3A_774 = arith.constant 0 : i32
    %dma_wait3A_775 = arith.constant 0 : i32
    %dma_wait3A_776 = arith.constant 0 : i32
    %dma_wait3A_777 = tpu.memref_slice %arg19[%dma_wait3A_774, %dma_wait3A_776] : memref<16x128xf32, #tpu.memory_space<vmem>> -> memref<1x128xf32, #tpu.memory_space<vmem>>
    %dma_wait3A_778 = tpu.memref_squeeze %dma_wait3A_777 : memref<1x128xf32, #tpu.memory_space<vmem>> -> memref<128xf32, #tpu.memory_space<vmem>>
    %dma_wait3A_779 = arith.constant 0 : i32
    %dma_wait3A_780 = tpu.memref_slice %arg18[%dma_wait3A_775, %dma_wait3A_779] : memref<16x128xi32, #tpu.memory_space<vmem>> -> memref<1x128xi32, #tpu.memory_space<vmem>>
    %dma_wait3A_781 = tpu.memref_squeeze %dma_wait3A_780 : memref<1x128xi32, #tpu.memory_space<vmem>> -> memref<128xi32, #tpu.memory_space<vmem>>
    %dma_wait3A_782 = arith.constant 0 : i32
    %dma_wait3A_783 = tpu.memref_slice %arg21[%dma_wait3A_782] : memref<32768xf32, #tpu.memory_space<vmem_shared>> -> memref<32768xf32, #tpu.memory_space<vmem_shared>>
    tpu.wait_indirect_dma semaphore(%arg25 : memref<!tpu.dma_semaphore, #tpu.memory_space<semaphore_mem>>) src(%dma_wait3A_778 : memref<128xf32, #tpu.memory_space<vmem>>) dst(%dma_wait3A_783 : memref<32768xf32, #tpu.memory_space<vmem_shared>>)
    %dma_wait3A_784 = arith.constant 0 : i32
    %dma_wait3A_785 = arith.constant 0 : i32
    %dma_wait3A_786 = arith.constant 0 : i32
    %dma_wait3A_787 = tpu.memref_slice %arg20[%dma_wait3A_784, %dma_wait3A_786] : memref<16x128xi32, #tpu.memory_space<vmem>> -> memref<1x128xi32, #tpu.memory_space<vmem>>
    %dma_wait3A_788 = tpu.memref_squeeze %dma_wait3A_787 : memref<1x128xi32, #tpu.memory_space<vmem>> -> memref<128xi32, #tpu.memory_space<vmem>>
    %dma_wait3A_789 = arith.constant 0 : i32
    %dma_wait3A_790 = tpu.memref_slice %arg18[%dma_wait3A_785, %dma_wait3A_789] : memref<16x128xi32, #tpu.memory_space<vmem>> -> memref<1x128xi32, #tpu.memory_space<vmem>>
    %dma_wait3A_791 = tpu.memref_squeeze %dma_wait3A_790 : memref<1x128xi32, #tpu.memory_space<vmem>> -> memref<128xi32, #tpu.memory_space<vmem>>
    %dma_wait3A_792 = arith.constant 0 : i32
    %dma_wait3A_793 = tpu.memref_slice %arg22[%dma_wait3A_792] : memref<32768xi32, #tpu.memory_space<vmem_shared>> -> memref<32768xi32, #tpu.memory_space<vmem_shared>>
    tpu.wait_indirect_dma semaphore(%arg25 : memref<!tpu.dma_semaphore, #tpu.memory_space<semaphore_mem>>) src(%dma_wait3A_788 : memref<128xi32, #tpu.memory_space<vmem>>) dst(%dma_wait3A_793 : memref<32768xi32, #tpu.memory_space<vmem_shared>>)
    %dma_wait3A_794 = arith.constant 1 : i32
    %dma_wait3A_795 = arith.constant 1 : i32
    %dma_wait3A_796 = arith.constant 0 : i32
    %dma_wait3A_797 = tpu.memref_slice %arg19[%dma_wait3A_794, %dma_wait3A_796] : memref<16x128xf32, #tpu.memory_space<vmem>> -> memref<1x128xf32, #tpu.memory_space<vmem>>
    %dma_wait3A_798 = tpu.memref_squeeze %dma_wait3A_797 : memref<1x128xf32, #tpu.memory_space<vmem>> -> memref<128xf32, #tpu.memory_space<vmem>>
    %dma_wait3A_799 = arith.constant 0 : i32
    %dma_wait3A_800 = tpu.memref_slice %arg18[%dma_wait3A_795, %dma_wait3A_799] : memref<16x128xi32, #tpu.memory_space<vmem>> -> memref<1x128xi32, #tpu.memory_space<vmem>>
    %dma_wait3A_801 = tpu.memref_squeeze %dma_wait3A_800 : memref<1x128xi32, #tpu.memory_space<vmem>> -> memref<128xi32, #tpu.memory_space<vmem>>
    %dma_wait3A_802 = arith.constant 0 : i32
    %dma_wait3A_803 = tpu.memref_slice %arg21[%dma_wait3A_802] : memref<32768xf32, #tpu.memory_space<vmem_shared>> -> memref<32768xf32, #tpu.memory_space<vmem_shared>>
    tpu.wait_indirect_dma semaphore(%arg25 : memref<!tpu.dma_semaphore, #tpu.memory_space<semaphore_mem>>) src(%dma_wait3A_798 : memref<128xf32, #tpu.memory_space<vmem>>) dst(%dma_wait3A_803 : memref<32768xf32, #tpu.memory_space<vmem_shared>>)
    %dma_wait3A_804 = arith.constant 1 : i32
    %dma_wait3A_805 = arith.constant 1 : i32
    %dma_wait3A_806 = arith.constant 0 : i32
    %dma_wait3A_807 = tpu.memref_slice %arg20[%dma_wait3A_804, %dma_wait3A_806] : memref<16x128xi32, #tpu.memory_space<vmem>> -> memref<1x128xi32, #tpu.memory_space<vmem>>
    %dma_wait3A_808 = tpu.memref_squeeze %dma_wait3A_807 : memref<1x128xi32, #tpu.memory_space<vmem>> -> memref<128xi32, #tpu.memory_space<vmem>>
    %dma_wait3A_809 = arith.constant 0 : i32
    %dma_wait3A_810 = tpu.memref_slice %arg18[%dma_wait3A_805, %dma_wait3A_809] : memref<16x128xi32, #tpu.memory_space<vmem>> -> memref<1x128xi32, #tpu.memory_space<vmem>>
    %dma_wait3A_811 = tpu.memref_squeeze %dma_wait3A_810 : memref<1x128xi32, #tpu.memory_space<vmem>> -> memref<128xi32, #tpu.memory_space<vmem>>
    %dma_wait3A_812 = arith.constant 0 : i32
    %dma_wait3A_813 = tpu.memref_slice %arg22[%dma_wait3A_812] : memref<32768xi32, #tpu.memory_space<vmem_shared>> -> memref<32768xi32, #tpu.memory_space<vmem_shared>>
    tpu.wait_indirect_dma semaphore(%arg25 : memref<!tpu.dma_semaphore, #tpu.memory_space<semaphore_mem>>) src(%dma_wait3A_808 : memref<128xi32, #tpu.memory_space<vmem>>) dst(%dma_wait3A_813 : memref<32768xi32, #tpu.memory_space<vmem_shared>>)
    %dma_wait3A_814 = arith.constant 2 : i32
    %dma_wait3A_815 = arith.constant 2 : i32
    %dma_wait3A_816 = arith.constant 0 : i32
    %dma_wait3A_817 = tpu.memref_slice %arg19[%dma_wait3A_814, %dma_wait3A_816] : memref<16x128xf32, #tpu.memory_space<vmem>> -> memref<1x128xf32, #tpu.memory_space<vmem>>
    %dma_wait3A_818 = tpu.memref_squeeze %dma_wait3A_817 : memref<1x128xf32, #tpu.memory_space<vmem>> -> memref<128xf32, #tpu.memory_space<vmem>>
    %dma_wait3A_819 = arith.constant 0 : i32
    %dma_wait3A_820 = tpu.memref_slice %arg18[%dma_wait3A_815, %dma_wait3A_819] : memref<16x128xi32, #tpu.memory_space<vmem>> -> memref<1x128xi32, #tpu.memory_space<vmem>>
    %dma_wait3A_821 = tpu.memref_squeeze %dma_wait3A_820 : memref<1x128xi32, #tpu.memory_space<vmem>> -> memref<128xi32, #tpu.memory_space<vmem>>
    %dma_wait3A_822 = arith.constant 0 : i32
    %dma_wait3A_823 = tpu.memref_slice %arg21[%dma_wait3A_822] : memref<32768xf32, #tpu.memory_space<vmem_shared>> -> memref<32768xf32, #tpu.memory_space<vmem_shared>>
    tpu.wait_indirect_dma semaphore(%arg25 : memref<!tpu.dma_semaphore, #tpu.memory_space<semaphore_mem>>) src(%dma_wait3A_818 : memref<128xf32, #tpu.memory_space<vmem>>) dst(%dma_wait3A_823 : memref<32768xf32, #tpu.memory_space<vmem_shared>>)
    %dma_wait3A_824 = arith.constant 2 : i32
    %dma_wait3A_825 = arith.constant 2 : i32
    %dma_wait3A_826 = arith.constant 0 : i32
    %dma_wait3A_827 = tpu.memref_slice %arg20[%dma_wait3A_824, %dma_wait3A_826] : memref<16x128xi32, #tpu.memory_space<vmem>> -> memref<1x128xi32, #tpu.memory_space<vmem>>
    %dma_wait3A_828 = tpu.memref_squeeze %dma_wait3A_827 : memref<1x128xi32, #tpu.memory_space<vmem>> -> memref<128xi32, #tpu.memory_space<vmem>>
    %dma_wait3A_829 = arith.constant 0 : i32
    %dma_wait3A_830 = tpu.memref_slice %arg18[%dma_wait3A_825, %dma_wait3A_829] : memref<16x128xi32, #tpu.memory_space<vmem>> -> memref<1x128xi32, #tpu.memory_space<vmem>>
    %dma_wait3A_831 = tpu.memref_squeeze %dma_wait3A_830 : memref<1x128xi32, #tpu.memory_space<vmem>> -> memref<128xi32, #tpu.memory_space<vmem>>
    %dma_wait3A_832 = arith.constant 0 : i32
    %dma_wait3A_833 = tpu.memref_slice %arg22[%dma_wait3A_832] : memref<32768xi32, #tpu.memory_space<vmem_shared>> -> memref<32768xi32, #tpu.memory_space<vmem_shared>>
    tpu.wait_indirect_dma semaphore(%arg25 : memref<!tpu.dma_semaphore, #tpu.memory_space<semaphore_mem>>) src(%dma_wait3A_828 : memref<128xi32, #tpu.memory_space<vmem>>) dst(%dma_wait3A_833 : memref<32768xi32, #tpu.memory_space<vmem_shared>>)
    %dma_wait3A_834 = arith.constant 3 : i32
    %dma_wait3A_835 = arith.constant 3 : i32
    %dma_wait3A_836 = arith.constant 0 : i32
    %dma_wait3A_837 = tpu.memref_slice %arg19[%dma_wait3A_834, %dma_wait3A_836] : memref<16x128xf32, #tpu.memory_space<vmem>> -> memref<1x128xf32, #tpu.memory_space<vmem>>
    %dma_wait3A_838 = tpu.memref_squeeze %dma_wait3A_837 : memref<1x128xf32, #tpu.memory_space<vmem>> -> memref<128xf32, #tpu.memory_space<vmem>>
    %dma_wait3A_839 = arith.constant 0 : i32
    %dma_wait3A_840 = tpu.memref_slice %arg18[%dma_wait3A_835, %dma_wait3A_839] : memref<16x128xi32, #tpu.memory_space<vmem>> -> memref<1x128xi32, #tpu.memory_space<vmem>>
    %dma_wait3A_841 = tpu.memref_squeeze %dma_wait3A_840 : memref<1x128xi32, #tpu.memory_space<vmem>> -> memref<128xi32, #tpu.memory_space<vmem>>
    %dma_wait3A_842 = arith.constant 0 : i32
    %dma_wait3A_843 = tpu.memref_slice %arg21[%dma_wait3A_842] : memref<32768xf32, #tpu.memory_space<vmem_shared>> -> memref<32768xf32, #tpu.memory_space<vmem_shared>>
    tpu.wait_indirect_dma semaphore(%arg25 : memref<!tpu.dma_semaphore, #tpu.memory_space<semaphore_mem>>) src(%dma_wait3A_838 : memref<128xf32, #tpu.memory_space<vmem>>) dst(%dma_wait3A_843 : memref<32768xf32, #tpu.memory_space<vmem_shared>>)
    %dma_wait3A_844 = arith.constant 3 : i32
    %dma_wait3A_845 = arith.constant 3 : i32
    %dma_wait3A_846 = arith.constant 0 : i32
    %dma_wait3A_847 = tpu.memref_slice %arg20[%dma_wait3A_844, %dma_wait3A_846] : memref<16x128xi32, #tpu.memory_space<vmem>> -> memref<1x128xi32, #tpu.memory_space<vmem>>
    %dma_wait3A_848 = tpu.memref_squeeze %dma_wait3A_847 : memref<1x128xi32, #tpu.memory_space<vmem>> -> memref<128xi32, #tpu.memory_space<vmem>>
    %dma_wait3A_849 = arith.constant 0 : i32
    %dma_wait3A_850 = tpu.memref_slice %arg18[%dma_wait3A_845, %dma_wait3A_849] : memref<16x128xi32, #tpu.memory_space<vmem>> -> memref<1x128xi32, #tpu.memory_space<vmem>>
    %dma_wait3A_851 = tpu.memref_squeeze %dma_wait3A_850 : memref<1x128xi32, #tpu.memory_space<vmem>> -> memref<128xi32, #tpu.memory_space<vmem>>
    %dma_wait3A_852 = arith.constant 0 : i32
    %dma_wait3A_853 = tpu.memref_slice %arg22[%dma_wait3A_852] : memref<32768xi32, #tpu.memory_space<vmem_shared>> -> memref<32768xi32, #tpu.memory_space<vmem_shared>>
    tpu.wait_indirect_dma semaphore(%arg25 : memref<!tpu.dma_semaphore, #tpu.memory_space<semaphore_mem>>) src(%dma_wait3A_848 : memref<128xi32, #tpu.memory_space<vmem>>) dst(%dma_wait3A_853 : memref<32768xi32, #tpu.memory_space<vmem_shared>>)
    %dma_wait3A_854 = arith.constant 4 : i32
    %dma_wait3A_855 = arith.constant 4 : i32
    %dma_wait3A_856 = arith.constant 0 : i32
    %dma_wait3A_857 = tpu.memref_slice %arg19[%dma_wait3A_854, %dma_wait3A_856] : memref<16x128xf32, #tpu.memory_space<vmem>> -> memref<1x128xf32, #tpu.memory_space<vmem>>
    %dma_wait3A_858 = tpu.memref_squeeze %dma_wait3A_857 : memref<1x128xf32, #tpu.memory_space<vmem>> -> memref<128xf32, #tpu.memory_space<vmem>>
    %dma_wait3A_859 = arith.constant 0 : i32
    %dma_wait3A_860 = tpu.memref_slice %arg18[%dma_wait3A_855, %dma_wait3A_859] : memref<16x128xi32, #tpu.memory_space<vmem>> -> memref<1x128xi32, #tpu.memory_space<vmem>>
    %dma_wait3A_861 = tpu.memref_squeeze %dma_wait3A_860 : memref<1x128xi32, #tpu.memory_space<vmem>> -> memref<128xi32, #tpu.memory_space<vmem>>
    %dma_wait3A_862 = arith.constant 0 : i32
    %dma_wait3A_863 = tpu.memref_slice %arg21[%dma_wait3A_862] : memref<32768xf32, #tpu.memory_space<vmem_shared>> -> memref<32768xf32, #tpu.memory_space<vmem_shared>>
    tpu.wait_indirect_dma semaphore(%arg25 : memref<!tpu.dma_semaphore, #tpu.memory_space<semaphore_mem>>) src(%dma_wait3A_858 : memref<128xf32, #tpu.memory_space<vmem>>) dst(%dma_wait3A_863 : memref<32768xf32, #tpu.memory_space<vmem_shared>>)
    %dma_wait3A_864 = arith.constant 4 : i32
    %dma_wait3A_865 = arith.constant 4 : i32
    %dma_wait3A_866 = arith.constant 0 : i32
    %dma_wait3A_867 = tpu.memref_slice %arg20[%dma_wait3A_864, %dma_wait3A_866] : memref<16x128xi32, #tpu.memory_space<vmem>> -> memref<1x128xi32, #tpu.memory_space<vmem>>
    %dma_wait3A_868 = tpu.memref_squeeze %dma_wait3A_867 : memref<1x128xi32, #tpu.memory_space<vmem>> -> memref<128xi32, #tpu.memory_space<vmem>>
    %dma_wait3A_869 = arith.constant 0 : i32
    %dma_wait3A_870 = tpu.memref_slice %arg18[%dma_wait3A_865, %dma_wait3A_869] : memref<16x128xi32, #tpu.memory_space<vmem>> -> memref<1x128xi32, #tpu.memory_space<vmem>>
    %dma_wait3A_871 = tpu.memref_squeeze %dma_wait3A_870 : memref<1x128xi32, #tpu.memory_space<vmem>> -> memref<128xi32, #tpu.memory_space<vmem>>
    %dma_wait3A_872 = arith.constant 0 : i32
    %dma_wait3A_873 = tpu.memref_slice %arg22[%dma_wait3A_872] : memref<32768xi32, #tpu.memory_space<vmem_shared>> -> memref<32768xi32, #tpu.memory_space<vmem_shared>>
    tpu.wait_indirect_dma semaphore(%arg25 : memref<!tpu.dma_semaphore, #tpu.memory_space<semaphore_mem>>) src(%dma_wait3A_868 : memref<128xi32, #tpu.memory_space<vmem>>) dst(%dma_wait3A_873 : memref<32768xi32, #tpu.memory_space<vmem_shared>>)
    %dma_wait3A_874 = arith.constant 5 : i32
    %dma_wait3A_875 = arith.constant 5 : i32
    %dma_wait3A_876 = arith.constant 0 : i32
    %dma_wait3A_877 = tpu.memref_slice %arg19[%dma_wait3A_874, %dma_wait3A_876] : memref<16x128xf32, #tpu.memory_space<vmem>> -> memref<1x128xf32, #tpu.memory_space<vmem>>
    %dma_wait3A_878 = tpu.memref_squeeze %dma_wait3A_877 : memref<1x128xf32, #tpu.memory_space<vmem>> -> memref<128xf32, #tpu.memory_space<vmem>>
    %dma_wait3A_879 = arith.constant 0 : i32
    %dma_wait3A_880 = tpu.memref_slice %arg18[%dma_wait3A_875, %dma_wait3A_879] : memref<16x128xi32, #tpu.memory_space<vmem>> -> memref<1x128xi32, #tpu.memory_space<vmem>>
    %dma_wait3A_881 = tpu.memref_squeeze %dma_wait3A_880 : memref<1x128xi32, #tpu.memory_space<vmem>> -> memref<128xi32, #tpu.memory_space<vmem>>
    %dma_wait3A_882 = arith.constant 0 : i32
    %dma_wait3A_883 = tpu.memref_slice %arg21[%dma_wait3A_882] : memref<32768xf32, #tpu.memory_space<vmem_shared>> -> memref<32768xf32, #tpu.memory_space<vmem_shared>>
    tpu.wait_indirect_dma semaphore(%arg25 : memref<!tpu.dma_semaphore, #tpu.memory_space<semaphore_mem>>) src(%dma_wait3A_878 : memref<128xf32, #tpu.memory_space<vmem>>) dst(%dma_wait3A_883 : memref<32768xf32, #tpu.memory_space<vmem_shared>>)
    %dma_wait3A_884 = arith.constant 5 : i32
    %dma_wait3A_885 = arith.constant 5 : i32
    %dma_wait3A_886 = arith.constant 0 : i32
    %dma_wait3A_887 = tpu.memref_slice %arg20[%dma_wait3A_884, %dma_wait3A_886] : memref<16x128xi32, #tpu.memory_space<vmem>> -> memref<1x128xi32, #tpu.memory_space<vmem>>
    %dma_wait3A_888 = tpu.memref_squeeze %dma_wait3A_887 : memref<1x128xi32, #tpu.memory_space<vmem>> -> memref<128xi32, #tpu.memory_space<vmem>>
    %dma_wait3A_889 = arith.constant 0 : i32
    %dma_wait3A_890 = tpu.memref_slice %arg18[%dma_wait3A_885, %dma_wait3A_889] : memref<16x128xi32, #tpu.memory_space<vmem>> -> memref<1x128xi32, #tpu.memory_space<vmem>>
    %dma_wait3A_891 = tpu.memref_squeeze %dma_wait3A_890 : memref<1x128xi32, #tpu.memory_space<vmem>> -> memref<128xi32, #tpu.memory_space<vmem>>
    %dma_wait3A_892 = arith.constant 0 : i32
    %dma_wait3A_893 = tpu.memref_slice %arg22[%dma_wait3A_892] : memref<32768xi32, #tpu.memory_space<vmem_shared>> -> memref<32768xi32, #tpu.memory_space<vmem_shared>>
    tpu.wait_indirect_dma semaphore(%arg25 : memref<!tpu.dma_semaphore, #tpu.memory_space<semaphore_mem>>) src(%dma_wait3A_888 : memref<128xi32, #tpu.memory_space<vmem>>) dst(%dma_wait3A_893 : memref<32768xi32, #tpu.memory_space<vmem_shared>>)
    %dma_wait3A_894 = arith.constant 6 : i32
    %dma_wait3A_895 = arith.constant 6 : i32
    %dma_wait3A_896 = arith.constant 0 : i32
    %dma_wait3A_897 = tpu.memref_slice %arg19[%dma_wait3A_894, %dma_wait3A_896] : memref<16x128xf32, #tpu.memory_space<vmem>> -> memref<1x128xf32, #tpu.memory_space<vmem>>
    %dma_wait3A_898 = tpu.memref_squeeze %dma_wait3A_897 : memref<1x128xf32, #tpu.memory_space<vmem>> -> memref<128xf32, #tpu.memory_space<vmem>>
    %dma_wait3A_899 = arith.constant 0 : i32
    %dma_wait3A_900 = tpu.memref_slice %arg18[%dma_wait3A_895, %dma_wait3A_899] : memref<16x128xi32, #tpu.memory_space<vmem>> -> memref<1x128xi32, #tpu.memory_space<vmem>>
    %dma_wait3A_901 = tpu.memref_squeeze %dma_wait3A_900 : memref<1x128xi32, #tpu.memory_space<vmem>> -> memref<128xi32, #tpu.memory_space<vmem>>
    %dma_wait3A_902 = arith.constant 0 : i32
    %dma_wait3A_903 = tpu.memref_slice %arg21[%dma_wait3A_902] : memref<32768xf32, #tpu.memory_space<vmem_shared>> -> memref<32768xf32, #tpu.memory_space<vmem_shared>>
    tpu.wait_indirect_dma semaphore(%arg25 : memref<!tpu.dma_semaphore, #tpu.memory_space<semaphore_mem>>) src(%dma_wait3A_898 : memref<128xf32, #tpu.memory_space<vmem>>) dst(%dma_wait3A_903 : memref<32768xf32, #tpu.memory_space<vmem_shared>>)
    %dma_wait3A_904 = arith.constant 6 : i32
    %dma_wait3A_905 = arith.constant 6 : i32
    %dma_wait3A_906 = arith.constant 0 : i32
    %dma_wait3A_907 = tpu.memref_slice %arg20[%dma_wait3A_904, %dma_wait3A_906] : memref<16x128xi32, #tpu.memory_space<vmem>> -> memref<1x128xi32, #tpu.memory_space<vmem>>
    %dma_wait3A_908 = tpu.memref_squeeze %dma_wait3A_907 : memref<1x128xi32, #tpu.memory_space<vmem>> -> memref<128xi32, #tpu.memory_space<vmem>>
    %dma_wait3A_909 = arith.constant 0 : i32
    %dma_wait3A_910 = tpu.memref_slice %arg18[%dma_wait3A_905, %dma_wait3A_909] : memref<16x128xi32, #tpu.memory_space<vmem>> -> memref<1x128xi32, #tpu.memory_space<vmem>>
    %dma_wait3A_911 = tpu.memref_squeeze %dma_wait3A_910 : memref<1x128xi32, #tpu.memory_space<vmem>> -> memref<128xi32, #tpu.memory_space<vmem>>
    %dma_wait3A_912 = arith.constant 0 : i32
    %dma_wait3A_913 = tpu.memref_slice %arg22[%dma_wait3A_912] : memref<32768xi32, #tpu.memory_space<vmem_shared>> -> memref<32768xi32, #tpu.memory_space<vmem_shared>>
    tpu.wait_indirect_dma semaphore(%arg25 : memref<!tpu.dma_semaphore, #tpu.memory_space<semaphore_mem>>) src(%dma_wait3A_908 : memref<128xi32, #tpu.memory_space<vmem>>) dst(%dma_wait3A_913 : memref<32768xi32, #tpu.memory_space<vmem_shared>>)
    %dma_wait3A_914 = arith.constant 7 : i32
    %dma_wait3A_915 = arith.constant 7 : i32
    %dma_wait3A_916 = arith.constant 0 : i32
    %dma_wait3A_917 = tpu.memref_slice %arg19[%dma_wait3A_914, %dma_wait3A_916] : memref<16x128xf32, #tpu.memory_space<vmem>> -> memref<1x128xf32, #tpu.memory_space<vmem>>
    %dma_wait3A_918 = tpu.memref_squeeze %dma_wait3A_917 : memref<1x128xf32, #tpu.memory_space<vmem>> -> memref<128xf32, #tpu.memory_space<vmem>>
    %dma_wait3A_919 = arith.constant 0 : i32
    %dma_wait3A_920 = tpu.memref_slice %arg18[%dma_wait3A_915, %dma_wait3A_919] : memref<16x128xi32, #tpu.memory_space<vmem>> -> memref<1x128xi32, #tpu.memory_space<vmem>>
    %dma_wait3A_921 = tpu.memref_squeeze %dma_wait3A_920 : memref<1x128xi32, #tpu.memory_space<vmem>> -> memref<128xi32, #tpu.memory_space<vmem>>
    %dma_wait3A_922 = arith.constant 0 : i32
    %dma_wait3A_923 = tpu.memref_slice %arg21[%dma_wait3A_922] : memref<32768xf32, #tpu.memory_space<vmem_shared>> -> memref<32768xf32, #tpu.memory_space<vmem_shared>>
    tpu.wait_indirect_dma semaphore(%arg25 : memref<!tpu.dma_semaphore, #tpu.memory_space<semaphore_mem>>) src(%dma_wait3A_918 : memref<128xf32, #tpu.memory_space<vmem>>) dst(%dma_wait3A_923 : memref<32768xf32, #tpu.memory_space<vmem_shared>>)
    %dma_wait3A_924 = arith.constant 7 : i32
    %dma_wait3A_925 = arith.constant 7 : i32
    %dma_wait3A_926 = arith.constant 0 : i32
    %dma_wait3A_927 = tpu.memref_slice %arg20[%dma_wait3A_924, %dma_wait3A_926] : memref<16x128xi32, #tpu.memory_space<vmem>> -> memref<1x128xi32, #tpu.memory_space<vmem>>
    %dma_wait3A_928 = tpu.memref_squeeze %dma_wait3A_927 : memref<1x128xi32, #tpu.memory_space<vmem>> -> memref<128xi32, #tpu.memory_space<vmem>>
    %dma_wait3A_929 = arith.constant 0 : i32
    %dma_wait3A_930 = tpu.memref_slice %arg18[%dma_wait3A_925, %dma_wait3A_929] : memref<16x128xi32, #tpu.memory_space<vmem>> -> memref<1x128xi32, #tpu.memory_space<vmem>>
    %dma_wait3A_931 = tpu.memref_squeeze %dma_wait3A_930 : memref<1x128xi32, #tpu.memory_space<vmem>> -> memref<128xi32, #tpu.memory_space<vmem>>
    %dma_wait3A_932 = arith.constant 0 : i32
    %dma_wait3A_933 = tpu.memref_slice %arg22[%dma_wait3A_932] : memref<32768xi32, #tpu.memory_space<vmem_shared>> -> memref<32768xi32, #tpu.memory_space<vmem_shared>>
    tpu.wait_indirect_dma semaphore(%arg25 : memref<!tpu.dma_semaphore, #tpu.memory_space<semaphore_mem>>) src(%dma_wait3A_928 : memref<128xi32, #tpu.memory_space<vmem>>) dst(%dma_wait3A_933 : memref<32768xi32, #tpu.memory_space<vmem_shared>>)
    %dma_wait3A_934 = arith.constant 8 : i32
    %dma_wait3A_935 = arith.constant 8 : i32
    %dma_wait3A_936 = arith.constant 0 : i32
    %dma_wait3A_937 = tpu.memref_slice %arg19[%dma_wait3A_934, %dma_wait3A_936] : memref<16x128xf32, #tpu.memory_space<vmem>> -> memref<1x128xf32, #tpu.memory_space<vmem>>
    %dma_wait3A_938 = tpu.memref_squeeze %dma_wait3A_937 : memref<1x128xf32, #tpu.memory_space<vmem>> -> memref<128xf32, #tpu.memory_space<vmem>>
    %dma_wait3A_939 = arith.constant 0 : i32
    %dma_wait3A_940 = tpu.memref_slice %arg18[%dma_wait3A_935, %dma_wait3A_939] : memref<16x128xi32, #tpu.memory_space<vmem>> -> memref<1x128xi32, #tpu.memory_space<vmem>>
    %dma_wait3A_941 = tpu.memref_squeeze %dma_wait3A_940 : memref<1x128xi32, #tpu.memory_space<vmem>> -> memref<128xi32, #tpu.memory_space<vmem>>
    %dma_wait3A_942 = arith.constant 0 : i32
    %dma_wait3A_943 = tpu.memref_slice %arg21[%dma_wait3A_942] : memref<32768xf32, #tpu.memory_space<vmem_shared>> -> memref<32768xf32, #tpu.memory_space<vmem_shared>>
    tpu.wait_indirect_dma semaphore(%arg25 : memref<!tpu.dma_semaphore, #tpu.memory_space<semaphore_mem>>) src(%dma_wait3A_938 : memref<128xf32, #tpu.memory_space<vmem>>) dst(%dma_wait3A_943 : memref<32768xf32, #tpu.memory_space<vmem_shared>>)
    %dma_wait3A_944 = arith.constant 8 : i32
    %dma_wait3A_945 = arith.constant 8 : i32
    %dma_wait3A_946 = arith.constant 0 : i32
    %dma_wait3A_947 = tpu.memref_slice %arg20[%dma_wait3A_944, %dma_wait3A_946] : memref<16x128xi32, #tpu.memory_space<vmem>> -> memref<1x128xi32, #tpu.memory_space<vmem>>
    %dma_wait3A_948 = tpu.memref_squeeze %dma_wait3A_947 : memref<1x128xi32, #tpu.memory_space<vmem>> -> memref<128xi32, #tpu.memory_space<vmem>>
    %dma_wait3A_949 = arith.constant 0 : i32
    %dma_wait3A_950 = tpu.memref_slice %arg18[%dma_wait3A_945, %dma_wait3A_949] : memref<16x128xi32, #tpu.memory_space<vmem>> -> memref<1x128xi32, #tpu.memory_space<vmem>>
    %dma_wait3A_951 = tpu.memref_squeeze %dma_wait3A_950 : memref<1x128xi32, #tpu.memory_space<vmem>> -> memref<128xi32, #tpu.memory_space<vmem>>
    %dma_wait3A_952 = arith.constant 0 : i32
    %dma_wait3A_953 = tpu.memref_slice %arg22[%dma_wait3A_952] : memref<32768xi32, #tpu.memory_space<vmem_shared>> -> memref<32768xi32, #tpu.memory_space<vmem_shared>>
    tpu.wait_indirect_dma semaphore(%arg25 : memref<!tpu.dma_semaphore, #tpu.memory_space<semaphore_mem>>) src(%dma_wait3A_948 : memref<128xi32, #tpu.memory_space<vmem>>) dst(%dma_wait3A_953 : memref<32768xi32, #tpu.memory_space<vmem_shared>>)
    %dma_wait3A_954 = arith.constant 9 : i32
    %dma_wait3A_955 = arith.constant 9 : i32
    %dma_wait3A_956 = arith.constant 0 : i32
    %dma_wait3A_957 = tpu.memref_slice %arg19[%dma_wait3A_954, %dma_wait3A_956] : memref<16x128xf32, #tpu.memory_space<vmem>> -> memref<1x128xf32, #tpu.memory_space<vmem>>
    %dma_wait3A_958 = tpu.memref_squeeze %dma_wait3A_957 : memref<1x128xf32, #tpu.memory_space<vmem>> -> memref<128xf32, #tpu.memory_space<vmem>>
    %dma_wait3A_959 = arith.constant 0 : i32
    %dma_wait3A_960 = tpu.memref_slice %arg18[%dma_wait3A_955, %dma_wait3A_959] : memref<16x128xi32, #tpu.memory_space<vmem>> -> memref<1x128xi32, #tpu.memory_space<vmem>>
    %dma_wait3A_961 = tpu.memref_squeeze %dma_wait3A_960 : memref<1x128xi32, #tpu.memory_space<vmem>> -> memref<128xi32, #tpu.memory_space<vmem>>
    %dma_wait3A_962 = arith.constant 0 : i32
    %dma_wait3A_963 = tpu.memref_slice %arg21[%dma_wait3A_962] : memref<32768xf32, #tpu.memory_space<vmem_shared>> -> memref<32768xf32, #tpu.memory_space<vmem_shared>>
    tpu.wait_indirect_dma semaphore(%arg25 : memref<!tpu.dma_semaphore, #tpu.memory_space<semaphore_mem>>) src(%dma_wait3A_958 : memref<128xf32, #tpu.memory_space<vmem>>) dst(%dma_wait3A_963 : memref<32768xf32, #tpu.memory_space<vmem_shared>>)
    %dma_wait3A_964 = arith.constant 9 : i32
    %dma_wait3A_965 = arith.constant 9 : i32
    %dma_wait3A_966 = arith.constant 0 : i32
    %dma_wait3A_967 = tpu.memref_slice %arg20[%dma_wait3A_964, %dma_wait3A_966] : memref<16x128xi32, #tpu.memory_space<vmem>> -> memref<1x128xi32, #tpu.memory_space<vmem>>
    %dma_wait3A_968 = tpu.memref_squeeze %dma_wait3A_967 : memref<1x128xi32, #tpu.memory_space<vmem>> -> memref<128xi32, #tpu.memory_space<vmem>>
    %dma_wait3A_969 = arith.constant 0 : i32
    %dma_wait3A_970 = tpu.memref_slice %arg18[%dma_wait3A_965, %dma_wait3A_969] : memref<16x128xi32, #tpu.memory_space<vmem>> -> memref<1x128xi32, #tpu.memory_space<vmem>>
    %dma_wait3A_971 = tpu.memref_squeeze %dma_wait3A_970 : memref<1x128xi32, #tpu.memory_space<vmem>> -> memref<128xi32, #tpu.memory_space<vmem>>
    %dma_wait3A_972 = arith.constant 0 : i32
    %dma_wait3A_973 = tpu.memref_slice %arg22[%dma_wait3A_972] : memref<32768xi32, #tpu.memory_space<vmem_shared>> -> memref<32768xi32, #tpu.memory_space<vmem_shared>>
    tpu.wait_indirect_dma semaphore(%arg25 : memref<!tpu.dma_semaphore, #tpu.memory_space<semaphore_mem>>) src(%dma_wait3A_968 : memref<128xi32, #tpu.memory_space<vmem>>) dst(%dma_wait3A_973 : memref<32768xi32, #tpu.memory_space<vmem_shared>>)
    %dma_wait3A_974 = arith.constant 10 : i32
    %dma_wait3A_975 = arith.constant 10 : i32
    %dma_wait3A_976 = arith.constant 0 : i32
    %dma_wait3A_977 = tpu.memref_slice %arg19[%dma_wait3A_974, %dma_wait3A_976] : memref<16x128xf32, #tpu.memory_space<vmem>> -> memref<1x128xf32, #tpu.memory_space<vmem>>
    %dma_wait3A_978 = tpu.memref_squeeze %dma_wait3A_977 : memref<1x128xf32, #tpu.memory_space<vmem>> -> memref<128xf32, #tpu.memory_space<vmem>>
    %dma_wait3A_979 = arith.constant 0 : i32
    %dma_wait3A_980 = tpu.memref_slice %arg18[%dma_wait3A_975, %dma_wait3A_979] : memref<16x128xi32, #tpu.memory_space<vmem>> -> memref<1x128xi32, #tpu.memory_space<vmem>>
    %dma_wait3A_981 = tpu.memref_squeeze %dma_wait3A_980 : memref<1x128xi32, #tpu.memory_space<vmem>> -> memref<128xi32, #tpu.memory_space<vmem>>
    %dma_wait3A_982 = arith.constant 0 : i32
    %dma_wait3A_983 = tpu.memref_slice %arg21[%dma_wait3A_982] : memref<32768xf32, #tpu.memory_space<vmem_shared>> -> memref<32768xf32, #tpu.memory_space<vmem_shared>>
    tpu.wait_indirect_dma semaphore(%arg25 : memref<!tpu.dma_semaphore, #tpu.memory_space<semaphore_mem>>) src(%dma_wait3A_978 : memref<128xf32, #tpu.memory_space<vmem>>) dst(%dma_wait3A_983 : memref<32768xf32, #tpu.memory_space<vmem_shared>>)
    %dma_wait3A_984 = arith.constant 10 : i32
    %dma_wait3A_985 = arith.constant 10 : i32
    %dma_wait3A_986 = arith.constant 0 : i32
    %dma_wait3A_987 = tpu.memref_slice %arg20[%dma_wait3A_984, %dma_wait3A_986] : memref<16x128xi32, #tpu.memory_space<vmem>> -> memref<1x128xi32, #tpu.memory_space<vmem>>
    %dma_wait3A_988 = tpu.memref_squeeze %dma_wait3A_987 : memref<1x128xi32, #tpu.memory_space<vmem>> -> memref<128xi32, #tpu.memory_space<vmem>>
    %dma_wait3A_989 = arith.constant 0 : i32
    %dma_wait3A_990 = tpu.memref_slice %arg18[%dma_wait3A_985, %dma_wait3A_989] : memref<16x128xi32, #tpu.memory_space<vmem>> -> memref<1x128xi32, #tpu.memory_space<vmem>>
    %dma_wait3A_991 = tpu.memref_squeeze %dma_wait3A_990 : memref<1x128xi32, #tpu.memory_space<vmem>> -> memref<128xi32, #tpu.memory_space<vmem>>
    %dma_wait3A_992 = arith.constant 0 : i32
    %dma_wait3A_993 = tpu.memref_slice %arg22[%dma_wait3A_992] : memref<32768xi32, #tpu.memory_space<vmem_shared>> -> memref<32768xi32, #tpu.memory_space<vmem_shared>>
    tpu.wait_indirect_dma semaphore(%arg25 : memref<!tpu.dma_semaphore, #tpu.memory_space<semaphore_mem>>) src(%dma_wait3A_988 : memref<128xi32, #tpu.memory_space<vmem>>) dst(%dma_wait3A_993 : memref<32768xi32, #tpu.memory_space<vmem_shared>>)
    %dma_wait3A_994 = arith.constant 11 : i32
    %dma_wait3A_995 = arith.constant 11 : i32
    %dma_wait3A_996 = arith.constant 0 : i32
    %dma_wait3A_997 = tpu.memref_slice %arg19[%dma_wait3A_994, %dma_wait3A_996] : memref<16x128xf32, #tpu.memory_space<vmem>> -> memref<1x128xf32, #tpu.memory_space<vmem>>
    %dma_wait3A_998 = tpu.memref_squeeze %dma_wait3A_997 : memref<1x128xf32, #tpu.memory_space<vmem>> -> memref<128xf32, #tpu.memory_space<vmem>>
    %dma_wait3A_999 = arith.constant 0 : i32
    %dma_wait3A_1000 = tpu.memref_slice %arg18[%dma_wait3A_995, %dma_wait3A_999] : memref<16x128xi32, #tpu.memory_space<vmem>> -> memref<1x128xi32, #tpu.memory_space<vmem>>
    %dma_wait3A_1001 = tpu.memref_squeeze %dma_wait3A_1000 : memref<1x128xi32, #tpu.memory_space<vmem>> -> memref<128xi32, #tpu.memory_space<vmem>>
    %dma_wait3A_1002 = arith.constant 0 : i32
    %dma_wait3A_1003 = tpu.memref_slice %arg21[%dma_wait3A_1002] : memref<32768xf32, #tpu.memory_space<vmem_shared>> -> memref<32768xf32, #tpu.memory_space<vmem_shared>>
    tpu.wait_indirect_dma semaphore(%arg25 : memref<!tpu.dma_semaphore, #tpu.memory_space<semaphore_mem>>) src(%dma_wait3A_998 : memref<128xf32, #tpu.memory_space<vmem>>) dst(%dma_wait3A_1003 : memref<32768xf32, #tpu.memory_space<vmem_shared>>)
    %dma_wait3A_1004 = arith.constant 11 : i32
    %dma_wait3A_1005 = arith.constant 11 : i32
    %dma_wait3A_1006 = arith.constant 0 : i32
    %dma_wait3A_1007 = tpu.memref_slice %arg20[%dma_wait3A_1004, %dma_wait3A_1006] : memref<16x128xi32, #tpu.memory_space<vmem>> -> memref<1x128xi32, #tpu.memory_space<vmem>>
    %dma_wait3A_1008 = tpu.memref_squeeze %dma_wait3A_1007 : memref<1x128xi32, #tpu.memory_space<vmem>> -> memref<128xi32, #tpu.memory_space<vmem>>
    %dma_wait3A_1009 = arith.constant 0 : i32
    %dma_wait3A_1010 = tpu.memref_slice %arg18[%dma_wait3A_1005, %dma_wait3A_1009] : memref<16x128xi32, #tpu.memory_space<vmem>> -> memref<1x128xi32, #tpu.memory_space<vmem>>
    %dma_wait3A_1011 = tpu.memref_squeeze %dma_wait3A_1010 : memref<1x128xi32, #tpu.memory_space<vmem>> -> memref<128xi32, #tpu.memory_space<vmem>>
    %dma_wait3A_1012 = arith.constant 0 : i32
    %dma_wait3A_1013 = tpu.memref_slice %arg22[%dma_wait3A_1012] : memref<32768xi32, #tpu.memory_space<vmem_shared>> -> memref<32768xi32, #tpu.memory_space<vmem_shared>>
    tpu.wait_indirect_dma semaphore(%arg25 : memref<!tpu.dma_semaphore, #tpu.memory_space<semaphore_mem>>) src(%dma_wait3A_1008 : memref<128xi32, #tpu.memory_space<vmem>>) dst(%dma_wait3A_1013 : memref<32768xi32, #tpu.memory_space<vmem_shared>>)
    %dma_wait3A_1014 = arith.constant 12 : i32
    %dma_wait3A_1015 = arith.constant 12 : i32
    %dma_wait3A_1016 = arith.constant 0 : i32
    %dma_wait3A_1017 = tpu.memref_slice %arg19[%dma_wait3A_1014, %dma_wait3A_1016] : memref<16x128xf32, #tpu.memory_space<vmem>> -> memref<1x128xf32, #tpu.memory_space<vmem>>
    %dma_wait3A_1018 = tpu.memref_squeeze %dma_wait3A_1017 : memref<1x128xf32, #tpu.memory_space<vmem>> -> memref<128xf32, #tpu.memory_space<vmem>>
    %dma_wait3A_1019 = arith.constant 0 : i32
    %dma_wait3A_1020 = tpu.memref_slice %arg18[%dma_wait3A_1015, %dma_wait3A_1019] : memref<16x128xi32, #tpu.memory_space<vmem>> -> memref<1x128xi32, #tpu.memory_space<vmem>>
    %dma_wait3A_1021 = tpu.memref_squeeze %dma_wait3A_1020 : memref<1x128xi32, #tpu.memory_space<vmem>> -> memref<128xi32, #tpu.memory_space<vmem>>
    %dma_wait3A_1022 = arith.constant 0 : i32
    %dma_wait3A_1023 = tpu.memref_slice %arg21[%dma_wait3A_1022] : memref<32768xf32, #tpu.memory_space<vmem_shared>> -> memref<32768xf32, #tpu.memory_space<vmem_shared>>
    tpu.wait_indirect_dma semaphore(%arg25 : memref<!tpu.dma_semaphore, #tpu.memory_space<semaphore_mem>>) src(%dma_wait3A_1018 : memref<128xf32, #tpu.memory_space<vmem>>) dst(%dma_wait3A_1023 : memref<32768xf32, #tpu.memory_space<vmem_shared>>)
    %dma_wait3A_1024 = arith.constant 12 : i32
    %dma_wait3A_1025 = arith.constant 12 : i32
    %dma_wait3A_1026 = arith.constant 0 : i32
    %dma_wait3A_1027 = tpu.memref_slice %arg20[%dma_wait3A_1024, %dma_wait3A_1026] : memref<16x128xi32, #tpu.memory_space<vmem>> -> memref<1x128xi32, #tpu.memory_space<vmem>>
    %dma_wait3A_1028 = tpu.memref_squeeze %dma_wait3A_1027 : memref<1x128xi32, #tpu.memory_space<vmem>> -> memref<128xi32, #tpu.memory_space<vmem>>
    %dma_wait3A_1029 = arith.constant 0 : i32
    %dma_wait3A_1030 = tpu.memref_slice %arg18[%dma_wait3A_1025, %dma_wait3A_1029] : memref<16x128xi32, #tpu.memory_space<vmem>> -> memref<1x128xi32, #tpu.memory_space<vmem>>
    %dma_wait3A_1031 = tpu.memref_squeeze %dma_wait3A_1030 : memref<1x128xi32, #tpu.memory_space<vmem>> -> memref<128xi32, #tpu.memory_space<vmem>>
    %dma_wait3A_1032 = arith.constant 0 : i32
    %dma_wait3A_1033 = tpu.memref_slice %arg22[%dma_wait3A_1032] : memref<32768xi32, #tpu.memory_space<vmem_shared>> -> memref<32768xi32, #tpu.memory_space<vmem_shared>>
    tpu.wait_indirect_dma semaphore(%arg25 : memref<!tpu.dma_semaphore, #tpu.memory_space<semaphore_mem>>) src(%dma_wait3A_1028 : memref<128xi32, #tpu.memory_space<vmem>>) dst(%dma_wait3A_1033 : memref<32768xi32, #tpu.memory_space<vmem_shared>>)
    %dma_wait3A_1034 = arith.constant 13 : i32
    %dma_wait3A_1035 = arith.constant 13 : i32
    %dma_wait3A_1036 = arith.constant 0 : i32
    %dma_wait3A_1037 = tpu.memref_slice %arg19[%dma_wait3A_1034, %dma_wait3A_1036] : memref<16x128xf32, #tpu.memory_space<vmem>> -> memref<1x128xf32, #tpu.memory_space<vmem>>
    %dma_wait3A_1038 = tpu.memref_squeeze %dma_wait3A_1037 : memref<1x128xf32, #tpu.memory_space<vmem>> -> memref<128xf32, #tpu.memory_space<vmem>>
    %dma_wait3A_1039 = arith.constant 0 : i32
    %dma_wait3A_1040 = tpu.memref_slice %arg18[%dma_wait3A_1035, %dma_wait3A_1039] : memref<16x128xi32, #tpu.memory_space<vmem>> -> memref<1x128xi32, #tpu.memory_space<vmem>>
    %dma_wait3A_1041 = tpu.memref_squeeze %dma_wait3A_1040 : memref<1x128xi32, #tpu.memory_space<vmem>> -> memref<128xi32, #tpu.memory_space<vmem>>
    %dma_wait3A_1042 = arith.constant 0 : i32
    %dma_wait3A_1043 = tpu.memref_slice %arg21[%dma_wait3A_1042] : memref<32768xf32, #tpu.memory_space<vmem_shared>> -> memref<32768xf32, #tpu.memory_space<vmem_shared>>
    tpu.wait_indirect_dma semaphore(%arg25 : memref<!tpu.dma_semaphore, #tpu.memory_space<semaphore_mem>>) src(%dma_wait3A_1038 : memref<128xf32, #tpu.memory_space<vmem>>) dst(%dma_wait3A_1043 : memref<32768xf32, #tpu.memory_space<vmem_shared>>)
    %dma_wait3A_1044 = arith.constant 13 : i32
    %dma_wait3A_1045 = arith.constant 13 : i32
    %dma_wait3A_1046 = arith.constant 0 : i32
    %dma_wait3A_1047 = tpu.memref_slice %arg20[%dma_wait3A_1044, %dma_wait3A_1046] : memref<16x128xi32, #tpu.memory_space<vmem>> -> memref<1x128xi32, #tpu.memory_space<vmem>>
    %dma_wait3A_1048 = tpu.memref_squeeze %dma_wait3A_1047 : memref<1x128xi32, #tpu.memory_space<vmem>> -> memref<128xi32, #tpu.memory_space<vmem>>
    %dma_wait3A_1049 = arith.constant 0 : i32
    %dma_wait3A_1050 = tpu.memref_slice %arg18[%dma_wait3A_1045, %dma_wait3A_1049] : memref<16x128xi32, #tpu.memory_space<vmem>> -> memref<1x128xi32, #tpu.memory_space<vmem>>
    %dma_wait3A_1051 = tpu.memref_squeeze %dma_wait3A_1050 : memref<1x128xi32, #tpu.memory_space<vmem>> -> memref<128xi32, #tpu.memory_space<vmem>>
    %dma_wait3A_1052 = arith.constant 0 : i32
    %dma_wait3A_1053 = tpu.memref_slice %arg22[%dma_wait3A_1052] : memref<32768xi32, #tpu.memory_space<vmem_shared>> -> memref<32768xi32, #tpu.memory_space<vmem_shared>>
    tpu.wait_indirect_dma semaphore(%arg25 : memref<!tpu.dma_semaphore, #tpu.memory_space<semaphore_mem>>) src(%dma_wait3A_1048 : memref<128xi32, #tpu.memory_space<vmem>>) dst(%dma_wait3A_1053 : memref<32768xi32, #tpu.memory_space<vmem_shared>>)
    %dma_wait3A_1054 = arith.constant 14 : i32
    %dma_wait3A_1055 = arith.constant 14 : i32
    %dma_wait3A_1056 = arith.constant 0 : i32
    %dma_wait3A_1057 = tpu.memref_slice %arg19[%dma_wait3A_1054, %dma_wait3A_1056] : memref<16x128xf32, #tpu.memory_space<vmem>> -> memref<1x128xf32, #tpu.memory_space<vmem>>
    %dma_wait3A_1058 = tpu.memref_squeeze %dma_wait3A_1057 : memref<1x128xf32, #tpu.memory_space<vmem>> -> memref<128xf32, #tpu.memory_space<vmem>>
    %dma_wait3A_1059 = arith.constant 0 : i32
    %dma_wait3A_1060 = tpu.memref_slice %arg18[%dma_wait3A_1055, %dma_wait3A_1059] : memref<16x128xi32, #tpu.memory_space<vmem>> -> memref<1x128xi32, #tpu.memory_space<vmem>>
    %dma_wait3A_1061 = tpu.memref_squeeze %dma_wait3A_1060 : memref<1x128xi32, #tpu.memory_space<vmem>> -> memref<128xi32, #tpu.memory_space<vmem>>
    %dma_wait3A_1062 = arith.constant 0 : i32
    %dma_wait3A_1063 = tpu.memref_slice %arg21[%dma_wait3A_1062] : memref<32768xf32, #tpu.memory_space<vmem_shared>> -> memref<32768xf32, #tpu.memory_space<vmem_shared>>
    tpu.wait_indirect_dma semaphore(%arg25 : memref<!tpu.dma_semaphore, #tpu.memory_space<semaphore_mem>>) src(%dma_wait3A_1058 : memref<128xf32, #tpu.memory_space<vmem>>) dst(%dma_wait3A_1063 : memref<32768xf32, #tpu.memory_space<vmem_shared>>)
    %dma_wait3A_1064 = arith.constant 14 : i32
    %dma_wait3A_1065 = arith.constant 14 : i32
    %dma_wait3A_1066 = arith.constant 0 : i32
    %dma_wait3A_1067 = tpu.memref_slice %arg20[%dma_wait3A_1064, %dma_wait3A_1066] : memref<16x128xi32, #tpu.memory_space<vmem>> -> memref<1x128xi32, #tpu.memory_space<vmem>>
    %dma_wait3A_1068 = tpu.memref_squeeze %dma_wait3A_1067 : memref<1x128xi32, #tpu.memory_space<vmem>> -> memref<128xi32, #tpu.memory_space<vmem>>
    %dma_wait3A_1069 = arith.constant 0 : i32
    %dma_wait3A_1070 = tpu.memref_slice %arg18[%dma_wait3A_1065, %dma_wait3A_1069] : memref<16x128xi32, #tpu.memory_space<vmem>> -> memref<1x128xi32, #tpu.memory_space<vmem>>
    %dma_wait3A_1071 = tpu.memref_squeeze %dma_wait3A_1070 : memref<1x128xi32, #tpu.memory_space<vmem>> -> memref<128xi32, #tpu.memory_space<vmem>>
    %dma_wait3A_1072 = arith.constant 0 : i32
    %dma_wait3A_1073 = tpu.memref_slice %arg22[%dma_wait3A_1072] : memref<32768xi32, #tpu.memory_space<vmem_shared>> -> memref<32768xi32, #tpu.memory_space<vmem_shared>>
    tpu.wait_indirect_dma semaphore(%arg25 : memref<!tpu.dma_semaphore, #tpu.memory_space<semaphore_mem>>) src(%dma_wait3A_1068 : memref<128xi32, #tpu.memory_space<vmem>>) dst(%dma_wait3A_1073 : memref<32768xi32, #tpu.memory_space<vmem_shared>>)
    %dma_wait3A_1074 = arith.constant 15 : i32
    %dma_wait3A_1075 = arith.constant 15 : i32
    %dma_wait3A_1076 = arith.constant 0 : i32
    %dma_wait3A_1077 = tpu.memref_slice %arg19[%dma_wait3A_1074, %dma_wait3A_1076] : memref<16x128xf32, #tpu.memory_space<vmem>> -> memref<1x128xf32, #tpu.memory_space<vmem>>
    %dma_wait3A_1078 = tpu.memref_squeeze %dma_wait3A_1077 : memref<1x128xf32, #tpu.memory_space<vmem>> -> memref<128xf32, #tpu.memory_space<vmem>>
    %dma_wait3A_1079 = arith.constant 0 : i32
    %dma_wait3A_1080 = tpu.memref_slice %arg18[%dma_wait3A_1075, %dma_wait3A_1079] : memref<16x128xi32, #tpu.memory_space<vmem>> -> memref<1x128xi32, #tpu.memory_space<vmem>>
    %dma_wait3A_1081 = tpu.memref_squeeze %dma_wait3A_1080 : memref<1x128xi32, #tpu.memory_space<vmem>> -> memref<128xi32, #tpu.memory_space<vmem>>
    %dma_wait3A_1082 = arith.constant 0 : i32
    %dma_wait3A_1083 = tpu.memref_slice %arg21[%dma_wait3A_1082] : memref<32768xf32, #tpu.memory_space<vmem_shared>> -> memref<32768xf32, #tpu.memory_space<vmem_shared>>
    tpu.wait_indirect_dma semaphore(%arg25 : memref<!tpu.dma_semaphore, #tpu.memory_space<semaphore_mem>>) src(%dma_wait3A_1078 : memref<128xf32, #tpu.memory_space<vmem>>) dst(%dma_wait3A_1083 : memref<32768xf32, #tpu.memory_space<vmem_shared>>)
    %dma_wait3A_1084 = arith.constant 15 : i32
    %dma_wait3A_1085 = arith.constant 15 : i32
    %dma_wait3A_1086 = arith.constant 0 : i32
    %dma_wait3A_1087 = tpu.memref_slice %arg20[%dma_wait3A_1084, %dma_wait3A_1086] : memref<16x128xi32, #tpu.memory_space<vmem>> -> memref<1x128xi32, #tpu.memory_space<vmem>>
    %dma_wait3A_1088 = tpu.memref_squeeze %dma_wait3A_1087 : memref<1x128xi32, #tpu.memory_space<vmem>> -> memref<128xi32, #tpu.memory_space<vmem>>
    %dma_wait3A_1089 = arith.constant 0 : i32
    %dma_wait3A_1090 = tpu.memref_slice %arg18[%dma_wait3A_1085, %dma_wait3A_1089] : memref<16x128xi32, #tpu.memory_space<vmem>> -> memref<1x128xi32, #tpu.memory_space<vmem>>
    %dma_wait3A_1091 = tpu.memref_squeeze %dma_wait3A_1090 : memref<1x128xi32, #tpu.memory_space<vmem>> -> memref<128xi32, #tpu.memory_space<vmem>>
    %dma_wait3A_1092 = arith.constant 0 : i32
    %dma_wait3A_1093 = tpu.memref_slice %arg22[%dma_wait3A_1092] : memref<32768xi32, #tpu.memory_space<vmem_shared>> -> memref<32768xi32, #tpu.memory_space<vmem_shared>>
    tpu.wait_indirect_dma semaphore(%arg25 : memref<!tpu.dma_semaphore, #tpu.memory_space<semaphore_mem>>) src(%dma_wait3A_1088 : memref<128xi32, #tpu.memory_space<vmem>>) dst(%dma_wait3A_1093 : memref<32768xi32, #tpu.memory_space<vmem_shared>>)
    %barrier3A = arith.constant 0 : index
    tpu.barrier barrier_id(%barrier3A)
    %mul3A_1094 = arith.constant 2048 : i32
    %mul3A_1095 = arith.muli %arg1, %mul3A_1094 : i32
    %dma_start3A_1096 = tpu.memref_slice %arg21[%mul3A_1095] : memref<32768xf32, #tpu.memory_space<vmem_shared>> -> memref<2048xf32, #tpu.memory_space<vmem_shared>>
    %dma_start3A_1097 = tpu.memref_slice %arg21[%mul3A_1095] : memref<32768xf32, #tpu.memory_space<vmem_shared>> -> memref<2048xf32, #tpu.memory_space<vmem_shared>>
    tpu.enqueue_dma source(%dma_start3A_1097 : memref<2048xf32, #tpu.memory_space<vmem_shared>>) target(%arg23 : memref<2048xf32, #tpu.memory_space<vmem>>) target_semaphore(%arg25 : memref<!tpu.dma_semaphore, #tpu.memory_space<semaphore_mem>>)
    %dma_start3A_1098 = tpu.memref_slice %arg22[%mul3A_1095] : memref<32768xi32, #tpu.memory_space<vmem_shared>> -> memref<2048xi32, #tpu.memory_space<vmem_shared>>
    %dma_start3A_1099 = tpu.memref_slice %arg22[%mul3A_1095] : memref<32768xi32, #tpu.memory_space<vmem_shared>> -> memref<2048xi32, #tpu.memory_space<vmem_shared>>
    tpu.enqueue_dma source(%dma_start3A_1099 : memref<2048xi32, #tpu.memory_space<vmem_shared>>) target(%arg24 : memref<2048xi32, #tpu.memory_space<vmem>>) target_semaphore(%arg25 : memref<!tpu.dma_semaphore, #tpu.memory_space<semaphore_mem>>)
    %dma_wait3A_1100 = tpu.memref_slice %arg21[%mul3A_1095] : memref<32768xf32, #tpu.memory_space<vmem_shared>> -> memref<2048xf32, #tpu.memory_space<vmem_shared>>
    %dma_wait3A_1101 = tpu.memref_slice %arg21[%mul3A_1095] : memref<32768xf32, #tpu.memory_space<vmem_shared>> -> memref<2048xf32, #tpu.memory_space<vmem_shared>>
    tpu.wait_dma2 semaphore(%arg25 : memref<!tpu.dma_semaphore, #tpu.memory_space<semaphore_mem>>) src(%dma_wait3A_1101 : memref<2048xf32, #tpu.memory_space<vmem_shared>>) dst(%arg23 : memref<2048xf32, #tpu.memory_space<vmem>>)
    %dma_wait3A_1102 = tpu.memref_slice %arg22[%mul3A_1095] : memref<32768xi32, #tpu.memory_space<vmem_shared>> -> memref<2048xi32, #tpu.memory_space<vmem_shared>>
    %dma_wait3A_1103 = tpu.memref_slice %arg22[%mul3A_1095] : memref<32768xi32, #tpu.memory_space<vmem_shared>> -> memref<2048xi32, #tpu.memory_space<vmem_shared>>
    tpu.wait_dma2 semaphore(%arg25 : memref<!tpu.dma_semaphore, #tpu.memory_space<semaphore_mem>>) src(%dma_wait3A_1103 : memref<2048xi32, #tpu.memory_space<vmem_shared>>) dst(%arg24 : memref<2048xi32, #tpu.memory_space<vmem>>)
    %dma_start3A_1104 = tpu.memref_slice %arg7[%mul3A_1095] : memref<32768xf32, #tpu.memory_space<hbm>> -> memref<2048xf32, #tpu.memory_space<hbm>>
    %dma_start3A_1105 = tpu.memref_slice %arg7[%mul3A_1095] : memref<32768xf32, #tpu.memory_space<hbm>> -> memref<2048xf32, #tpu.memory_space<hbm>>
    tpu.enqueue_dma source(%arg23 : memref<2048xf32, #tpu.memory_space<vmem>>) target(%dma_start3A_1105 : memref<2048xf32, #tpu.memory_space<hbm>>) target_semaphore(%arg25 : memref<!tpu.dma_semaphore, #tpu.memory_space<semaphore_mem>>)
    %dma_start3A_1106 = tpu.memref_slice %arg8[%mul3A_1095] : memref<32768xi32, #tpu.memory_space<hbm>> -> memref<2048xi32, #tpu.memory_space<hbm>>
    %dma_start3A_1107 = tpu.memref_slice %arg8[%mul3A_1095] : memref<32768xi32, #tpu.memory_space<hbm>> -> memref<2048xi32, #tpu.memory_space<hbm>>
    tpu.enqueue_dma source(%arg24 : memref<2048xi32, #tpu.memory_space<vmem>>) target(%dma_start3A_1107 : memref<2048xi32, #tpu.memory_space<hbm>>) target_semaphore(%arg25 : memref<!tpu.dma_semaphore, #tpu.memory_space<semaphore_mem>>)
    %dma_wait3A_1108 = tpu.memref_slice %arg7[%mul3A_1095] : memref<32768xf32, #tpu.memory_space<hbm>> -> memref<2048xf32, #tpu.memory_space<hbm>>
    %dma_wait3A_1109 = tpu.memref_slice %arg7[%mul3A_1095] : memref<32768xf32, #tpu.memory_space<hbm>> -> memref<2048xf32, #tpu.memory_space<hbm>>
    tpu.wait_dma2 semaphore(%arg25 : memref<!tpu.dma_semaphore, #tpu.memory_space<semaphore_mem>>) src(%arg23 : memref<2048xf32, #tpu.memory_space<vmem>>) dst(%dma_wait3A_1109 : memref<2048xf32, #tpu.memory_space<hbm>>)
    %dma_wait3A_1110 = tpu.memref_slice %arg8[%mul3A_1095] : memref<32768xi32, #tpu.memory_space<hbm>> -> memref<2048xi32, #tpu.memory_space<hbm>>
    %dma_wait3A_1111 = tpu.memref_slice %arg8[%mul3A_1095] : memref<32768xi32, #tpu.memory_space<hbm>> -> memref<2048xi32, #tpu.memory_space<hbm>>
    tpu.wait_dma2 semaphore(%arg25 : memref<!tpu.dma_semaphore, #tpu.memory_space<semaphore_mem>>) src(%arg24 : memref<2048xi32, #tpu.memory_space<vmem>>) dst(%dma_wait3A_1111 : memref<2048xi32, #tpu.memory_space<hbm>>)
    return
  }
}

module attributes {stable_mosaic.version = 14 : i64} {
  func.func @_gate_body(%arg0: i32, %arg1: memref<1024x2048xf32, #tpu.memory_space<vmem>>, %arg2: memref<2048x16xf32, #tpu.memory_space<vmem>>, %arg3: memref<1x16xf32, #tpu.memory_space<vmem>>, %arg4: memref<1024xf32, #tpu.memory_space<vmem>>, %arg5: memref<1024xf32, #tpu.memory_space<vmem>>, %arg6: memref<1024xi32, #tpu.memory_space<vmem>>, %arg7: memref<1024xi32, #tpu.memory_space<vmem>>, %arg8: memref<1x2x16xi32, #tpu.memory_space<vmem>>) attributes {dimension_semantics = [#tpu.dimension_semantics<arbitrary>], iteration_bounds = array<i64: 16>, scalar_prefetch = 0 : i64, scratch_operands = 0 : i64, tpu.core_type = #tpu.core_type<tc>, window_params = [{transform_indices = @transform_0, window_bounds = array<i64: 1024, 2048>}, {pipeline_mode = #tpu.pipeline_mode<synchronous>, transform_indices = @transform_1, window_bounds = array<i64: 2048, 16>}, {pipeline_mode = #tpu.pipeline_mode<synchronous>, transform_indices = @transform_2, window_bounds = array<i64: 1, 16>}, {transform_indices = @transform_3, window_bounds = array<i64: 1024>}, {transform_indices = @transform_4, window_bounds = array<i64: 1024>}, {transform_indices = @transform_5, window_bounds = array<i64: 1024>}, {transform_indices = @transform_6, window_bounds = array<i64: 1024>}, {transform_indices = @transform_7, window_bounds = array<i64: 1, 2, 16>}]} {
    %get3A = arith.constant 0 : index
    %get3A_0 = arith.constant 0 : index
    %get3A_1 = vector.load %arg1[%get3A, %get3A_0] : memref<1024x2048xf32, #tpu.memory_space<vmem>>, vector<1024x2048xf32>
    %get3A_2 = arith.constant 0 : index
    %get3A_3 = arith.constant 0 : index
    %get3A_4 = vector.load %arg2[%get3A_2, %get3A_3] : memref<2048x16xf32, #tpu.memory_space<vmem>>, vector<2048x16xf32>
    %get3A_5 = arith.constant 0 : index
    %get3A_6 = arith.constant 0 : index
    %get3A_7 = vector.load %arg3[%get3A_5, %get3A_6] : memref<1x16xf32, #tpu.memory_space<vmem>>, vector<1x16xf32>
    %dot_general3A = arith.constant dense<0.000000e+00> : vector<1024x16xf32>
    %dot_general3A_8 = tpu.matmul %get3A_1, %get3A_4, %dot_general3A {dimension_numbers = #tpu.dot_dimension_numbers<[1], [0], [0], [1], [0, 0, 1, 1], [], []>, transpose_lhs_hint = false} : vector<1024x2048xf32>, vector<2048x16xf32>, vector<1024x16xf32> -> vector<1024x16xf32>
    %add3A = vector.broadcast %get3A_7 : vector<1x16xf32> to vector<1024x16xf32>
    %add3A_9 = arith.addf %dot_general3A_8, %add3A : vector<1024x16xf32>
    %transpose3A = tpu.transpose %add3A_9, [1, 0] : vector<1024x16xf32> -> vector<16x1024xf32>
    %iota3A = tpu.iota {dimensions = array<i32: 0>} : vector<16x1024xi32>
    %reduce_max3A = arith.constant dense<0xFF800000> : vector<1024xf32>
    %reduce_max3A_10 = vector.multi_reduction <maximumf>, %transpose3A, %reduce_max3A [0] : vector<16x1024xf32> to vector<1024xf32>
    %broadcast_in_dim3A = vector.shape_cast %reduce_max3A_10 : vector<1024xf32> to vector<1x1024xf32>
    %eq3A = vector.broadcast %broadcast_in_dim3A : vector<1x1024xf32> to vector<16x1024xf32>
    %eq3A_11 = arith.cmpf oeq, %transpose3A, %eq3A : vector<16x1024xf32>
    %jit3A = arith.constant 16 : i32
    %broadcast_in_dim3A_12 = vector.broadcast %jit3A : i32 to vector<16x1024xi32>
    %select_n3A = arith.select %eq3A_11, %iota3A, %broadcast_in_dim3A_12 : vector<16x1024xi1>, vector<16x1024xi32>
    %reduce_min3A = arith.constant dense<2147483647> : vector<1024xi32>
    %reduce_min3A_13 = vector.multi_reduction <minsi>, %select_n3A, %reduce_min3A [0] : vector<16x1024xi32> to vector<1024xi32>
    %broadcast_in_dim3A_14 = vector.shape_cast %reduce_min3A_13 : vector<1024xi32> to vector<1x1024xi32>
    %eq3A_15 = vector.broadcast %broadcast_in_dim3A_14 : vector<1x1024xi32> to vector<16x1024xi32>
    %eq3A_16 = arith.cmpi eq, %iota3A, %eq3A_15 : vector<16x1024xi32>
    %jit3A_17 = arith.constant 0xFF800000 : f32
    %broadcast_in_dim3A_18 = vector.broadcast %jit3A_17 : f32 to vector<16x1024xf32>
    %select_n3A_19 = arith.select %eq3A_16, %broadcast_in_dim3A_18, %transpose3A : vector<16x1024xi1>, vector<16x1024xf32>
    %reduce_max3A_20 = arith.constant dense<0xFF800000> : vector<1024xf32>
    %reduce_max3A_21 = vector.multi_reduction <maximumf>, %select_n3A_19, %reduce_max3A_20 [0] : vector<16x1024xf32> to vector<1024xf32>
    %broadcast_in_dim3A_22 = vector.shape_cast %reduce_max3A_21 : vector<1024xf32> to vector<1x1024xf32>
    %eq3A_23 = vector.broadcast %broadcast_in_dim3A_22 : vector<1x1024xf32> to vector<16x1024xf32>
    %eq3A_24 = arith.cmpf oeq, %select_n3A_19, %eq3A_23 : vector<16x1024xf32>
    %jit3A_25 = arith.constant 16 : i32
    %broadcast_in_dim3A_26 = vector.broadcast %jit3A_25 : i32 to vector<16x1024xi32>
    %select_n3A_27 = arith.select %eq3A_24, %iota3A, %broadcast_in_dim3A_26 : vector<16x1024xi1>, vector<16x1024xi32>
    %reduce_min3A_28 = arith.constant dense<2147483647> : vector<1024xi32>
    %reduce_min3A_29 = vector.multi_reduction <minsi>, %select_n3A_27, %reduce_min3A_28 [0] : vector<16x1024xi32> to vector<1024xi32>
    %sub3A = arith.subf %reduce_max3A_21, %reduce_max3A_10 : vector<1024xf32>
    %exp3A = math.exp %sub3A : vector<1024xf32>
    %add3A_30 = arith.constant 1.000000e+00 : f32
    %add3A_31 = vector.broadcast %add3A_30 : f32 to vector<1024xf32>
    %add3A_32 = arith.addf %add3A_31, %exp3A : vector<1024xf32>
    %div3A = arith.constant 1.000000e+00 : f32
    %div3A_33 = vector.broadcast %div3A : f32 to vector<1024xf32>
    %div3A_34 = arith.divf %div3A_33, %add3A_32 : vector<1024xf32>
    %swap3A = arith.constant 0 : index
    %swap3A_35 = vector.load %arg4[%swap3A] : memref<1024xf32, #tpu.memory_space<vmem>>, vector<1024xf32>
    tpu.vector_store %arg4[%swap3A], %div3A_34 {strides = array<i32>} : memref<1024xf32, #tpu.memory_space<vmem>>, vector<1024xf32>,
    %mul3A = arith.mulf %exp3A, %div3A_34 : vector<1024xf32>
    %swap3A_36 = arith.constant 0 : index
    %swap3A_37 = vector.load %arg5[%swap3A_36] : memref<1024xf32, #tpu.memory_space<vmem>>, vector<1024xf32>
    tpu.vector_store %arg5[%swap3A_36], %mul3A {strides = array<i32>} : memref<1024xf32, #tpu.memory_space<vmem>>, vector<1024xf32>,
    %swap3A_38 = arith.constant 0 : index
    %swap3A_39 = vector.load %arg6[%swap3A_38] : memref<1024xi32, #tpu.memory_space<vmem>>, vector<1024xi32>
    tpu.vector_store %arg6[%swap3A_38], %reduce_min3A_13 {strides = array<i32>} : memref<1024xi32, #tpu.memory_space<vmem>>, vector<1024xi32>,
    %swap3A_40 = arith.constant 0 : index
    %swap3A_41 = vector.load %arg7[%swap3A_40] : memref<1024xi32, #tpu.memory_space<vmem>>, vector<1024xi32>
    tpu.vector_store %arg7[%swap3A_40], %reduce_min3A_29 {strides = array<i32>} : memref<1024xi32, #tpu.memory_space<vmem>>, vector<1024xi32>,
    %broadcast_in_dim3A_42 = vector.shape_cast %reduce_min3A_13 : vector<1024xi32> to vector<1x1024xi32>
    %eq3A_43 = vector.broadcast %broadcast_in_dim3A_42 : vector<1x1024xi32> to vector<16x1024xi32>
    %eq3A_44 = arith.cmpi eq, %iota3A, %eq3A_43 : vector<16x1024xi32>
    %convert_element_type3A = arith.extui %eq3A_44 : vector<16x1024xi1> to vector<16x1024xi32>
    %broadcast_in_dim3A_45 = vector.shape_cast %reduce_min3A_29 : vector<1024xi32> to vector<1x1024xi32>
    %eq3A_46 = vector.broadcast %broadcast_in_dim3A_45 : vector<1x1024xi32> to vector<16x1024xi32>
    %eq3A_47 = arith.cmpi eq, %iota3A, %eq3A_46 : vector<16x1024xi32>
    %convert_element_type3A_48 = arith.extui %eq3A_47 : vector<16x1024xi1> to vector<16x1024xi32>
    %add3A_49 = arith.addi %convert_element_type3A, %convert_element_type3A_48 : vector<16x1024xi32>
    %slice3A = vector.extract_strided_slice %add3A_49 {offsets = [0, 0], sizes = [16, 512], strides = [1, 1]} : vector<16x1024xi32> to vector<16x512xi32>
    %reduce_sum3A = arith.constant dense<0> : vector<16xi32>
    %reduce_sum3A_50 = vector.multi_reduction <add>, %slice3A, %reduce_sum3A [1] : vector<16x512xi32> to vector<16xi32>
    %slice3A_51 = vector.extract_strided_slice %add3A_49 {offsets = [0, 512], sizes = [16, 512], strides = [1, 1]} : vector<16x1024xi32> to vector<16x512xi32>
    %reduce_sum3A_52 = arith.constant dense<0> : vector<16xi32>
    %reduce_sum3A_53 = vector.multi_reduction <add>, %slice3A_51, %reduce_sum3A_52 [1] : vector<16x512xi32> to vector<16xi32>
    %stack3A = vector.shape_cast %reduce_sum3A_50 : vector<16xi32> to vector<1x16xi32>
    %stack3A_54 = vector.shape_cast %reduce_sum3A_53 : vector<16xi32> to vector<1x16xi32>
    %stack3A_55 = tpu.concatenate %stack3A, %stack3A_54 in 0 : vector<1x16xi32>, vector<1x16xi32> -> vector<2x16xi32>
    %broadcast_in_dim3A_56 = vector.shape_cast %stack3A_55 : vector<2x16xi32> to vector<1x2x16xi32>
    %swap3A_57 = arith.constant 0 : index
    %swap3A_58 = arith.constant 0 : index
    %swap3A_59 = arith.constant 0 : index
    %swap3A_60 = vector.load %arg8[%swap3A_57, %swap3A_58, %swap3A_59] : memref<1x2x16xi32, #tpu.memory_space<vmem>>, vector<1x2x16xi32>
    tpu.vector_store %arg8[%swap3A_57, %swap3A_58, %swap3A_59], %broadcast_in_dim3A_56 {strides = array<i32>} : memref<1x2x16xi32, #tpu.memory_space<vmem>>, vector<1x2x16xi32>,
    return
  }
  func.func @transform_0(%arg0: i32) -> (i32, i32) {
    %c0_i32 = arith.constant 0 : i32
    %c0_i32_0 = arith.constant 0 : i32
    return %arg0, %c0_i32 : i32, i32
  }
  func.func @transform_1(%arg0: i32) -> (i32, i32) {
    %c0_i32 = arith.constant 0 : i32
    %c0_i32_0 = arith.constant 0 : i32
    %c0_i32_1 = arith.constant 0 : i32
    return %c0_i32, %c0_i32_0 : i32, i32
  }
  func.func @transform_2(%arg0: i32) -> (i32, i32) {
    %c0_i32 = arith.constant 0 : i32
    %c0_i32_0 = arith.constant 0 : i32
    %c0_i32_1 = arith.constant 0 : i32
    return %c0_i32, %c0_i32_0 : i32, i32
  }
  func.func @transform_3(%arg0: i32) -> i32 {
    %c0_i32 = arith.constant 0 : i32
    return %arg0 : i32
  }
  func.func @transform_4(%arg0: i32) -> i32 {
    %c0_i32 = arith.constant 0 : i32
    return %arg0 : i32
  }
  func.func @transform_5(%arg0: i32) -> i32 {
    %c0_i32 = arith.constant 0 : i32
    return %arg0 : i32
  }
  func.func @transform_6(%arg0: i32) -> i32 {
    %c0_i32 = arith.constant 0 : i32
    return %arg0 : i32
  }
  func.func @transform_7(%arg0: i32) -> (i32, i32, i32) {
    %c0_i32 = arith.constant 0 : i32
    %c0_i32_0 = arith.constant 0 : i32
    %c0_i32_1 = arith.constant 0 : i32
    return %arg0, %c0_i32, %c0_i32_0 : i32, i32, i32
  }
}

</mosaic_0001>

<sc_bundles>
// kernel: kernel.4.cloned.1.call-start
scs
__scs_entry_jumppad:
0x0: {  	(pc) =	sbr.rel $0x88, $3  }
0x1: {  	(tag) =	ssettag $0x0;
	lr =	simm.s32 $0x1  }
0x2: {  	[smem:$0x3F9E] =	sst lr;
	_ =	strace $0xD0000000  }
0x3: {  	_ = 	snop  }
0x4: {  	_ = 	snop  }
0x5: {  	_ = 	snop  }
0x6: {  	_ = 	snop  }
0x7: {  	_ = 	snop  }
__scs_overlays_trampoline_lowered:
0x8: {  	[smem:$0x3FAD] =	sst s0  }
0x9: {  	[smem:$0x3FAE] =	sst s1  }
0xa: {  	[smem:$0x3FAF] =	sst s2  }
0xb: {  	[smem:$0x3FB0] =	sst s3  }
0xc: {  	[smem:$0x3FB1] =	sst s4  }
0xd: {  	[smem:$0x3FB2] =	sst s5  }
0xe: {  	[smem:$0x3FB3] =	sst s6  }
0xf: {  	[smem:$0x3FB4] =	sst s7  }
0x10: {  	[smem:$0x3FB5] =	sst s8  }
0x11: {  	[smem:$0x3FB6] =	sst s9;
	s0 =	simm.s32 @!p0 $0x0  }
0x12: {  	s1 =	sld [smem:$0x3F9C];
	s0 =	simm.s32 @p0 $0x1  }
0x13: {  	[smem:$0x3FB7] =	sst s0;
	s0 =	simm.s32 @!p1 $0x0  }
0x14: {  	s2 =	sld [smem:$0x3F9B];
	s0 =	simm.s32 @p1 $0x1  }
0x15: {  	[smem:$0x3FB8] =	sst s0;
	s0 =	simm.s32 @!p2 $0x0  }
0x16: {  	s3 =	sld [smem:$0x3FDB];
	s0 =	simm.s32 @p2 $0x1  }
0x17: {  	s4 =	simm.s32 $0x1BF5;
	[smem:$0x3FBA] =	sst s0  }
0x18: {  	s0 =	sld [smem:$0x3F9D];
	_ =	swait.ge [sflag:s4], $0x0  }
0x19: {  	s7 =	sld [smem:$0x3F9E]  }
0x1a: {  	s8 =	sadd.s32 $0xFFFFE003, lr  }
0x1b: {  	s9 =	sadd.s32 $0xFFFFFEF7, lr;
	s5 =	simm.s32 $0xFFFFFFFF;
	p2 =	slt.u32 s8, $0xFFFFF086  }
0x1c: {  	p1 =	slt.u32 s9, $0xF7A;
	s5 =	simm.s32 @!p2 $0x0  }
0x1d: {  	s5 =	simm.s32 @p1 $0x1;
	p0 =	seq.s32 s7, s2  }
0x1e: {  	s7 =	smul.u32 @!p0 $0xF7A, s2;
	p2 =	seq.s32 @!p0 s5, $0x0  }
0x1f: {  	s9 =	smul.u32 $0xF7A, s1;
	s8 =	simm.s32 @!p0 $0x1BF5;
	p2 =	por !p2, p0  }
0x20: {  	[sflag:s8] =	ssyncset.s32 @!p0 $0xFFFFF086;
	s6 =	sadd.s32 @!p0 s3, s7;
	s7 =	simm.s32 @!p0 $0x108  }
0x21: {  	s3 =	sadd.s32 s3, s9;
	s6 =	sadd.s32 @!p0 $0x88, s6;
	s7 =	simm.s32 @p2 $0x1082  }
0x22: {  	[simem:s7], [sflag:s8] =	dma.local @!p0 [hbm:s6], $0xF7A  }
0x23: {  	s9 =	sor.u32 $0xD0000000, s2;
	s6 =	simm.s32 $0x108;
	_ =	swait.ge @!p0 [sflag:s8], $0x0  }
0x24: {  	s3 =	sadd.s32 $0x88, s3;
	s6 =	simm.s32 @!p1 $0x1082;
	[sflag:s4] =	ssyncset.s32 $0xFFFFF086  }
0x25: {  	[simem:s6], [sflag:s4] =	dma.local [hbm:s3], $0xF7A  }
0x26: {  	[smem:$0x3F9E] =	sst s1;
	(tag) =	ssettag s2;
	_ =	strace s9  }
0x27: {  	s1 =	sld [smem:$0x3FAE]  }
0x28: {  	s2 =	sld [smem:$0x3FAF]  }
0x29: {  	s4 =	sld [smem:$0x3FB1]  }
0x2a: {  	p0 =	seq.s32 s5, $0x0;
	s5 =	sld [smem:$0x3FB2]  }
0x2b: {  	s6 =	sld [smem:$0x3FB3]  }
0x2c: {  	s7 =	sld [smem:$0x3FB4]  }
0x2d: {  	s3 =	simm.s32 $0x108;
	s8 =	sld [smem:$0x3FB5]  }
0x2e: {  	s3 =	simm.s32 @!p0 $0x1082;
	s9 =	sld [smem:$0x3FB6]  }
0x2f: {  	lr =	sadd.s32 s0, s3;
	s0 =	sld [smem:$0x3FAD]  }
0x30: {  	s3 =	sld [smem:$0x3FB0]  }
0x31: {  	[smem:$0x3FB9] =	sst s10  }
0x32: {  	s10 =	sld [smem:$0x3FB7];
	_ =	sdelay $0x3  }
0x33: {  	p0 =	seq.s32 s10, $0x1;
	s10 =	sld [smem:$0x3FB9];
	_ =	sdelay $0x3  }
0x34: {  	[smem:$0x3FB9] =	sst s10  }
0x35: {  	s10 =	sld [smem:$0x3FB8];
	_ =	sdelay $0x3  }
0x36: {  	p1 =	seq.s32 s10, $0x1;
	s10 =	sld [smem:$0x3FB9];
	_ =	sdelay $0x3  }
0x37: {  	[smem:$0x3FB9] =	sst s10  }
0x38: {  	s10 =	sld [smem:$0x3FBA]  }
0x39: {  	_ = 	snop;
	(pc) =	sbr.ind lr, $3  }
0x3a: {  	_ = 	snop  }
0x3b: {  	_ = 	snop  }
0x3c: {  	p2 =	seq.s32 s10, $0x1;
	s10 =	sld [smem:$0x3FB9]  }
0x3d: {  	_ =	shalt  }
0x3e: {  	_ =	shalt  }
0x3f: {  	_ =	shalt  }
0x40: {  	_ =	shalt  }
0x41: {  	_ =	shalt  }
0x42: {  	_ =	shalt  }
0x43: {  	_ =	shalt  }
0x44: {  	_ =	shalt  }
0x45: {  	_ =	shalt  }
0x46: {  	_ =	shalt  }
0x47: {  	_ =	shalt  }
0x48: {  	_ =	shalt  }
0x49: {  	_ =	shalt  }
0x4a: {  	_ =	shalt  }
0x4b: {  	_ =	shalt  }
0x4c: {  	_ =	shalt  }
0x4d: {  	_ =	shalt  }
0x4e: {  	_ =	shalt  }
0x4f: {  	_ =	shalt  }
0x50: {  	_ =	shalt  }
0x51: {  	_ =	shalt  }
0x52: {  	_ =	shalt  }
0x53: {  	_ =	shalt  }
0x54: {  	_ =	shalt  }
0x55: {  	_ =	shalt  }
0x56: {  	_ =	shalt  }
0x57: {  	_ =	shalt  }
0x58: {  	_ =	shalt  }
0x59: {  	_ =	shalt  }
0x5a: {  	_ =	shalt  }
0x5b: {  	_ =	shalt  }
0x5c: {  	_ =	shalt  }
0x5d: {  	_ =	shalt  }
0x5e: {  	_ =	shalt  }
0x5f: {  	_ =	shalt  }
0x60: {  	_ =	shalt  }
0x61: {  	_ =	shalt  }
0x62: {  	_ =	shalt  }
0x63: {  	_ =	shalt  }
0x64: {  	_ =	shalt  }
0x65: {  	_ =	shalt  }
0x66: {  	_ =	shalt  }
0x67: {  	_ =	shalt  }
0x68: {  	_ =	shalt  }
0x69: {  	_ =	shalt  }
0x6a: {  	_ =	shalt  }
0x6b: {  	_ =	shalt  }
0x6c: {  	_ =	shalt  }
0x6d: {  	_ =	shalt  }
0x6e: {  	_ =	shalt  }
0x6f: {  	_ =	shalt  }
0x70: {  	_ =	shalt  }
0x71: {  	_ =	shalt  }
0x72: {  	_ =	shalt  }
0x73: {  	_ =	shalt  }
0x74: {  	_ =	shalt  }
0x75: {  	_ =	shalt  }
0x76: {  	_ =	shalt  }
0x77: {  	_ =	shalt  }
0x78: {  	_ =	shalt  }
0x79: {  	_ =	shalt  }
0x7a: {  	_ =	shalt  }
0x7b: {  	_ =	shalt  }
0x7c: {  	_ =	shalt  }
0x7d: {  	_ =	shalt  }
0x7e: {  	_ =	shalt  }
0x7f: {  	_ =	shalt  }
0x80: {  	_ =	shalt  }
0x81: {  	_ =	shalt  }
0x82: {  	_ =	shalt  }
0x83: {  	_ =	shalt  }
0x84: {  	_ =	shalt  }
0x85: {  	_ =	shalt  }
0x86: {  	_ =	shalt  }
0x87: {  	_ =	shalt  }
.Lfunc_end0:
.L_simem_size_0:
called_computation_lowered:
.L_overlay_start_0:
0x88: {  	s0 =	sld [smem:$0x3FD9]  }
0x89: {  	s1 =	sld [smem:$0x3FFE];
	_ =	sdelay $0x3  }
0x8a: {  	s0 =	sadd.s32 s1, s0  }
0x8b: {  	[smem:$0x3FC5] =	sst s0  }
0x8c: {  	_ = 	snop  }
0x8d: {  	s0 =	sld [smem:$0x3FD0];
	_ =	sdelay $0x2  }
0x8e: {  	s13 =	simm.s32 $0xA;
	s2 =	simm.s32 $0x10  }
0x8f: {  	[smem:s2], [sflag:s13] =	dma.local [hbm:s0], $0x1  }
0x90: {  	_ =	swait.eq [sflag:s13], $0x1  }
0x91: {  	s14 =	sld [smem:$0x10];
	[sflag:s13] =	ssyncset.done $0x0  }
0x92: {  	s15 =	sld [smem:$0x11];
	[sflag:s13] =	ssyncadd.s32 $0xFFFFFFFF  }
0x93: {  	s16 =	sld [smem:$0x12];
	(tm) =	ssettm $0x1  }
0x94: {  	s3 =	sld [smem:$0x3FFB];
	_ =	sdelay $0x3  }
0x95: {  	_ =	strace s3  }
0x96: {  	s3 =	sld [smem:$0x3FFC];
	_ =	sdelay $0x3  }
0x97: {  	_ =	strace s3  }
0x98: {  	s3 =	sld [smem:$0x3FFD];
	_ =	sdelay $0x3  }
0x99: {  	_ =	strace s3  }
0x9a: {  	_ =	strace $0x8FFFFFFF  }
0x9b: {  	s17 =	sld [smem:$0x3FDB];
	_ =	sdelay $0x1  }
0x9c: {  	s4 =	simm.s32 $_scs_section_size  }
0x9d: {  	s5 =	simm.s32 $_size__tile_overlayer_lowered;
	s6 =	simm.s32 $_tile_overlayer_lowered  }
0x9e: {  	s20 =	simm.s32 $0x1BFF;
	s19 =	sshll.u32 s6, $0x1;
	s3 =	sadd.s32 s4, s17  }
0x9f: {  	s7 =	simm.s32 $0x0;
	s18 =	sshll.u32 s5, $0x1;
	s5 =	sadd.s32 s19, s3  }
0xa0: {  	[timem:s7], [sflag:s20] =	dma.local [hbm:s5], s18  }
0xa1: {  	_ =	swait.ge [sflag:s20], s18  }
0xa2: {  	s4 =	ssub.s32 $0x0, s18;
	[sflag:s20] =	ssyncset.done $0x0  }
0xa3: {  	[sflag:s20] =	ssyncadd.s32 s4;
	_ =	sdelay $0x1  }
0xa4: {  	s21 =	simm.s32 $0x1B8B  }
0xa5: {  	_ =	swait.ge [sflag:s21], $0x1  }
0xa6: {  	[sflag:s21] =	ssyncset.done $0x0  }
0xa7: {  	s23 =	simm.s32 $0x1B8E;
	s22 =	sld [smem:$0x3FFE];
	[sflag:s21] =	ssyncadd.s32 $0xFFFFFFFF  }
0xa8: {  	s24 =	simm.s32 $execute0_lowered;
	[smem:$0x3FD2] =	sst s23  }
0xa9: {  	s5 =	sshll.u32 s24, $0x1;
	_ =	strace $0x80000046;
	[dreg:$0x1] =	wrdreg $0xFFFFFFFF  }
0xaa: {  	s25 =	simm.s32 $_size_execute0_lowered;
	s3 =	sadd.s32 s3, s5;
	[dreg:$0x0] =	wrdreg $0x0  }
0xab: {  	s5 =	sshll.u32 s25, $0x1;
	[dreg:$0x2] =	wrdreg s3  }
0xac: {  	[dreg:$0x3] =	wrdreg s5  }
0xad: {  	[dreg:$0x4] =	wrdreg $0xC0  }
0xae: {  	_ =	task [dreg:s7], $0x5FFFF  }
0xaf: {  	[dreg:$0x1] =	wrdreg $0xFFFFFFFF  }
0xb0: {  	[dreg:$0x0] =	wrdreg $0x60  }
0xb1: {  	[dreg:$0x2] =	wrdreg s22  }
0xb2: {  	[dreg:$0x3] =	wrdreg s14  }
0xb3: {  	[dreg:$0x4] =	wrdreg s15  }
0xb4: {  	[dreg:$0x5] =	wrdreg s16  }
0xb5: {  	[dreg:$0x6] =	wrdreg $0x39800  }
0xb6: {  	[dreg:$0x7] =	wrdreg $0x41800  }
0xb7: {  	[dreg:$0x8] =	wrdreg $0x9  }
0xb8: {  	_ =	task.clear_ibuf [dreg:s7], $0x9FFFF;
	_ =	strace $0x90000046  }
0xb9: {  	s26 =	simm.s32 $0x9;
	_ =	strace $0x80000048  }
0xba: {  	_ =	swait.ge [sflag:s26], $0x1  }
0xbb: {  	[sflag:s26] =	ssyncadd.s32 $0xFFFFFFFF  }
0xbc: {  	_ =	strace $0x90000048  }
0xbd: {  	_ =	sfence  }
0xbe: {  	s28 =	sld [smem:$0x0];
	_ =	sdelay $0x1  }
0xbf: {  	s29 =	srdreg.scid  }
0xc0: {  	s30 =	sshll.u32 s29, $0xD;
	s31 =	sshrl.u32 s29, $0x2  }
0xc1: {  	s1 =	sand.u32 $0x1, s29;
	s2 =	sand.u32 $0x4000, s30;
	s0 =	sadd.s32 s31, s28  }
0xc2: {  	s1 =	sor.u32 s2, s1;
	s0 =	sshll.u32 s0, $0x11  }
0xc3: {  	s0 =	sor.u32 s0, s1  }
0xc4: {  	s0 =	sadd.s32 $0x8F2B, s0  }
0xc5: {  	[sflag:s0] =	ssyncadd.remote.s32 $0x1  }
0xc6: {  	_ =	sfence.sel $0xFFFF  }
0xc7: {  	[dreg:$0x0] =	wrdreg $0xFFFFFFFF;
	(pc) =	sbr.abs _section_cstart, $3  }
0xc8: {  	[dreg:$0x1] =	wrdreg $0xFFFFFFFF  }
0xc9: {  	_ =	task.clear_ibuf [dreg:s7], $0x2FFFF;
	_ =	strace $0x9FFFFFFF  }
0xca: {  	(tm) =	ssettm $0x7FFFFFFF  }
0xcb: {  	_ =	shalt  }
tec
execute0_lowered:
.L_overlay_start_1:
0x0: {  	(tag) =	ssettag $0x1  }
0x1: {  	s10 =	rddreg [dreg:$0x0]  }
0x2: {  	s7 =	rddreg [dreg:$0x1]  }
0x3: {  	s8 =	rddreg [dreg:$0x2]  }
0x4: {  	s9 =	rddreg [dreg:$0x3]  }
0x5: {  	s2 =	rddreg [dreg:$0x4];
	s11 =	stileid.u32  }
0x6: {  	s1 =	rddreg [dreg:$0x5];
	s3 =	simm.s32 $0x0;
	s4 =	sshll.u32 s11, $0x7  }
0x7: {  	[smem:$0x7FF] =	sst s3;
	s6 =	sadd.s32 s4, s10  }
0x8: {  	s0 =	rddreg [dreg:$0x6];
	_ =	strace $0x80000047;
	s4 =	sadd.s32 $0x1400, s6  }
0x9: {  	[tilespmem:s3], [sflag:$0x1] =	stream.linear.gather [hbm4b:s4+s3], $0x400, $0x38;
	[tilespmem:$0x5980] =	vst v63  }
0xa: {  	s5 =	sadd.s32 $0x2C00, s6;
	s4 =	simm.s32 $0x400  }
0xb: {  	[tilespmem:s4], [sflag:$0x1] =	stream.linear.gather [hbm4b:s5+s3], $0x400, $0x38;
	[tilespmem:$0x5980] =	vst v63  }
0xc: {  	s12 =	sadd.s32 $0x1C00, s6;
	s5 =	simm.s32 $0x800  }
0xd: {  	[tilespmem:s5], [sflag:$0x1] =	stream.linear.gather [hbm4b:s12+s3], $0x400, $0x38;
	[tilespmem:$0x5980] =	vst v63  }
0xe: {  	s28 =	sadd.s32 $0x2400, s6;
	s6 =	simm.s32 $0xC00  }
0xf: {  	[tilespmem:s6], [sflag:$0x1] =	stream.linear.gather [hbm4b:s28+s3], $0x400, $0x38;
	[tilespmem:$0x5980] =	vst v63  }
0x10: {  	s29 =	simm.s32 $0x1;
	s13 =	simm.s32 $0x1180;
	s10 =	sadd.s32 $0x3400, s10  }
0x11: {  	[tilespmem:s13], [sflag:$0x1] =	stream.linear.gather [hbm4b:s10+s3], $0x1000, $0x38;
	[tilespmem:$0x5980] =	vst v63  }
0x12: {  	_ =	swait.ge [sflag:s29], $0x400  }
0x13: {  	[sflag:s29] =	ssyncset.done $0x0  }
0x14: {  	[sflag:s29] =	ssyncadd.s32 $0xFFFFFC00  }
0x15: {  	_ =	swait.ge [sflag:s29], $0x400  }
0x16: {  	[sflag:s29] =	ssyncset.done $0x0  }
0x17: {  	[sflag:s29] =	ssyncadd.s32 $0xFFFFFC00  }
0x18: {  	_ =	swait.ge [sflag:s29], $0x400  }
0x19: {  	[sflag:s29] =	ssyncset.done $0x0  }
0x1a: {  	[sflag:s29] =	ssyncadd.s32 $0xFFFFFC00  }
0x1b: {  	_ =	swait.ge [sflag:s29], $0x400  }
0x1c: {  	[sflag:s29] =	ssyncset.done $0x0  }
0x1d: {  	[sflag:s29] =	ssyncadd.s32 $0xFFFFFC00  }
0x1e: {  	_ =	swait.ge [sflag:s29], $0x1000  }
0x1f: {  	[sflag:s29] =	ssyncset.done $0x0  }
0x20: {  	[sflag:s29] =	ssyncadd.s32 $0xFFFFF000  }
0x21: {  	v0 =	vld [tilespmem:$0x1180]  }
0x22: {  	v1 =	vld [tilespmem:$0x1200]  }
0x23: {  	v2 =	vld [tilespmem:$0x1280]  }
0x24: {  	v3 =	vld [tilespmem:$0x1300]  }
0x25: {  	v4 =	vld [tilespmem:$0x1380]  }
0x26: {  	v5 =	vld [tilespmem:$0x1400]  }
0x27: {  	v6 =	vld [tilespmem:$0x1480]  }
0x28: {  	v7 =	vld [tilespmem:$0x1500]  }
0x29: {  	v8 =	vld [tilespmem:$0x1580]  }
0x2a: {  	v9 =	vld [tilespmem:$0x1600]  }
0x2b: {  	v10 =	vld [tilespmem:$0x1680]  }
0x2c: {  	v11 =	vld [tilespmem:$0x1700]  }
0x2d: {  	v12 =	vld [tilespmem:$0x1780]  }
0x2e: {  	v13 =	vld [tilespmem:$0x1800]  }
0x2f: {  	v14 =	vld [tilespmem:$0x1880]  }
0x30: {  	v15 =	vld [tilespmem:$0x1900]  }
0x31: {  	v18 =	vld [tilespmem:$0x1980]  }
0x32: {  	v19 =	vld [tilespmem:$0x1A00]  }
0x33: {  	v20 =	vld [tilespmem:$0x1A80]  }
0x34: {  	v21 =	vld [tilespmem:$0x1B00]  }
0x35: {  	p1 =	seq.s32 s11, $0x0;
	s12 =	simm.s32 $0x1;
	v41 =	vld [tilespmem:$0x1D80]  }
0x36: {  	s12 =	simm.s32 @!p1 $0x0;
	p1 =	sgt.u32 s11, $0x1;
	s13 =	simm.s32 $0x1;
	v44 =	vld [tilespmem:$0x1E00]  }
0x37: {  	s14 =	simm.s32 $0x1;
	s13 =	simm.s32 @!p1 $0x0;
	p1 =	seq.s32 s11, $0x1;
	v46 =	vld [tilespmem:$0x1E80]  }
0x38: {  	s15 =	simm.s32 $0x1;
	vm0 =	vcmask $0xB08;
	s14 =	simm.s32 @!p1 $0x0;
	v48 =	vld [tilespmem:$0x1F00];
	v1 =	vadd.s32 v0, v1  }
0x39: {  	s16 =	simm.s32 $0x1;
	p0 =	sne.s32 s11, $0x0;
	p1 =	sgt.u32 s11, $0x2;
	v50 =	vld [tilespmem:$0x1F80];
	v3 =	vadd.s32 v2, v3;
	v0 =	vmul.u32 s12, v0;
	v2 =	vmul.u32 s14, v2  }
0x3a: {  	s10 =	simm.s32 $0x1;
	s15 =	simm.s32 @!p1 $0x0;
	p1 =	seq.s32 s11, $0x2;
	v52 =	vld [tilespmem:$0x2000];
	v5 =	vadd.s32 v4, v5;
	v7 =	vadd.s32 v6, v7;
	v9 =	vadd.s32 v8, v9  }
0x3b: {  	p2 =	seq.s32 s11, $0x7;
	s10 =	simm.s32 @!p0 $0x0;
	s16 =	simm.s32 @!p1 $0x0;
	v38 =	vadd.s32 v10, v11;
	v43 =	vadd.s32 v12, v13;
	v47 =	vadd.s32 v14, v15  }
0x3c: {  	p1 =	sgt.u32 s11, $0x3;
	s12 =	simm.s32 $0x1;
	v49 =	vadd.s32 v18, v19;
	s14 =	simm.s32 $0x1;
	v51 =	vadd.s32 v20, v21;
	v54 =	vadd.s32 v41, v44  }
0x3d: {  	v16 =	vmul.u32 s10, v1;
	v17 =	vmul.u32 s13, v3;
	s10 =	simm.s32 $0x1;
	v32 =	vmul.u32 s15, v5;
	s13 =	simm.s32 $0x1;
	s15 =	simm.s32 $0x1  }
0x3e: {  	v34 =	vld [tilespmem:$0x1B80];
	v11 =	vadd.s32 v46, v48;
	s10 =	simm.s32 @!p1 $0x0;
	p1 =	seq.s32 s11, $0x3;
	v0 =	vadd.s32 v0, v2;
	v2 =	vmul.u32 s16, v4;
	s16 =	simm.s32 $0x1  }
0x3f: {  	v36 =	vld [tilespmem:$0x1C00];
	v15 =	vadd.s32 v50, v52;
	v1 =	vadd.s32 v1, v3;
	s12 =	simm.s32 @!p1 $0x0;
	p1 =	sgt.u32 s11, $0x4;
	v33 =	vmul.u32 s10, v7;
	s10 =	simm.s32 $0x1  }
0x40: {  	v39 =	vld [tilespmem:$0x1D00];
	v1 =	vadd.s32 v5, v1;
	v16 =	vadd.s32 v16, v17;
	s13 =	simm.s32 @!p1 $0x0;
	p1 =	seq.s32 s11, $0x4;
	v6 =	vmul.u32 s12, v6;
	s12 =	simm.s32 $0x1  }
0x41: {  	v3 =	vld [tilespmem:$0x1C80];
	v1 =	vadd.s32 v7, v1;
	v16 =	vadd.s32 v32, v16;
	s10 =	simm.s32 @!p1 $0x0;
	v35 =	vmul.u32 s13, v9;
	p1 =	sgt.u32 s11, $0x5;
	s13 =	simm.s32 $0x1  }
0x42: {  	v0 =	vadd.s32 v2, v0;
	v1 =	vadd.s32 v9, v1;
	v37 =	vmul.u32 s10, v8;
	s12 =	simm.s32 @!p1 $0x0;
	p1 =	seq.s32 s11, $0x5;
	s10 =	simm.s32 $0x1  }
0x43: {  	v2 =	vadd.s32 v33, v16;
	v1 =	vadd.s32 v38, v1;
	s10 =	simm.s32 @!p1 $0x0;
	p1 =	sgt.u32 s11, $0x6;
	v40 =	vmul.u32 s12, v38;
	s12 =	simm.s32 $0x1  }
0x44: {  	v16 =	vadd.s32 v34, v36;
	v1 =	vadd.s32 v43, v1;
	s13 =	simm.s32 @!p1 $0x0;
	p1 =	seq.s32 s11, $0x6;
	v42 =	vmul.u32 s10, v10;
	s10 =	simm.s32 $0x1  }
0x45: {  	v0 =	vadd.s32 v6, v0;
	v1 =	vadd.s32 v47, v1;
	s12 =	simm.s32 @!p1 $0x0;
	p1 =	sgt.u32 s11, $0x7;
	v45 =	vmul.u32 s13, v43;
	s13 =	simm.s32 $0x1  }
0x46: {  	v5 =	vadd.s32 v3, v39;
	v2 =	vadd.s32 v35, v2;
	v1 =	vadd.s32 v49, v1;
	s10 =	simm.s32 @!p1 $0x0;
	s13 =	simm.s32 @!p2 $0x0;
	p1 =	sgt.u32 s11, $0x8  }
0x47: {  	v0 =	vadd.s32 v37, v0;
	v1 =	vadd.s32 v51, v1;
	p2 =	seq.s32 s11, $0x8;
	v12 =	vmul.u32 s12, v12;
	s12 =	simm.s32 $0x1;
	s14 =	simm.s32 @!p1 $0x0  }
0x48: {  	v53 =	vld [tilespmem:$0x2080];
	v2 =	vadd.s32 v40, v2;
	v1 =	vadd.s32 v16, v1;
	s15 =	simm.s32 @!p2 $0x0;
	p1 =	sgt.u32 s11, $0x9;
	v8 =	vmul.u32 s10, v47;
	s10 =	simm.s32 $0x1  }
0x49: {  	v55 =	vld [tilespmem:$0x2100];
	v0 =	vadd.s32 v42, v0;
	p2 =	seq.s32 s11, $0x9;
	v1 =	vadd.s32 v5, v1;
	v14 =	vmul.u32 s13, v14;
	s13 =	simm.s32 $0x1;
	s10 =	simm.s32 @!p1 $0x0  }
0x4a: {  	v2 =	vadd.s32 v45, v2;
	v0 =	vadd.s32 v12, v0;
	s12 =	simm.s32 @!p2 $0x0;
	p1 =	sgt.u32 s11, $0xA;
	p2 =	seq.s32 s11, $0xA;
	v1 =	vadd.s32 v54, v1  }
0x4b: {  	v6 =	vmul.u32 s14, v49;
	s14 =	simm.s32 $0x1;
	v18 =	vmul.u32 s15, v18;
	s15 =	simm.s32 $0x1;
	s16 =	simm.s32 @!p1 $0x0;
	v1 =	vadd.s32 v11, v1  }
0x4c: {  	v2 =	vadd.s32 v8, v2;
	s13 =	simm.s32 @!p2 $0x0;
	p1 =	sgt.u32 s11, $0xB;
	p2 =	seq.s32 s11, $0xB;
	v0 =	vadd.s32 v14, v0;
	v1 =	vadd.s32 v15, v1  }
0x4d: {  	v13 =	vmul.u32 s10, v51;
	v56 =	vmul.u32 s12, v20;
	s10 =	simm.s32 $0x1;
	s12 =	simm.s32 $0x1;
	s14 =	simm.s32 @!p1 $0x0;
	v1 =	vadd.s32 v53, v1  }
0x4e: {  	s15 =	simm.s32 @!p2 $0x0;
	p1 =	sgt.u32 s11, $0xC;
	p2 =	seq.s32 s11, $0xC;
	v2 =	vadd.s32 v6, v2;
	v0 =	vadd.s32 v18, v0;
	v1 =	vadd.s32 v55, v1  }
0x4f: {  	v57 =	vmul.u32 s16, v16;
	v58 =	vmul.u32 s13, v34;
	s13 =	simm.s32 $0x1;
	s16 =	simm.s32 $0x1;
	s10 =	simm.s32 @!p1 $0x0;
	v2 =	vadd.s32 v13, v2;
	(xrf0) =	vadd.scan.msk.s32 $0xffff, v1  }
0x50: {  	s12 =	simm.s32 @!p2 $0x0;
	p1 =	sgt.u32 s11, $0xD;
	p2 =	seq.s32 s11, $0xD;
	v0 =	vadd.s32 v56, v0;
	v5 =	vmul.u32 s14, v5;
	v3 =	vmul.u32 s15, v3  }
0x51: {  	s14 =	simm.s32 $0x1;
	s13 =	simm.s32 @!p1 $0x0;
	s16 =	simm.s32 @!p2 $0x0;
	v2 =	vadd.s32 v57, v2;
	v0 =	vadd.s32 v58, v0;
	v59 =	vmul.u32 s10, v54  }
0x52: {  	p1 =	seq.s32 s11, $0xF;
	s10 =	simm.s32 $0x1;
	p2 =	seq.s32 s11, $0xE;
	v2 =	vadd.s32 v5, v2;
	v0 =	vadd.s32 v3, v0;
	v3 =	vmul.u32 s12, v41  }
0x53: {  	s10 =	simm.s32 @!p1 $0x0;
	s14 =	simm.s32 @!p2 $0x0;
	v60 =	vmul.u32 s13, v11;
	v4 =	vmul.u32 s16, v46;
	v2 =	vadd.s32 v59, v2  }
0x54: {  	v61 =	vmul.u32 s14, v50;
	v0 =	vadd.s32 v3, v0;
	v3 =	vmul.u32 s10, v15  }
0x55: {  	v62 =	vmul.u32 s10, v53;
	v2 =	vadd.s32 v60, v2;
	v0 =	vadd.s32 v4, v0;
	v63, _, _ =	vpop (xrf0)  }
0x56: {  	v2 =	vadd.s32 v3, v2;
	v0 =	vadd.s32 v61, v0;
	v3 =	vsub.s32 v63, v1  }
0x57: {  	vm1 =	vcmask $0x300;
	s30 =	sshll.u32 s11, $0xB;
	[tilespmem:$0x1100] =	vst @!p0 v1;
	v0 =	vadd.s32 v62, v0;
	v2 =	vadd.s32 v3, v2  }
0x58: {  	vm0 =	vmor vm1, vm0;
	vm1 =	vcmask $0x1310;
	s31 =	sshll.u32 s11, $0xA;
	s15 =	simm.s32 $0x1000;
	s11 =	sshll.u32 s11, $0x8;
	[tilespmem:$0x1000] =	vst v2;
	v0 =	vadd.s32 v2, v0  }
0x59: {  	vm0 =	vmor vm0, vm1;
	vm1 =	vcmask $0x1B18;
	s12 =	simm.s32 @!p0 $0x1100;
	s7 =	sadd.s32 s7, s11;
	s10 =	simm.s32 @!p0 $0x0;
	[tilespmem:$0x1080] =	vst v0  }
0x5a: {  	vm0 =	vmor vm0, vm1;
	vm1 =	vcmask $0x2320;
	[hbm4b:s9+s10] =	stream.linear.scatter @!p0 [tilespmem:s12], [sflag:$0x2], $0x80, $0x38;
	[tilespmem:$0x5980] =	vst v63  }
0x5b: {  	vm0 =	vmor vm0, vm1;
	vm1 =	vcmask $0x2B28;
	s8 =	sadd.s32 s8, s11;
	s11 =	simm.s32 $0x20;
	s12 =	simm.s32 @!p0 $0x2  }
0x5c: {  	vm0 =	vmor vm0, vm1;
	vm1 =	vcmask $0x3330;
	s13 =	simm.s32 $0x2D80;
	s16 =	simm.s32 $0x1080;
	_ =	swait.ge @!p0 [sflag:s12], $0x80  }
0x5d: {  	vm0 =	vmor vm0, vm1;
	vm1 =	vcmask $0x3B38;
	s14 =	simm.s32 $0x2580;
	v1 =	vlaneseq.u32;
	s9 =	sadd.s32 s30, s2;
	[sflag:s12] =	ssyncset.done @!p0 $0x0  }
0x5e: {  	vm0 =	vmor vm0, vm1;
	v1 =	vshrl.u32 v1, $0x1;
	v0 =	vmov s31;
	s10 =	sadd.s32 s30, s1;
	[sflag:s12] =	ssyncadd.s32 @!p0 $0xFFFFFF80;
	s12 =	simm.s32 $0x3580  }
.LBB2_1:
0x5f: {  	s17 =	sadd.s32 $0xFFFFFFE0, s11  }
0x60: {  	v2 =	vor.u32 s17, v1;
	_ =	sdelay $0x4  }
0x61: {  	v3 =	vld.idx.msk [tilespmem:v2+s3+$0x0], $0xffff  }
0x62: {  	v4 =	vld.idx.msk [tilespmem:v2+s4+$0x0], $0xffff;
	_ =	sdelay $0x4  }
0x63: {  	v3 =	vsel vm0, v3, v4  }
0x64: {  	(xrf1) =	vunique.msk.u32 $0xffff, v3;
	_ =	sdelay $0xd  }
0x65: {  	v5 =	vld.idx.msk [tilespmem:v3+s15+$0x0], $0xffff;
	_, v19, vm1 =	vpop (xrf1);
	_ =	sdelay $0x4  }
0x66: {  	v4 =	vadd.s32 v5, v19  }
0x67: {  	[tilespmem:v3+s15+$0x0] =	vst.idx.msk vm1, v4  }
0x68: {  	v3 =	vld.idx.msk [tilespmem:v2+s5+$0x0], $0xffff  }
0x69: {  	v20 =	vld.idx.msk [tilespmem:v2+s6+$0x0], $0xffff;
	_ =	sdelay $0x1  }
0x6a: {  	s31 =	sadd.s32 $0x1E0, s11  }
0x6b: {  	v6 =	vor.u32 s31, v1  }
0x6c: {  	v4 =	vadd.s32 $0xFFFFFFFF, v4  }
0x6d: {  	[tilespmem:s14+$0xFFFFFC00] =	vst v4;
	v3 =	vsel vm0, v3, v20  }
0x6e: {  	v2 =	vor.u32 v0, v2;
	[tilespmem:s13+$0xFFFFFC00] =	vst v3  }
0x6f: {  	[tilespmem:s12+$0xFFFFFC00] =	vst v2  }
0x70: {  	v2 =	vld.idx.msk [tilespmem:v6+s3+$0x0], $0xffff  }
0x71: {  	v3 =	vld.idx.msk [tilespmem:v6+s4+$0x0], $0xffff;
	_ =	sdelay $0x4  }
0x72: {  	v2 =	vsel vm0, v2, v3  }
0x73: {  	(xrf1) =	vunique.msk.u32 $0xffff, v2;
	_ =	sdelay $0xd  }
0x74: {  	v4 =	vld.idx.msk [tilespmem:v2+s16+$0x0], $0xffff;
	_, v3, vm1 =	vpop (xrf1);
	_ =	sdelay $0x4  }
0x75: {  	v3 =	vadd.s32 v4, v3  }
0x76: {  	[tilespmem:v2+s16+$0x0] =	vst.idx.msk vm1, v3  }
0x77: {  	v2 =	vld.idx.msk [tilespmem:v6+s5+$0x0], $0xffff  }
0x78: {  	v21 =	vld.idx.msk [tilespmem:v6+s6+$0x0], $0xffff;
	_ =	sdelay $0x1  }
0x79: {  	s18 =	sadd.s32 $0xFFFFFFE8, s11  }
0x7a: {  	v22 =	vor.u32 s18, v1  }
0x7b: {  	v3 =	vadd.s32 $0xFFFFFFFF, v3  }
0x7c: {  	[tilespmem:s14+$0x0] =	vst v3;
	v2 =	vsel vm0, v2, v21  }
0x7d: {  	[tilespmem:s13+$0x0] =	vst v2;
	v2 =	vor.u32 v0, v6  }
0x7e: {  	[tilespmem:s12+$0x0] =	vst v2  }
0x7f: {  	v2 =	vld.idx.msk [tilespmem:v22+s3+$0x0], $0xffff  }
0x80: {  	v3 =	vld.idx.msk [tilespmem:v22+s4+$0x0], $0xffff;
	_ =	sdelay $0x4  }
0x81: {  	v2 =	vsel vm0, v2, v3  }
0x82: {  	(xrf1) =	vunique.msk.u32 $0xffff, v2;
	_ =	sdelay $0xd  }
0x83: {  	v23 =	vld.idx.msk [tilespmem:v2+s15+$0x0], $0xffff;
	_, v3, vm1 =	vpop (xrf1);
	_ =	sdelay $0x4  }
0x84: {  	v3 =	vadd.s32 v23, v3  }
0x85: {  	[tilespmem:v2+s15+$0x0] =	vst.idx.msk vm1, v3  }
0x86: {  	v2 =	vld.idx.msk [tilespmem:v22+s5+$0x0], $0xffff  }
0x87: {  	v24 =	vld.idx.msk [tilespmem:v22+s6+$0x0], $0xffff;
	_ =	sdelay $0x1  }
0x88: {  	s19 =	sadd.s32 $0x1E8, s11  }
0x89: {  	v25 =	vor.u32 s19, v1  }
0x8a: {  	v3 =	vadd.s32 $0xFFFFFFFF, v3  }
0x8b: {  	[tilespmem:s14+$0xFFFFFC10] =	vst v3;
	v2 =	vsel vm0, v2, v24  }
0x8c: {  	[tilespmem:s13+$0xFFFFFC10] =	vst v2;
	v2 =	vor.u32 v0, v22  }
0x8d: {  	[tilespmem:s12+$0xFFFFFC10] =	vst v2  }
0x8e: {  	v2 =	vld.idx.msk [tilespmem:v25+s3+$0x0], $0xffff  }
0x8f: {  	v3 =	vld.idx.msk [tilespmem:v25+s4+$0x0], $0xffff;
	_ =	sdelay $0x4  }
0x90: {  	v2 =	vsel vm0, v2, v3  }
0x91: {  	(xrf1) =	vunique.msk.u32 $0xffff, v2;
	_ =	sdelay $0xd  }
0x92: {  	v26 =	vld.idx.msk [tilespmem:v2+s16+$0x0], $0xffff;
	_, v3, vm1 =	vpop (xrf1);
	_ =	sdelay $0x4  }
0x93: {  	v3 =	vadd.s32 v26, v3  }
0x94: {  	[tilespmem:v2+s16+$0x0] =	vst.idx.msk vm1, v3  }
0x95: {  	v2 =	vld.idx.msk [tilespmem:v25+s5+$0x0], $0xffff  }
0x96: {  	v27 =	vld.idx.msk [tilespmem:v25+s6+$0x0], $0xffff;
	_ =	sdelay $0x1  }
0x97: {  	s20 =	sadd.s32 $0xFFFFFFF0, s11  }
0x98: {  	v28 =	vor.u32 s20, v1  }
0x99: {  	v3 =	vadd.s32 $0xFFFFFFFF, v3  }
0x9a: {  	[tilespmem:s14+$0x10] =	vst v3;
	v2 =	vsel vm0, v2, v27  }
0x9b: {  	[tilespmem:s13+$0x10] =	vst v2;
	v2 =	vor.u32 v0, v25  }
0x9c: {  	[tilespmem:s12+$0x10] =	vst v2  }
0x9d: {  	v2 =	vld.idx.msk [tilespmem:v28+s3+$0x0], $0xffff  }
0x9e: {  	v3 =	vld.idx.msk [tilespmem:v28+s4+$0x0], $0xffff;
	_ =	sdelay $0x4  }
0x9f: {  	v2 =	vsel vm0, v2, v3  }
0xa0: {  	(xrf1) =	vunique.msk.u32 $0xffff, v2;
	_ =	sdelay $0xd  }
0xa1: {  	v29 =	vld.idx.msk [tilespmem:v2+s15+$0x0], $0xffff;
	_, v3, vm1 =	vpop (xrf1);
	_ =	sdelay $0x4  }
0xa2: {  	v3 =	vadd.s32 v29, v3  }
0xa3: {  	[tilespmem:v2+s15+$0x0] =	vst.idx.msk vm1, v3  }
0xa4: {  	v2 =	vld.idx.msk [tilespmem:v28+s5+$0x0], $0xffff  }
0xa5: {  	v30 =	vld.idx.msk [tilespmem:v28+s6+$0x0], $0xffff;
	_ =	sdelay $0x1  }
0xa6: {  	s21 =	sadd.s32 $0x1F0, s11  }
0xa7: {  	v31 =	vor.u32 s21, v1  }
0xa8: {  	v3 =	vadd.s32 $0xFFFFFFFF, v3  }
0xa9: {  	[tilespmem:s14+$0xFFFFFC20] =	vst v3;
	v2 =	vsel vm0, v2, v30  }
0xaa: {  	[tilespmem:s13+$0xFFFFFC20] =	vst v2;
	v2 =	vor.u32 v0, v28  }
0xab: {  	[tilespmem:s12+$0xFFFFFC20] =	vst v2  }
0xac: {  	v2 =	vld.idx.msk [tilespmem:v31+s3+$0x0], $0xffff  }
0xad: {  	v3 =	vld.idx.msk [tilespmem:v31+s4+$0x0], $0xffff;
	_ =	sdelay $0x4  }
0xae: {  	v2 =	vsel vm0, v2, v3  }
0xaf: {  	(xrf1) =	vunique.msk.u32 $0xffff, v2;
	_ =	sdelay $0xd  }
0xb0: {  	v32 =	vld.idx.msk [tilespmem:v2+s16+$0x0], $0xffff;
	_, v3, vm1 =	vpop (xrf1);
	_ =	sdelay $0x4  }
0xb1: {  	v3 =	vadd.s32 v32, v3  }
0xb2: {  	[tilespmem:v2+s16+$0x0] =	vst.idx.msk vm1, v3  }
0xb3: {  	v2 =	vld.idx.msk [tilespmem:v31+s5+$0x0], $0xffff  }
0xb4: {  	v33 =	vld.idx.msk [tilespmem:v31+s6+$0x0], $0xffff;
	_ =	sdelay $0x1  }
0xb5: {  	s22 =	sadd.s32 $0xFFFFFFF8, s11  }
0xb6: {  	v34 =	vor.u32 s22, v1  }
0xb7: {  	v3 =	vadd.s32 $0xFFFFFFFF, v3  }
0xb8: {  	[tilespmem:s14+$0x20] =	vst v3;
	v2 =	vsel vm0, v2, v33  }
0xb9: {  	[tilespmem:s13+$0x20] =	vst v2;
	v2 =	vor.u32 v0, v31  }
0xba: {  	[tilespmem:s12+$0x20] =	vst v2  }
0xbb: {  	v2 =	vld.idx.msk [tilespmem:v34+s3+$0x0], $0xffff  }
0xbc: {  	v3 =	vld.idx.msk [tilespmem:v34+s4+$0x0], $0xffff;
	_ =	sdelay $0x4  }
0xbd: {  	v2 =	vsel vm0, v2, v3  }
0xbe: {  	(xrf1) =	vunique.msk.u32 $0xffff, v2;
	_ =	sdelay $0xd  }
0xbf: {  	v35 =	vld.idx.msk [tilespmem:v2+s15+$0x0], $0xffff;
	_, v3, vm1 =	vpop (xrf1);
	_ =	sdelay $0x4  }
0xc0: {  	v3 =	vadd.s32 v35, v3  }
0xc1: {  	[tilespmem:v2+s15+$0x0] =	vst.idx.msk vm1, v3  }
0xc2: {  	v2 =	vld.idx.msk [tilespmem:v34+s5+$0x0], $0xffff  }
0xc3: {  	v36 =	vld.idx.msk [tilespmem:v34+s6+$0x0], $0xffff;
	_ =	sdelay $0x1  }
0xc4: {  	s23 =	sadd.s32 $0x1F8, s11  }
0xc5: {  	v37 =	vor.u32 s23, v1  }
0xc6: {  	v3 =	vadd.s32 $0xFFFFFFFF, v3  }
0xc7: {  	[tilespmem:s14+$0xFFFFFC30] =	vst v3;
	v2 =	vsel vm0, v2, v36  }
0xc8: {  	[tilespmem:s13+$0xFFFFFC30] =	vst v2;
	v2 =	vor.u32 v0, v34  }
0xc9: {  	[tilespmem:s12+$0xFFFFFC30] =	vst v2  }
0xca: {  	v2 =	vld.idx.msk [tilespmem:v37+s3+$0x0], $0xffff  }
0xcb: {  	v3 =	vld.idx.msk [tilespmem:v37+s4+$0x0], $0xffff;
	_ =	sdelay $0x4  }
0xcc: {  	v2 =	vsel vm0, v2, v3  }
0xcd: {  	(xrf1) =	vunique.msk.u32 $0xffff, v2;
	_ =	sdelay $0xd  }
0xce: {  	v38 =	vld.idx.msk [tilespmem:v2+s16+$0x0], $0xffff;
	_, v3, vm1 =	vpop (xrf1);
	_ =	sdelay $0x4  }
0xcf: {  	v3 =	vadd.s32 v38, v3  }
0xd0: {  	[tilespmem:v2+s16+$0x0] =	vst.idx.msk vm1, v3  }
0xd1: {  	v2 =	vld.idx.msk [tilespmem:v37+s5+$0x0], $0xffff  }
0xd2: {  	v39 =	vld.idx.msk [tilespmem:v37+s6+$0x0], $0xffff;
	_ =	sdelay $0x2  }
0xd3: {  	v40 =	vor.u32 s11, v1  }
0xd4: {  	v3 =	vadd.s32 $0xFFFFFFFF, v3  }
0xd5: {  	[tilespmem:s14+$0x30] =	vst v3;
	v2 =	vsel vm0, v2, v39  }
0xd6: {  	[tilespmem:s13+$0x30] =	vst v2;
	v2 =	vor.u32 v0, v37  }
0xd7: {  	[tilespmem:s12+$0x30] =	vst v2  }
0xd8: {  	v2 =	vld.idx.msk [tilespmem:v40+s3+$0x0], $0xffff  }
0xd9: {  	v3 =	vld.idx.msk [tilespmem:v40+s4+$0x0], $0xffff;
	_ =	sdelay $0x4  }
0xda: {  	v2 =	vsel vm0, v2, v3  }
0xdb: {  	(xrf1) =	vunique.msk.u32 $0xffff, v2;
	_ =	sdelay $0xd  }
0xdc: {  	v41 =	vld.idx.msk [tilespmem:v2+s15+$0x0], $0xffff;
	_, v3, vm1 =	vpop (xrf1);
	_ =	sdelay $0x4  }
0xdd: {  	v3 =	vadd.s32 v41, v3  }
0xde: {  	[tilespmem:v2+s15+$0x0] =	vst.idx.msk vm1, v3  }
0xdf: {  	v2 =	vld.idx.msk [tilespmem:v40+s5+$0x0], $0xffff  }
0xe0: {  	v42 =	vld.idx.msk [tilespmem:v40+s6+$0x0], $0xffff;
	_ =	sdelay $0x1  }
0xe1: {  	s24 =	sadd.s32 $0x200, s11  }
0xe2: {  	v43 =	vor.u32 s24, v1  }
0xe3: {  	v3 =	vadd.s32 $0xFFFFFFFF, v3  }
0xe4: {  	[tilespmem:s14+$0xFFFFFC40] =	vst v3;
	v2 =	vsel vm0, v2, v42  }
0xe5: {  	[tilespmem:s13+$0xFFFFFC40] =	vst v2;
	v2 =	vor.u32 v0, v40  }
0xe6: {  	[tilespmem:s12+$0xFFFFFC40] =	vst v2  }
0xe7: {  	v2 =	vld.idx.msk [tilespmem:v43+s3+$0x0], $0xffff  }
0xe8: {  	v3 =	vld.idx.msk [tilespmem:v43+s4+$0x0], $0xffff;
	_ =	sdelay $0x4  }
0xe9: {  	v2 =	vsel vm0, v2, v3  }
0xea: {  	(xrf1) =	vunique.msk.u32 $0xffff, v2;
	_ =	sdelay $0xd  }
0xeb: {  	v44 =	vld.idx.msk [tilespmem:v2+s16+$0x0], $0xffff;
	_, v3, vm1 =	vpop (xrf1);
	_ =	sdelay $0x4  }
0xec: {  	v3 =	vadd.s32 v44, v3  }
0xed: {  	[tilespmem:v2+s16+$0x0] =	vst.idx.msk vm1, v3  }
0xee: {  	v2 =	vld.idx.msk [tilespmem:v43+s5+$0x0], $0xffff  }
0xef: {  	v45 =	vld.idx.msk [tilespmem:v43+s6+$0x0], $0xffff;
	_ =	sdelay $0x1  }
0xf0: {  	s25 =	sadd.s32 $0x8, s11  }
0xf1: {  	v46 =	vor.u32 s25, v1  }
0xf2: {  	v3 =	vadd.s32 $0xFFFFFFFF, v3  }
0xf3: {  	[tilespmem:s14+$0x40] =	vst v3;
	v2 =	vsel vm0, v2, v45  }
0xf4: {  	[tilespmem:s13+$0x40] =	vst v2;
	v2 =	vor.u32 v0, v43  }
0xf5: {  	[tilespmem:s12+$0x40] =	vst v2  }
0xf6: {  	v2 =	vld.idx.msk [tilespmem:v46+s3+$0x0], $0xffff  }
0xf7: {  	v3 =	vld.idx.msk [tilespmem:v46+s4+$0x0], $0xffff;
	_ =	sdelay $0x4  }
0xf8: {  	v2 =	vsel vm0, v2, v3  }
0xf9: {  	(xrf1) =	vunique.msk.u32 $0xffff, v2;
	_ =	sdelay $0xd  }
0xfa: {  	v47 =	vld.idx.msk [tilespmem:v2+s15+$0x0], $0xffff;
	_, v3, vm1 =	vpop (xrf1);
	_ =	sdelay $0x4  }
0xfb: {  	v3 =	vadd.s32 v47, v3  }
0xfc: {  	[tilespmem:v2+s15+$0x0] =	vst.idx.msk vm1, v3  }
0xfd: {  	v2 =	vld.idx.msk [tilespmem:v46+s5+$0x0], $0xffff  }
0xfe: {  	v48 =	vld.idx.msk [tilespmem:v46+s6+$0x0], $0xffff;
	_ =	sdelay $0x1  }
0xff: {  	s26 =	sadd.s32 $0x208, s11  }
0x100: {  	v49 =	vor.u32 s26, v1  }
0x101: {  	v3 =	vadd.s32 $0xFFFFFFFF, v3  }
0x102: {  	[tilespmem:s14+$0xFFFFFC50] =	vst v3;
	v2 =	vsel vm0, v2, v48  }
0x103: {  	[tilespmem:s13+$0xFFFFFC50] =	vst v2;
	v2 =	vor.u32 v0, v46  }
0x104: {  	[tilespmem:s12+$0xFFFFFC50] =	vst v2  }
0x105: {  	v2 =	vld.idx.msk [tilespmem:v49+s3+$0x0], $0xffff  }
0x106: {  	v3 =	vld.idx.msk [tilespmem:v49+s4+$0x0], $0xffff;
	_ =	sdelay $0x4  }
0x107: {  	v2 =	vsel vm0, v2, v3  }
0x108: {  	(xrf1) =	vunique.msk.u32 $0xffff, v2;
	_ =	sdelay $0xd  }
0x109: {  	v50 =	vld.idx.msk [tilespmem:v2+s16+$0x0], $0xffff;
	_, v3, vm1 =	vpop (xrf1);
	_ =	sdelay $0x4  }
0x10a: {  	v3 =	vadd.s32 v50, v3  }
0x10b: {  	[tilespmem:v2+s16+$0x0] =	vst.idx.msk vm1, v3  }
0x10c: {  	v2 =	vld.idx.msk [tilespmem:v49+s5+$0x0], $0xffff  }
0x10d: {  	v51 =	vld.idx.msk [tilespmem:v49+s6+$0x0], $0xffff;
	_ =	sdelay $0x1  }
0x10e: {  	s28 =	sadd.s32 $0x10, s11  }
0x10f: {  	v52 =	vor.u32 s28, v1  }
0x110: {  	v3 =	vadd.s32 $0xFFFFFFFF, v3  }
0x111: {  	[tilespmem:s14+$0x50] =	vst v3;
	v2 =	vsel vm0, v2, v51  }
0x112: {  	[tilespmem:s13+$0x50] =	vst v2;
	v2 =	vor.u32 v0, v49  }
0x113: {  	[tilespmem:s12+$0x50] =	vst v2  }
0x114: {  	v2 =	vld.idx.msk [tilespmem:v52+s3+$0x0], $0xffff  }
0x115: {  	v3 =	vld.idx.msk [tilespmem:v52+s4+$0x0], $0xffff;
	_ =	sdelay $0x4  }
0x116: {  	v2 =	vsel vm0, v2, v3  }
0x117: {  	(xrf1) =	vunique.msk.u32 $0xffff, v2;
	_ =	sdelay $0xd  }
0x118: {  	v53 =	vld.idx.msk [tilespmem:v2+s15+$0x0], $0xffff;
	_, v3, vm1 =	vpop (xrf1);
	_ =	sdelay $0x4  }
0x119: {  	v3 =	vadd.s32 v53, v3  }
0x11a: {  	[tilespmem:v2+s15+$0x0] =	vst.idx.msk vm1, v3  }
0x11b: {  	v2 =	vld.idx.msk [tilespmem:v52+s5+$0x0], $0xffff  }
0x11c: {  	v54 =	vld.idx.msk [tilespmem:v52+s6+$0x0], $0xffff;
	_ =	sdelay $0x1  }
0x11d: {  	s29 =	sadd.s32 $0x210, s11  }
0x11e: {  	v55 =	vor.u32 s29, v1  }
0x11f: {  	v3 =	vadd.s32 $0xFFFFFFFF, v3  }
0x120: {  	[tilespmem:s14+$0xFFFFFC60] =	vst v3;
	v2 =	vsel vm0, v2, v54  }
0x121: {  	[tilespmem:s13+$0xFFFFFC60] =	vst v2;
	v2 =	vor.u32 v0, v52  }
0x122: {  	[tilespmem:s12+$0xFFFFFC60] =	vst v2  }
0x123: {  	v2 =	vld.idx.msk [tilespmem:v55+s3+$0x0], $0xffff  }
0x124: {  	v3 =	vld.idx.msk [tilespmem:v55+s4+$0x0], $0xffff;
	_ =	sdelay $0x4  }
0x125: {  	v2 =	vsel vm0, v2, v3  }
0x126: {  	(xrf1) =	vunique.msk.u32 $0xffff, v2;
	_ =	sdelay $0xd  }
0x127: {  	v56 =	vld.idx.msk [tilespmem:v2+s16+$0x0], $0xffff;
	_, v3, vm1 =	vpop (xrf1);
	_ =	sdelay $0x4  }
0x128: {  	v3 =	vadd.s32 v56, v3  }
0x129: {  	[tilespmem:v2+s16+$0x0] =	vst.idx.msk vm1, v3  }
0x12a: {  	v2 =	vld.idx.msk [tilespmem:v55+s5+$0x0], $0xffff  }
0x12b: {  	v57 =	vld.idx.msk [tilespmem:v55+s6+$0x0], $0xffff;
	_ =	sdelay $0x1  }
0x12c: {  	s30 =	sadd.s32 $0x18, s11  }
0x12d: {  	v58 =	vor.u32 s30, v1  }
0x12e: {  	v3 =	vadd.s32 $0xFFFFFFFF, v3  }
0x12f: {  	[tilespmem:s14+$0x60] =	vst v3;
	v2 =	vsel vm0, v2, v57  }
0x130: {  	[tilespmem:s13+$0x60] =	vst v2;
	v2 =	vor.u32 v0, v55  }
0x131: {  	[tilespmem:s12+$0x60] =	vst v2  }
0x132: {  	v2 =	vld.idx.msk [tilespmem:v58+s3+$0x0], $0xffff  }
0x133: {  	v3 =	vld.idx.msk [tilespmem:v58+s4+$0x0], $0xffff;
	_ =	sdelay $0x4  }
0x134: {  	v2 =	vsel vm0, v2, v3  }
0x135: {  	(xrf1) =	vunique.msk.u32 $0xffff, v2;
	_ =	sdelay $0xd  }
0x136: {  	v59 =	vld.idx.msk [tilespmem:v2+s15+$0x0], $0xffff;
	_, v3, vm1 =	vpop (xrf1);
	_ =	sdelay $0x4  }
0x137: {  	v3 =	vadd.s32 v59, v3  }
0x138: {  	[tilespmem:v2+s15+$0x0] =	vst.idx.msk vm1, v3  }
0x139: {  	v2 =	vld.idx.msk [tilespmem:v58+s5+$0x0], $0xffff  }
0x13a: {  	v60 =	vld.idx.msk [tilespmem:v58+s6+$0x0], $0xffff;
	_ =	sdelay $0x1  }
0x13b: {  	s31 =	sadd.s32 $0x218, s11  }
0x13c: {  	v61 =	vor.u32 s31, v1  }
0x13d: {  	v3 =	vadd.s32 $0xFFFFFFFF, v3  }
0x13e: {  	[tilespmem:s14+$0xFFFFFC70] =	vst v3;
	v2 =	vsel vm0, v2, v60  }
0x13f: {  	[tilespmem:s13+$0xFFFFFC70] =	vst v2;
	v2 =	vor.u32 v0, v58  }
0x140: {  	[tilespmem:s12+$0xFFFFFC70] =	vst v2  }
0x141: {  	v2 =	vld.idx.msk [tilespmem:v61+s3+$0x0], $0xffff  }
0x142: {  	v3 =	vld.idx.msk [tilespmem:v61+s4+$0x0], $0xffff;
	_ =	sdelay $0x4  }
0x143: {  	v2 =	vsel vm0, v2, v3  }
0x144: {  	(xrf1) =	vunique.msk.u32 $0xffff, v2;
	_ =	sdelay $0xd  }
0x145: {  	v62 =	vld.idx.msk [tilespmem:v2+s16+$0x0], $0xffff;
	_, v3, vm1 =	vpop (xrf1);
	_ =	sdelay $0x4  }
0x146: {  	v3 =	vadd.s32 v62, v3  }
0x147: {  	[tilespmem:v2+s16+$0x0] =	vst.idx.msk vm1, v3  }
0x148: {  	v2 =	vld.idx.msk [tilespmem:v61+s5+$0x0], $0xffff  }
0x149: {  	v63 =	vld.idx.msk [tilespmem:v61+s6+$0x0], $0xffff;
	_ =	sdelay $0x1  }
0x14a: {  	p1 =	sne.s32 s11, $0x1E0  }
.Ltmp0:
0x14b: {  	_ = 	snop;
	(pc) =	sbr.rel @p1 .LBB2_1-.Ltmp0, $4  }
0x14c: {  	v3 =	vadd.s32 $0xFFFFFFFF, v3  }
0x14d: {  	[tilespmem:s14+$0x70] =	vst v3;
	v2 =	vsel vm0, v2, v63  }
0x14e: {  	s11 =	sadd.s32 $0x40, s11;
	[tilespmem:s13+$0x70] =	vst v2;
	v2 =	vor.u32 v0, v61  }
0x14f: {  	s14 =	sadd.s32 $0x80, s14;
	s13 =	sadd.s32 $0x80, s13;
	[tilespmem:s12+$0x70] =	vst v2;
	s12 =	sadd.s32 $0x80, s12  }
0x150: {  	s3 =	simm.s32 $0x80;
	s4 =	simm.s32 $0x2180;
	s5 =	simm.s32 $0x2980  }
0x151: {  	[spmem:s2] =	stream.indirect.scatter [tilespmem:s5], [sflag:$0x1], $0x1, s4, s3, $0xb8;
	[tilespmem:$0x5980] =	vst v63  }
0x152: {  	s23 =	simm.s32 $0x3180  }
0x153: {  	[spmem:s1] =	stream.indirect.scatter [tilespmem:s23], [sflag:$0x1], $0x1, s4, s3, $0xb8;
	[tilespmem:$0x5980] =	vst v63  }
0x154: {  	s24 =	simm.s32 $0x2200;
	s25 =	simm.s32 $0x2A00  }
0x155: {  	[spmem:s2] =	stream.indirect.scatter [tilespmem:s25], [sflag:$0x1], $0x1, s24, s3, $0xb8;
	[tilespmem:$0x5980] =	vst v63  }
0x156: {  	s26 =	simm.s32 $0x3200  }
0x157: {  	[spmem:s1] =	stream.indirect.scatter [tilespmem:s26], [sflag:$0x1], $0x1, s24, s3, $0xb8;
	[tilespmem:$0x5980] =	vst v63  }
0x158: {  	s28 =	simm.s32 $0x2280;
	s29 =	simm.s32 $0x2A80  }
0x159: {  	[spmem:s2] =	stream.indirect.scatter [tilespmem:s29], [sflag:$0x1], $0x1, s28, s3, $0xb8;
	[tilespmem:$0x5980] =	vst v63  }
0x15a: {  	s30 =	simm.s32 $0x3280  }
0x15b: {  	[spmem:s1] =	stream.indirect.scatter [tilespmem:s30], [sflag:$0x1], $0x1, s28, s3, $0xb8;
	[tilespmem:$0x5980] =	vst v63  }
0x15c: {  	s31 =	simm.s32 $0x2300;
	s6 =	simm.s32 $0x2B00  }
0x15d: {  	[spmem:s2] =	stream.indirect.scatter [tilespmem:s6], [sflag:$0x1], $0x1, s31, s3, $0xb8;
	[tilespmem:$0x5980] =	vst v63  }
0x15e: {  	s11 =	simm.s32 $0x3300  }
0x15f: {  	[spmem:s1] =	stream.indirect.scatter [tilespmem:s11], [sflag:$0x1], $0x1, s31, s3, $0xb8;
	[tilespmem:$0x5980] =	vst v63  }
0x160: {  	s12 =	simm.s32 $0x2380;
	s13 =	simm.s32 $0x2B80  }
0x161: {  	[spmem:s2] =	stream.indirect.scatter [tilespmem:s13], [sflag:$0x1], $0x1, s12, s3, $0xb8;
	[tilespmem:$0x5980] =	vst v63  }
0x162: {  	s14 =	simm.s32 $0x3380  }
0x163: {  	[spmem:s1] =	stream.indirect.scatter [tilespmem:s14], [sflag:$0x1], $0x1, s12, s3, $0xb8;
	[tilespmem:$0x5980] =	vst v63  }
0x164: {  	s15 =	simm.s32 $0x2400;
	s16 =	simm.s32 $0x2C00  }
0x165: {  	[spmem:s2] =	stream.indirect.scatter [tilespmem:s16], [sflag:$0x1], $0x1, s15, s3, $0xb8;
	[tilespmem:$0x5980] =	vst v63  }
0x166: {  	s17 =	simm.s32 $0x3400  }
0x167: {  	[spmem:s1] =	stream.indirect.scatter [tilespmem:s17], [sflag:$0x1], $0x1, s15, s3, $0xb8;
	[tilespmem:$0x5980] =	vst v63  }
0x168: {  	s18 =	simm.s32 $0x2480;
	s19 =	simm.s32 $0x2C80  }
0x169: {  	[spmem:s2] =	stream.indirect.scatter [tilespmem:s19], [sflag:$0x1], $0x1, s18, s3, $0xb8;
	[tilespmem:$0x5980] =	vst v63  }
0x16a: {  	s20 =	simm.s32 $0x3480  }
0x16b: {  	[spmem:s1] =	stream.indirect.scatter [tilespmem:s20], [sflag:$0x1], $0x1, s18, s3, $0xb8;
	[tilespmem:$0x5980] =	vst v63  }
0x16c: {  	s21 =	simm.s32 $0x2500;
	s22 =	simm.s32 $0x2D00  }
0x16d: {  	[spmem:s2] =	stream.indirect.scatter [tilespmem:s22], [sflag:$0x1], $0x1, s21, s3, $0xb8;
	[tilespmem:$0x5980] =	vst v63  }
0x16e: {  	s23 =	simm.s32 $0x3500  }
0x16f: {  	[spmem:s1] =	stream.indirect.scatter [tilespmem:s23], [sflag:$0x1], $0x1, s21, s3, $0xb8;
	[tilespmem:$0x5980] =	vst v63  }
0x170: {  	s25 =	simm.s32 $0x2D80;
	s24 =	simm.s32 $0x2580  }
0x171: {  	[spmem:s2] =	stream.indirect.scatter [tilespmem:s25], [sflag:$0x1], $0x1, s24, s3, $0xb8;
	[tilespmem:$0x5980] =	vst v63  }
0x172: {  	s26 =	simm.s32 $0x3580  }
0x173: {  	[spmem:s1] =	stream.indirect.scatter [tilespmem:s26], [sflag:$0x1], $0x1, s24, s3, $0xb8;
	[tilespmem:$0x5980] =	vst v63  }
0x174: {  	s29 =	simm.s32 $0x2E00;
	s28 =	simm.s32 $0x2600  }
0x175: {  	[spmem:s2] =	stream.indirect.scatter [tilespmem:s29], [sflag:$0x1], $0x1, s28, s3, $0xb8;
	[tilespmem:$0x5980] =	vst v63  }
0x176: {  	s30 =	simm.s32 $0x3600  }
0x177: {  	[spmem:s1] =	stream.indirect.scatter [tilespmem:s30], [sflag:$0x1], $0x1, s28, s3, $0xb8;
	[tilespmem:$0x5980] =	vst v63  }
0x178: {  	s6 =	simm.s32 $0x2E80;
	s31 =	simm.s32 $0x2680  }
0x179: {  	[spmem:s2] =	stream.indirect.scatter [tilespmem:s6], [sflag:$0x1], $0x1, s31, s3, $0xb8;
	[tilespmem:$0x5980] =	vst v63  }
0x17a: {  	s11 =	simm.s32 $0x3680  }
0x17b: {  	[spmem:s1] =	stream.indirect.scatter [tilespmem:s11], [sflag:$0x1], $0x1, s31, s3, $0xb8;
	[tilespmem:$0x5980] =	vst v63  }
0x17c: {  	s13 =	simm.s32 $0x2F00;
	s12 =	simm.s32 $0x2700  }
0x17d: {  	[spmem:s2] =	stream.indirect.scatter [tilespmem:s13], [sflag:$0x1], $0x1, s12, s3, $0xb8;
	[tilespmem:$0x5980] =	vst v63  }
0x17e: {  	s14 =	simm.s32 $0x3700  }
0x17f: {  	[spmem:s1] =	stream.indirect.scatter [tilespmem:s14], [sflag:$0x1], $0x1, s12, s3, $0xb8;
	[tilespmem:$0x5980] =	vst v63  }
0x180: {  	s16 =	simm.s32 $0x2F80;
	s15 =	simm.s32 $0x2780  }
0x181: {  	[spmem:s2] =	stream.indirect.scatter [tilespmem:s16], [sflag:$0x1], $0x1, s15, s3, $0xb8;
	[tilespmem:$0x5980] =	vst v63  }
0x182: {  	s17 =	simm.s32 $0x3780  }
0x183: {  	[spmem:s1] =	stream.indirect.scatter [tilespmem:s17], [sflag:$0x1], $0x1, s15, s3, $0xb8;
	[tilespmem:$0x5980] =	vst v63  }
0x184: {  	s19 =	simm.s32 $0x3000;
	s18 =	simm.s32 $0x2800  }
0x185: {  	[spmem:s2] =	stream.indirect.scatter [tilespmem:s19], [sflag:$0x1], $0x1, s18, s3, $0xb8;
	[tilespmem:$0x5980] =	vst v63  }
0x186: {  	s20 =	simm.s32 $0x3800  }
0x187: {  	[spmem:s1] =	stream.indirect.scatter [tilespmem:s20], [sflag:$0x1], $0x1, s18, s3, $0xb8;
	[tilespmem:$0x5980] =	vst v63  }
0x188: {  	s22 =	simm.s32 $0x3080;
	s21 =	simm.s32 $0x2880  }
0x189: {  	[spmem:s2] =	stream.indirect.scatter [tilespmem:s22], [sflag:$0x1], $0x1, s21, s3, $0xb8;
	[tilespmem:$0x5980] =	vst v63  }
0x18a: {  	s23 =	simm.s32 $0x3880  }
0x18b: {  	[spmem:s1] =	stream.indirect.scatter [tilespmem:s23], [sflag:$0x1], $0x1, s21, s3, $0xb8;
	[tilespmem:$0x5980] =	vst v63  }
0x18c: {  	s25 =	simm.s32 $0x3100;
	s24 =	simm.s32 $0x2900  }
0x18d: {  	[spmem:s2] =	stream.indirect.scatter [tilespmem:s25], [sflag:$0x1], $0x1, s24, s3, $0xb8;
	[tilespmem:$0x5980] =	vst v63  }
0x18e: {  	s26 =	simm.s32 $0x3900;
	s28 =	simm.s32 $0x1  }
0x18f: {  	[spmem:s1] =	stream.indirect.scatter [tilespmem:s26], [sflag:$0x1], $0x1, s24, s3, $0xb8;
	[tilespmem:$0x5980] =	vst v63  }
0x190: {  	_ =	swait.ge [sflag:s28], $0x80  }
0x191: {  	[sflag:s28] =	ssyncset.done $0x0  }
0x192: {  	[sflag:s28] =	ssyncadd.s32 $0xFFFFFF80  }
0x193: {  	_ =	swait.ge [sflag:s28], $0x80  }
0x194: {  	[sflag:s28] =	ssyncset.done $0x0  }
0x195: {  	[sflag:s28] =	ssyncadd.s32 $0xFFFFFF80  }
0x196: {  	_ =	swait.ge [sflag:s28], $0x80  }
0x197: {  	[sflag:s28] =	ssyncset.done $0x0  }
0x198: {  	[sflag:s28] =	ssyncadd.s32 $0xFFFFFF80  }
0x199: {  	_ =	swait.ge [sflag:s28], $0x80  }
0x19a: {  	[sflag:s28] =	ssyncset.done $0x0  }
0x19b: {  	[sflag:s28] =	ssyncadd.s32 $0xFFFFFF80  }
0x19c: {  	_ =	swait.ge [sflag:s28], $0x80  }
0x19d: {  	[sflag:s28] =	ssyncset.done $0x0  }
0x19e: {  	[sflag:s28] =	ssyncadd.s32 $0xFFFFFF80  }
0x19f: {  	_ =	swait.ge [sflag:s28], $0x80  }
0x1a0: {  	[sflag:s28] =	ssyncset.done $0x0  }
0x1a1: {  	[sflag:s28] =	ssyncadd.s32 $0xFFFFFF80  }
0x1a2: {  	_ =	swait.ge [sflag:s28], $0x80  }
0x1a3: {  	[sflag:s28] =	ssyncset.done $0x0  }
0x1a4: {  	[sflag:s28] =	ssyncadd.s32 $0xFFFFFF80  }
0x1a5: {  	_ =	swait.ge [sflag:s28], $0x80  }
0x1a6: {  	[sflag:s28] =	ssyncset.done $0x0  }
0x1a7: {  	[sflag:s28] =	ssyncadd.s32 $0xFFFFFF80  }
0x1a8: {  	_ =	swait.ge [sflag:s28], $0x80  }
0x1a9: {  	[sflag:s28] =	ssyncset.done $0x0  }
0x1aa: {  	[sflag:s28] =	ssyncadd.s32 $0xFFFFFF80  }
0x1ab: {  	_ =	swait.ge [sflag:s28], $0x80  }
0x1ac: {  	[sflag:s28] =	ssyncset.done $0x0  }
0x1ad: {  	[sflag:s28] =	ssyncadd.s32 $0xFFFFFF80  }
0x1ae: {  	_ =	swait.ge [sflag:s28], $0x80  }
0x1af: {  	[sflag:s28] =	ssyncset.done $0x0  }
0x1b0: {  	[sflag:s28] =	ssyncadd.s32 $0xFFFFFF80  }
0x1b1: {  	_ =	swait.ge [sflag:s28], $0x80  }
0x1b2: {  	[sflag:s28] =	ssyncset.done $0x0  }
0x1b3: {  	[sflag:s28] =	ssyncadd.s32 $0xFFFFFF80  }
0x1b4: {  	_ =	swait.ge [sflag:s28], $0x80  }
0x1b5: {  	[sflag:s28] =	ssyncset.done $0x0  }
0x1b6: {  	[sflag:s28] =	ssyncadd.s32 $0xFFFFFF80  }
0x1b7: {  	_ =	swait.ge [sflag:s28], $0x80  }
0x1b8: {  	[sflag:s28] =	ssyncset.done $0x0  }
0x1b9: {  	[sflag:s28] =	ssyncadd.s32 $0xFFFFFF80  }
0x1ba: {  	_ =	swait.ge [sflag:s28], $0x80  }
0x1bb: {  	[sflag:s28] =	ssyncset.done $0x0  }
0x1bc: {  	[sflag:s28] =	ssyncadd.s32 $0xFFFFFF80  }
0x1bd: {  	_ =	swait.ge [sflag:s28], $0x80  }
0x1be: {  	[sflag:s28] =	ssyncset.done $0x0  }
0x1bf: {  	[sflag:s28] =	ssyncadd.s32 $0xFFFFFF80  }
0x1c0: {  	_ =	swait.ge [sflag:s28], $0x80  }
0x1c1: {  	[sflag:s28] =	ssyncset.done $0x0  }
0x1c2: {  	[sflag:s28] =	ssyncadd.s32 $0xFFFFFF80  }
0x1c3: {  	_ =	swait.ge [sflag:s28], $0x80  }
0x1c4: {  	[sflag:s28] =	ssyncset.done $0x0  }
0x1c5: {  	[sflag:s28] =	ssyncadd.s32 $0xFFFFFF80  }
0x1c6: {  	_ =	swait.ge [sflag:s28], $0x80  }
0x1c7: {  	[sflag:s28] =	ssyncset.done $0x0  }
0x1c8: {  	[sflag:s28] =	ssyncadd.s32 $0xFFFFFF80  }
0x1c9: {  	_ =	swait.ge [sflag:s28], $0x80  }
0x1ca: {  	[sflag:s28] =	ssyncset.done $0x0  }
0x1cb: {  	[sflag:s28] =	ssyncadd.s32 $0xFFFFFF80  }
0x1cc: {  	_ =	swait.ge [sflag:s28], $0x80  }
0x1cd: {  	[sflag:s28] =	ssyncset.done $0x0  }
0x1ce: {  	[sflag:s28] =	ssyncadd.s32 $0xFFFFFF80  }
0x1cf: {  	_ =	swait.ge [sflag:s28], $0x80  }
0x1d0: {  	[sflag:s28] =	ssyncset.done $0x0  }
0x1d1: {  	[sflag:s28] =	ssyncadd.s32 $0xFFFFFF80  }
0x1d2: {  	_ =	swait.ge [sflag:s28], $0x80  }
0x1d3: {  	[sflag:s28] =	ssyncset.done $0x0  }
0x1d4: {  	[sflag:s28] =	ssyncadd.s32 $0xFFFFFF80  }
0x1d5: {  	_ =	swait.ge [sflag:s28], $0x80  }
0x1d6: {  	[sflag:s28] =	ssyncset.done $0x0  }
0x1d7: {  	[sflag:s28] =	ssyncadd.s32 $0xFFFFFF80  }
0x1d8: {  	_ =	swait.ge [sflag:s28], $0x80  }
0x1d9: {  	[sflag:s28] =	ssyncset.done $0x0  }
0x1da: {  	[sflag:s28] =	ssyncadd.s32 $0xFFFFFF80  }
0x1db: {  	_ =	swait.ge [sflag:s28], $0x80  }
0x1dc: {  	[sflag:s28] =	ssyncset.done $0x0  }
0x1dd: {  	[sflag:s28] =	ssyncadd.s32 $0xFFFFFF80  }
0x1de: {  	_ =	swait.ge [sflag:s28], $0x80  }
0x1df: {  	[sflag:s28] =	ssyncset.done $0x0  }
0x1e0: {  	[sflag:s28] =	ssyncadd.s32 $0xFFFFFF80  }
0x1e1: {  	_ =	swait.ge [sflag:s28], $0x80  }
0x1e2: {  	[sflag:s28] =	ssyncset.done $0x0  }
0x1e3: {  	[sflag:s28] =	ssyncadd.s32 $0xFFFFFF80  }
0x1e4: {  	_ =	swait.ge [sflag:s28], $0x80  }
0x1e5: {  	[sflag:s28] =	ssyncset.done $0x0  }
0x1e6: {  	[sflag:s28] =	ssyncadd.s32 $0xFFFFFF80  }
0x1e7: {  	_ =	swait.ge [sflag:s28], $0x80  }
0x1e8: {  	[sflag:s28] =	ssyncset.done $0x0  }
0x1e9: {  	[sflag:s28] =	ssyncadd.s32 $0xFFFFFF80  }
0x1ea: {  	_ =	swait.ge [sflag:s28], $0x80  }
0x1eb: {  	[sflag:s28] =	ssyncset.done $0x0  }
0x1ec: {  	[sflag:s28] =	ssyncadd.s32 $0xFFFFFF80  }
0x1ed: {  	_ =	swait.ge [sflag:s28], $0x80  }
0x1ee: {  	[sflag:s28] =	ssyncset.done $0x0  }
0x1ef: {  	[sflag:s28] =	ssyncadd.s32 $0xFFFFFF80  }
0x1f0: {  	s29 =	simm.s32 $0x4980;
	[bflag:$0x0] =	sbarrier.arrive $0xFFFF  }
0x1f1: {  	[tilespmem:s29], [sflag:$0x1] =	stream.linear.gather [spmem:s9], $0x800, $0x38;
	[tilespmem:$0x5980] =	vst v63  }
0x1f2: {  	s30 =	simm.s32 $0x5180  }
0x1f3: {  	[tilespmem:s30], [sflag:$0x1] =	stream.linear.gather [spmem:s10], $0x800, $0x38;
	[tilespmem:$0x5980] =	vst v63  }
0x1f4: {  	_ =	swait.ge [sflag:s28], $0x800  }
0x1f5: {  	[sflag:s28] =	ssyncset.done $0x0  }
0x1f6: {  	[sflag:s28] =	ssyncadd.s32 $0xFFFFF800  }
0x1f7: {  	_ =	swait.ge [sflag:s28], $0x800  }
0x1f8: {  	[sflag:s28] =	ssyncset.done $0x0  }
0x1f9: {  	s31 =	simm.s32 $0x0;
	[sflag:s28] =	ssyncadd.s32 $0xFFFFF800  }
0x1fa: {  	[hbm4b:s7+s31] =	stream.linear.scatter [tilespmem:s29], [sflag:$0x1], $0x800, $0x38;
	[tilespmem:$0x5980] =	vst v63  }
0x1fb: {  	_ = 	snop  }
0x1fc: {  	[hbm4b:s8+s31] =	stream.linear.scatter [tilespmem:s30], [sflag:$0x1], $0x800, $0x38;
	[tilespmem:$0x5980] =	vst v63  }
0x1fd: {  	_ =	swait.ge [sflag:s28], $0x800  }
0x1fe: {  	[sflag:s28] =	ssyncset.done $0x0  }
0x1ff: {  	[sflag:s28] =	ssyncadd.s32 $0xFFFFF800  }
0x200: {  	_ =	swait.ge [sflag:s28], $0x800  }
0x201: {  	[sflag:s28] =	ssyncset.done $0x0  }
0x202: {  	[sflag:s28] =	ssyncadd.s32 $0xFFFFF800  }
0x203: {  	_ =	sfence.sel $0x180000  }
0x204: {  	[bflag:$0x0] =	sbarrier.arrive $0xFFFF  }
0x205: {  	_ =	strace $0x90000047  }
0x206: {  	s0 =	sadd.s32 @!p0 $0x100000, s0;
	[bflag:$0x2] =	sbarrier.arrive $0xFFFF  }
0x207: {  	[sflag:s0] =	ssyncadd.tile.s32 @!p0 $0x1;
	_ =	shalt  }
.Lfunc_end2:
_tile_overlayer_lowered:
.L_overlay_start_2:
0x208: {  	(tag) =	ssettag $0x2  }
0x209: {  	s0 =	rddreg [dreg:$0x0];
	s2 =	stileid.u32  }
0x20a: {  	s1 =	rddreg [dreg:$0x1];
	p0 =	sne.s32 s2, $0x0  }
0x20b: {  	s3 =	rddreg [dreg:$0x2];
	[bflag:$0x3] =	sbarrier.arrive $0xFFFF;
	s2 =	simm.s32 @!p0 $0x1C02  }
0x20c: {  	[timem:s3], [sflag:s2] =	dma.local @!p0 [hbm:s0], s1  }
0x20d: {  	s0 =	simm.s32 @!p0 $0x2  }
0x20e: {  	_ =	swait.ge @!p0 [sflag:s0], s1  }
0x20f: {  	s1 =	ssub.s32 @!p0 $0x0, s1;
	[sflag:s0] =	ssyncset.done @!p0 $0x0  }
0x210: {  	[sflag:s0] =	ssyncadd.s32 @!p0 s1  }
0x211: {  	[bflag:$0x3] =	sbarrier.arrive $0xFFFF  }
0x212: {  	_ =	shalt  }

</sc_bundles>
